<compile_context>
chip_gen: v7x
topology: tpu7x:2x2x1
jax: 0.10.2.dev20260603
libtpu: 0.0.44.dev20260713+nightly
codegen_flags: <defaults>
</compile_context>

<pallas_src>
import jax
import jax.numpy as jnp
import numpy as np
from jax import lax
from jax.experimental import pallas as pl
from jax.experimental.pallas import tpu as pltpu
from jax.experimental.pallas import tpu_sc as plsc

N = 10000
E = 320000
H = 128
NH = 8
HD = 16
EF = 16
NCLS = 4

NW = 32
C = 32
EP = 327680
NCHUNK = EP // (NW * C)
C2 = 2000
NCHUNK2 = E // (NW * C2)
ACC_W = 136
NP = 10240
NBLK = 400
CBLK = 80
EBLK = 1024


def _nodes_body(x_ref, wn, bn, wq, bq, wk, bk, wv, bv, ws, bs,
                q_out, kv_out, xs_out):
    x = jnp.dot(x_ref[...], wn[...], preferred_element_type=jnp.float32) + bn[...]
    q = (jnp.dot(x, wq[...], preferred_element_type=jnp.float32) + bq[...]) * 0.25
    k = jnp.dot(x, wk[...], preferred_element_type=jnp.float32) + bk[...]
    v = jnp.dot(x, wv[...], preferred_element_type=jnp.float32) + bv[...]
    q_out[...] = q
    kv_out[...] = jnp.concatenate([k, v], axis=-1)
    xs_out[...] = jnp.dot(x, ws[...], preferred_element_type=jnp.float32) + bs[...]


def _edge_enc_body(ea_ref, ead_ref, we, be, e_out):
    d = ead_ref[...] - ea_ref[...]
    e_out[...] = jnp.dot(d, we[...], preferred_element_type=jnp.float32) + be[...]


def _combine_body(p0, p1, xs_ref, s_ref, wc_ref, bch_ref, y_out):
    num = p0[:, :128] + p1[:, :128]
    den = p0[:, 128:136] + p1[:, 128:136]
    den128 = jnp.dot(den, s_ref[...], preferred_element_type=jnp.float32)
    xt = num / (den128 + 1e-16) + xs_ref[...]
    y_out[...] = jnp.dot(xt, wc_ref[...], preferred_element_type=jnp.float32) + bch_ref[...]


def _attn_sc_body(sd_hbm, e_hbm, q_hbm, kv_hbm, z_hbm, out_hbm,
                  sdv0, sdv1, ev0, ev1, qv0, qv1, kvv0, kvv1, contrib, acc,
                  sem0, sem1):
    cid = lax.axis_index("c")
    sid = lax.axis_index("s")
    wid = cid * 16 + sid
    rows_per_tile = NP // 16
    row0 = sid * rows_per_tile
    lane = lax.iota(jnp.int32, 16)
    zeros_i = jnp.zeros((16,), jnp.int32)
    zeros_f = jnp.zeros((16,), jnp.float32)
    sdvs = (sdv0, sdv1)
    evb = (ev0, ev1)
    qvb = (qv0, qv1)
    kvvb = (kvv0, kvv1)
    sems = (sem0, sem1)
    c0 = wid * NCHUNK

    def _issue(ci, p):
        base = ci * C
        pltpu.sync_copy(sd_hbm.at[ci], sdvs[p])
        pltpu.async_copy(e_hbm.at[pl.ds(base, C)], evb[p], sems[p])
        pltpu.async_copy(q_hbm.at[sdvs[p].at[1]], qvb[p], sems[p])
        pltpu.async_copy(kv_hbm.at[sdvs[p].at[0]], kvvb[p], sems[p])

    def _drain(p):
        pltpu.make_async_copy(e_hbm.at[pl.ds(0, C)], evb[p], sems[p]).wait()
        pltpu.make_async_copy(e_hbm.at[pl.ds(0, C)], qvb[p], sems[p]).wait()
        pltpu.make_async_copy(kv_hbm.at[pl.ds(0, C)], kvvb[p], sems[p]).wait()

    _issue(c0, 0)
    pltpu.sync_copy(z_hbm, acc.at[pl.ds(row0, rows_per_tile)])
    plsc.subcore_barrier()

    def _pair(u, carry):
        for p in range(2):
            t = u * 2 + p
            base = (c0 + t) * C
            _drain(p)
            tn = lax.rem(t + 1, NCHUNK)
            _issue(c0 + tn, 1 - p)
            qv = qvb[p]
            kvv = kvvb[p]
            ev = evb[p]

            @plsc.parallel_loop(0, C, unroll=4)
            def _edge(j):
                eok = (base + j) < E
                exbs = []
                evs = []
                dv = zeros_f
                for h in range(NH):
                    sl = pl.ds(h * HD, HD)
                    qh = qv[j, sl]
                    kh = kvv[j, sl]
                    eh = ev[j, sl]
                    evs.append(eh)
                    s = jnp.sum(qh * (kh + eh))
                    eb = jnp.exp(s + zeros_f)
                    eb = jnp.where(eok, eb, 0.0)
                    exbs.append(eb)
                    dv = jnp.where(lane == h, eb, dv)
                for h in range(NH):
                    vh = kvv[j, pl.ds(128 + h * HD, HD)]
                    contrib[j, pl.ds(h * HD, HD)] = exbs[h] * (vh + evs[h])
                plsc.store_scatter(contrib, [j + zeros_i, 128 + lane], dv,
                                   mask=lane < 8)

            pltpu.sync_copy(contrib, acc.at[sdvs[p].at[1]], add=True)
        return carry

    lax.fori_loop(0, NCHUNK // 2, _pair, 0)
    _drain(0)
    plsc.subcore_barrier()
    pltpu.sync_copy(acc.at[pl.ds(row0, rows_per_tile)],
                    out_hbm.at[pl.ds(cid * NP + row0, rows_per_tile)])


def _edge_head_sc_body(src_hbm, dst_hbm, y_hbm, out_hbm, yv, srcv, dstv, outv):
    cid = lax.axis_index("c")
    sid = lax.axis_index("s")
    wid = sid * 2 + cid
    lane = lax.iota(jnp.int32, 16)
    pltpu.sync_copy(y_hbm, yv)

    def _chunk(t, carry):
        base = (wid * NCHUNK2 + t) * C2
        pltpu.sync_copy(src_hbm.at[pl.ds(base, C2)], srcv)
        pltpu.sync_copy(dst_hbm.at[pl.ds(base, C2)], dstv)

        def _group(g, gcarry):
            sv = srcv[pl.ds(g * 16, 16)]
            dv = dstv[pl.ds(g * 16, 16)]
            for cc in range(NCLS):
                a = plsc.load_gather(yv, [sv * 8 + cc])
                b = plsc.load_gather(yv, [dv * 8 + cc])
                oidx = (g * 16 + lane) * 4 + cc
                plsc.store_scatter(outv, [oidx], a + b)
            return gcarry

        lax.fori_loop(0, C2 // 16, _group, 0)
        pltpu.sync_copy(outv, out_hbm.at[pl.ds(base * 4, C2 * 4)])
        return carry

    lax.fori_loop(0, NCHUNK2, _chunk, 0)


_S_MAT = np.zeros((NH, H), np.float32)
for _h in range(NH):
    _S_MAT[_h, _h * HD:(_h + 1) * HD] = 1.0


def kernel(x_t, x_t_dt, edge_attr_t, edge_attr_t_dt, edge_index,
           Wn, bn, We, be, Wq, bq, Wk, bk, Wv, bv, Wskip, bskip, Wc, bc):
    f32 = jnp.float32
    src = jnp.pad(edge_index[0], (0, EP - E))
    dst = jnp.pad(edge_index[1], (0, EP - E))

    wspec = pl.BlockSpec((H, H), lambda i: (0, 0))
    bspec = pl.BlockSpec((1, H), lambda i: (0, 0))
    nspec = pl.BlockSpec((NBLK, H), lambda i: (i, 0))

    q, kv, xskip = pl.pallas_call(
        _nodes_body,
        grid=(N // NBLK,),
        in_specs=[nspec, wspec, bspec, wspec, bspec, wspec, bspec,
                  wspec, bspec, wspec, bspec],
        out_specs=[nspec, pl.BlockSpec((NBLK, 2 * H), lambda i: (i, 0)), nspec],
        out_shape=[jax.ShapeDtypeStruct((N, H), f32),
                   jax.ShapeDtypeStruct((N, 2 * H), f32),
                   jax.ShapeDtypeStruct((N, H), f32)],
    )(x_t, Wn, bn.reshape(1, H), Wq, bq.reshape(1, H), Wk, bk.reshape(1, H),
      Wv, bv.reshape(1, H), Wskip, bskip.reshape(1, H))

    last_blk = (E - 1) // EBLK
    e = pl.pallas_call(
        _edge_enc_body,
        grid=(EP // EBLK,),
        in_specs=[pl.BlockSpec((EBLK, EF), lambda i: (jnp.minimum(i, last_blk), 0)),
                  pl.BlockSpec((EBLK, EF), lambda i: (jnp.minimum(i, last_blk), 0)),
                  pl.BlockSpec((EF, H), lambda i: (0, 0)),
                  pl.BlockSpec((1, H), lambda i: (0, 0))],
        out_specs=pl.BlockSpec((EBLK, H), lambda i: (i, 0)),
        out_shape=jax.ShapeDtypeStruct((EP, H), f32),
    )(edge_attr_t, edge_attr_t_dt, We, be.reshape(1, H))

    zeros_acc = jnp.zeros((NP // 16, ACC_W), f32)
    sd = jnp.concatenate([src.reshape(EP // C, 1, C), dst.reshape(EP // C, 1, C)],
                         axis=1)
    mesh = plsc.VectorSubcoreMesh(core_axis_name="c", subcore_axis_name="s",
                                  num_cores=2, num_subcores=16)
    parts = pl.kernel(
        _attn_sc_body,
        out_type=jax.ShapeDtypeStruct((2 * NP, ACC_W), f32),
        mesh=mesh,
        compiler_params=pltpu.CompilerParams(use_tc_tiling_on_sc=False, needs_layout_passes=False),
        scratch_types=[
            pltpu.VMEM((2, C), jnp.int32),
            pltpu.VMEM((2, C), jnp.int32),
            pltpu.VMEM((C, H), f32),
            pltpu.VMEM((C, H), f32),
            pltpu.VMEM((C, H), f32),
            pltpu.VMEM((C, H), f32),
            pltpu.VMEM((C, 2 * H), f32),
            pltpu.VMEM((C, 2 * H), f32),
            pltpu.VMEM((C, ACC_W), f32),
            pltpu.VMEM_SHARED((NP, ACC_W), f32),
            pltpu.SemaphoreType.DMA,
            pltpu.SemaphoreType.DMA,
        ],
    )(sd, e, q, kv, zeros_acc)

    wc_p = jnp.pad(Wc, ((0, 0), (0, H - NCLS)))
    bch = (jnp.pad(bc, (0, H - NCLS)) * 0.5).reshape(1, H)
    y = pl.pallas_call(
        _combine_body,
        grid=(N // CBLK,),
        in_specs=[pl.BlockSpec((CBLK, ACC_W), lambda i: (i, 0)),
                  pl.BlockSpec((CBLK, ACC_W), lambda i: (i + NP // CBLK, 0)),
                  pl.BlockSpec((CBLK, H), lambda i: (i, 0)),
                  pl.BlockSpec((NH, H), lambda i: (0, 0)),
                  wspec,
                  pl.BlockSpec((1, H), lambda i: (0, 0))],
        out_specs=pl.BlockSpec((CBLK, H), lambda i: (i, 0)),
        out_shape=jax.ShapeDtypeStruct((N, H), f32),
    )(parts, parts, xskip, jnp.asarray(_S_MAT), wc_p, bch)

    out_flat = pl.kernel(
        _edge_head_sc_body,
        out_type=jax.ShapeDtypeStruct((E * 4,), f32),
        mesh=mesh,
        compiler_params=pltpu.CompilerParams(use_tc_tiling_on_sc=False, needs_layout_passes=False),
        scratch_types=[
            pltpu.VMEM((N * 8,), f32),
            pltpu.VMEM((C2,), jnp.int32),
            pltpu.VMEM((C2,), jnp.int32),
            pltpu.VMEM((C2 * 4,), f32),
        ],
    )(src, dst, y[:, :8].reshape(-1))

    return out_flat.reshape(E, NCLS)

# --- scband reference (transcript-rebuilt; emitter-appended) ---
"""Pipeline reference for scband-diff-graphormer-11029476016660 (READ-ONLY COPY).

The authoritative reference and input builder live on the scoring server;
editing this copy changes nothing except your own understanding.
"""

import jax, jax.numpy as jnp
import numpy as np

N = 10000
E = 320000
IN = 128
H = 128
NH = 8
HD = H // NH
EF = 16
NC = 4


def setup_inputs(seed: int = 0) -> dict:
    key = jax.random.key(seed)
    ks = jax.random.split(key, 16)
    def w(k, shape, fan_in):
        return jax.random.normal(k, shape, jnp.float32) / np.sqrt(fan_in)
    return {
        "x_t": jax.random.normal(ks[0], (N, IN), jnp.float32),
        "x_t_dt": jax.random.normal(ks[1], (N, IN), jnp.float32),
        "edge_attr_t": jax.random.normal(ks[2], (E, EF), jnp.float32),
        "edge_attr_t_dt": jax.random.normal(ks[3], (E, EF), jnp.float32),
        "edge_index": jax.random.randint(ks[4], (2, E), 0, N, jnp.int32),
        "Wn": w(ks[5], (IN, H), IN), "bn": jnp.zeros((H,), jnp.float32),
        "We": w(ks[6], (EF, H), EF), "be": jnp.zeros((H,), jnp.float32),
        "Wq": w(ks[7], (H, H), H), "bq": jnp.zeros((H,), jnp.float32),
        "Wk": w(ks[8], (H, H), H), "bk": jnp.zeros((H,), jnp.float32),
        "Wv": w(ks[9], (H, H), H), "bv": jnp.zeros((H,), jnp.float32),
        "Wskip": w(ks[10], (H, H), H), "bskip": jnp.zeros((H,), jnp.float32),
        "Wc": w(ks[11], (H, NC), H), "bc": jnp.zeros((NC,), jnp.float32),
    }


def reference(x_t, x_t_dt, edge_attr_t, edge_attr_t_dt, edge_index,
              Wn, bn, We, be, Wq, bq, Wk, bk, Wv, bv, Wskip, bskip, Wc, bc):
    # node encoder
    x = x_t @ Wn + bn
    # edge diff encoder
    edge_diff = edge_attr_t_dt - edge_attr_t
    e = (edge_diff @ We + be).reshape(-1, NH, HD)
    # TransformerConv (PyG semantics, concat=True, root_weight=True)
    q = (x @ Wq + bq).reshape(-1, NH, HD)
    k = (x @ Wk + bk).reshape(-1, NH, HD)
    v = (x @ Wv + bv).reshape(-1, NH, HD)
    src = edge_index[0]
    dst = edge_index[1]
    k_j = k[src] + e
    v_j = v[src] + e
    logits = jnp.sum(q[dst] * k_j, axis=-1) / np.sqrt(HD)  # [E, NH]
    m = jax.ops.segment_max(logits, dst, num_segments=N)
    m = jnp.where(jnp.isfinite(m), m, 0.0)
    ex = jnp.exp(logits - m[dst])
    den = jax.ops.segment_sum(ex, dst, num_segments=N)
    alpha = ex / (den[dst] + 1e-16)
    agg = jax.ops.segment_sum(alpha[..., None] * v_j, dst, num_segments=N)
    x_trans = agg.reshape(-1, H) + (x @ Wskip + bskip)
    # dropout is identity in eval mode
    edge_repr = x_trans[src] + x_trans[dst]
    edge_pred = edge_repr @ Wc + bc
    return edge_pred

if __name__ == "__main__":
    import jax
    _d = setup_inputs()
    print(jax.jit(kernel)(*tuple(_d.values())))

</pallas_src>

<mosaic_0001>
#map = affine_map<(d0, d1) -> (0)>
module attributes {stable_mosaic.version = 14 : i64} {
  func.func @_edge_head_sc_body(%arg0: i32, %arg1: i32, %arg2: memref<327680xi32, #tpu.memory_space<hbm>>, %arg3: memref<327680xi32, #tpu.memory_space<hbm>>, %arg4: memref<80000xf32, #tpu.memory_space<hbm>>, %arg5: memref<1280000xf32, #tpu.memory_space<hbm>>, %arg6: memref<80000xf32, #tpu.memory_space<vmem>>, %arg7: memref<2000xi32, #tpu.memory_space<vmem>>, %arg8: memref<2000xi32, #tpu.memory_space<vmem>>, %arg9: memref<8000xf32, #tpu.memory_space<vmem>>) attributes {dimension_semantics = [#tpu.dimension_semantics<core_parallel>, #tpu.dimension_semantics<subcore_parallel>], iteration_bounds = array<i64: 2, 16>, scalar_prefetch = 0 : i64, scratch_operands = 4 : i64, tpu.core_type = #tpu.core_type<sc_vector_subcore>, window_params = [{transform_indices = #map}, {transform_indices = #map}, {transform_indices = #map}, {transform_indices = #map}]} {
    %mul3A = arith.constant 2 : i32
    %mul3A_0 = arith.muli %arg1, %mul3A : i32
    %add3A = arith.addi %mul3A_0, %arg0 : i32
    %iota3A = tpu.iota {dimensions = array<i32: 0>} : vector<16xi32>
    "tpu.region"() ({
      %run_scoped3A = tpu.sem_alloc : memref<!tpu.dma_semaphore, #tpu.memory_space<semaphore_mem>>
      tpu.enqueue_dma source(%arg4 : memref<80000xf32, #tpu.memory_space<hbm>>) target(%arg6 : memref<80000xf32, #tpu.memory_space<vmem>>) target_semaphore(%run_scoped3A : memref<!tpu.dma_semaphore, #tpu.memory_space<semaphore_mem>>)
      tpu.wait_dma2 semaphore(%run_scoped3A : memref<!tpu.dma_semaphore, #tpu.memory_space<semaphore_mem>>) src(%arg4 : memref<80000xf32, #tpu.memory_space<hbm>>) dst(%arg6 : memref<80000xf32, #tpu.memory_space<vmem>>)
      tpu.yield
    }) : () -> ()
    %scan3A = arith.constant 0 : i32
    %scan3A_1 = arith.constant 0 : i32
    %scan3A_2 = arith.constant 5 : i32
    %scan3A_3 = arith.addi %scan3A_1, %scan3A_2 : i32
    %scan3A_4 = arith.constant 1 : i32
    scf.for %scan3A_6 = %scan3A_1 to %scan3A_3 step %scan3A_4  : i32 {
      %mul3A_7 = arith.constant 5 : i32
      %mul3A_8 = arith.muli %add3A, %mul3A_7 : i32
      %add3A_9 = arith.addi %mul3A_8, %scan3A_6 : i32
      %mul3A_10 = arith.constant 2000 : i32
      %mul3A_11 = arith.muli %add3A_9, %mul3A_10 : i32
      "tpu.region"() ({
        %run_scoped3A = tpu.sem_alloc : memref<!tpu.dma_semaphore, #tpu.memory_space<semaphore_mem>>
        %dma_start3A = tpu.memref_slice %arg2[%mul3A_11] : memref<327680xi32, #tpu.memory_space<hbm>> -> memref<2000xi32, #tpu.memory_space<hbm>>
        %dma_start3A_20 = tpu.memref_slice %arg2[%mul3A_11] : memref<327680xi32, #tpu.memory_space<hbm>> -> memref<2000xi32, #tpu.memory_space<hbm>>
        tpu.enqueue_dma source(%dma_start3A_20 : memref<2000xi32, #tpu.memory_space<hbm>>) target(%arg7 : memref<2000xi32, #tpu.memory_space<vmem>>) target_semaphore(%run_scoped3A : memref<!tpu.dma_semaphore, #tpu.memory_space<semaphore_mem>>)
        %dma_wait3A = tpu.memref_slice %arg2[%mul3A_11] : memref<327680xi32, #tpu.memory_space<hbm>> -> memref<2000xi32, #tpu.memory_space<hbm>>
        %dma_wait3A_21 = tpu.memref_slice %arg2[%mul3A_11] : memref<327680xi32, #tpu.memory_space<hbm>> -> memref<2000xi32, #tpu.memory_space<hbm>>
        tpu.wait_dma2 semaphore(%run_scoped3A : memref<!tpu.dma_semaphore, #tpu.memory_space<semaphore_mem>>) src(%dma_wait3A_21 : memref<2000xi32, #tpu.memory_space<hbm>>) dst(%arg7 : memref<2000xi32, #tpu.memory_space<vmem>>)
        tpu.yield
      }) : () -> ()
      "tpu.region"() ({
        %run_scoped3A = tpu.sem_alloc : memref<!tpu.dma_semaphore, #tpu.memory_space<semaphore_mem>>
        %dma_start3A = tpu.memref_slice %arg3[%mul3A_11] : memref<327680xi32, #tpu.memory_space<hbm>> -> memref<2000xi32, #tpu.memory_space<hbm>>
        %dma_start3A_20 = tpu.memref_slice %arg3[%mul3A_11] : memref<327680xi32, #tpu.memory_space<hbm>> -> memref<2000xi32, #tpu.memory_space<hbm>>
        tpu.enqueue_dma source(%dma_start3A_20 : memref<2000xi32, #tpu.memory_space<hbm>>) target(%arg8 : memref<2000xi32, #tpu.memory_space<vmem>>) target_semaphore(%run_scoped3A : memref<!tpu.dma_semaphore, #tpu.memory_space<semaphore_mem>>)
        %dma_wait3A = tpu.memref_slice %arg3[%mul3A_11] : memref<327680xi32, #tpu.memory_space<hbm>> -> memref<2000xi32, #tpu.memory_space<hbm>>
        %dma_wait3A_21 = tpu.memref_slice %arg3[%mul3A_11] : memref<327680xi32, #tpu.memory_space<hbm>> -> memref<2000xi32, #tpu.memory_space<hbm>>
        tpu.wait_dma2 semaphore(%run_scoped3A : memref<!tpu.dma_semaphore, #tpu.memory_space<semaphore_mem>>) src(%dma_wait3A_21 : memref<2000xi32, #tpu.memory_space<hbm>>) dst(%arg8 : memref<2000xi32, #tpu.memory_space<vmem>>)
        tpu.yield
      }) : () -> ()
      %scan3A_12 = arith.constant 0 : i32
      %scan3A_13 = arith.constant 0 : i32
      %scan3A_14 = arith.constant 125 : i32
      %scan3A_15 = arith.addi %scan3A_13, %scan3A_14 : i32
      %scan3A_16 = arith.constant 1 : i32
      scf.for %scan3A_20 = %scan3A_13 to %scan3A_15 step %scan3A_16  : i32 {
        %mul3A_21 = arith.constant 16 : i32
        %mul3A_22 = arith.muli %scan3A_20, %mul3A_21 : i32
        %get3A = arith.index_cast %mul3A_22 : i32 to index
        %get3A_23 = tpu.vector_load %arg7[%get3A] {strides = array<i32>} : memref<2000xi32, #tpu.memory_space<vmem>>, vector<16xi32>,
        %mul3A_24 = arith.constant 16 : i32
        %mul3A_25 = arith.muli %scan3A_20, %mul3A_24 : i32
        %get3A_26 = arith.index_cast %mul3A_25 : i32 to index
        %get3A_27 = tpu.vector_load %arg8[%get3A_26] {strides = array<i32>} : memref<2000xi32, #tpu.memory_space<vmem>>, vector<16xi32>,
        %mul3A_28 = arith.constant 8 : i32
        %mul3A_29 = vector.broadcast %mul3A_28 : i32 to vector<16xi32>
        %mul3A_30 = arith.muli %get3A_23, %mul3A_29 : vector<16xi32>
        %add3A_31 = arith.constant 0 : i32
        %add3A_32 = vector.broadcast %add3A_31 : i32 to vector<16xi32>
        %add3A_33 = arith.addi %mul3A_30, %add3A_32 : vector<16xi32>
        %gather3A = tpu.vector_load_idx %arg6[%add3A_33] : memref<80000xf32, #tpu.memory_space<vmem>>[vector<16xi32>], vector<16xf32>,
        %mul3A_34 = arith.constant 8 : i32
        %mul3A_35 = vector.broadcast %mul3A_34 : i32 to vector<16xi32>
        %mul3A_36 = arith.muli %get3A_27, %mul3A_35 : vector<16xi32>
        %add3A_37 = arith.constant 0 : i32
        %add3A_38 = vector.broadcast %add3A_37 : i32 to vector<16xi32>
        %add3A_39 = arith.addi %mul3A_36, %add3A_38 : vector<16xi32>
        %gather3A_40 = tpu.vector_load_idx %arg6[%add3A_39] : memref<80000xf32, #tpu.memory_space<vmem>>[vector<16xi32>], vector<16xf32>,
        %mul3A_41 = arith.constant 16 : i32
        %mul3A_42 = arith.muli %scan3A_20, %mul3A_41 : i32
        %add3A_43 = vector.broadcast %mul3A_42 : i32 to vector<16xi32>
        %add3A_44 = arith.addi %add3A_43, %iota3A : vector<16xi32>
        %mul3A_45 = arith.constant 4 : i32
        %mul3A_46 = vector.broadcast %mul3A_45 : i32 to vector<16xi32>
        %mul3A_47 = arith.muli %add3A_44, %mul3A_46 : vector<16xi32>
        %add3A_48 = arith.constant 0 : i32
        %add3A_49 = vector.broadcast %add3A_48 : i32 to vector<16xi32>
        %add3A_50 = arith.addi %mul3A_47, %add3A_49 : vector<16xi32>
        %add3A_51 = arith.addf %gather3A, %gather3A_40 : vector<16xf32>
        tpu.vector_store_idx %arg9[%add3A_50], %add3A_51 : memref<8000xf32, #tpu.memory_space<vmem>>[vector<16xi32>], vector<16xf32>,
        %mul3A_52 = arith.constant 8 : i32
        %mul3A_53 = vector.broadcast %mul3A_52 : i32 to vector<16xi32>
        %mul3A_54 = arith.muli %get3A_23, %mul3A_53 : vector<16xi32>
        %add3A_55 = arith.constant 1 : i32
        %add3A_56 = vector.broadcast %add3A_55 : i32 to vector<16xi32>
        %add3A_57 = arith.addi %mul3A_54, %add3A_56 : vector<16xi32>
        %gather3A_58 = tpu.vector_load_idx %arg6[%add3A_57] : memref<80000xf32, #tpu.memory_space<vmem>>[vector<16xi32>], vector<16xf32>,
        %mul3A_59 = arith.constant 8 : i32
        %mul3A_60 = vector.broadcast %mul3A_59 : i32 to vector<16xi32>
        %mul3A_61 = arith.muli %get3A_27, %mul3A_60 : vector<16xi32>
        %add3A_62 = arith.constant 1 : i32
        %add3A_63 = vector.broadcast %add3A_62 : i32 to vector<16xi32>
        %add3A_64 = arith.addi %mul3A_61, %add3A_63 : vector<16xi32>
        %gather3A_65 = tpu.vector_load_idx %arg6[%add3A_64] : memref<80000xf32, #tpu.memory_space<vmem>>[vector<16xi32>], vector<16xf32>,
        %mul3A_66 = arith.constant 16 : i32
        %mul3A_67 = arith.muli %scan3A_20, %mul3A_66 : i32
        %add3A_68 = vector.broadcast %mul3A_67 : i32 to vector<16xi32>
        %add3A_69 = arith.addi %add3A_68, %iota3A : vector<16xi32>
        %mul3A_70 = arith.constant 4 : i32
        %mul3A_71 = vector.broadcast %mul3A_70 : i32 to vector<16xi32>
        %mul3A_72 = arith.muli %add3A_69, %mul3A_71 : vector<16xi32>
        %add3A_73 = arith.constant 1 : i32
        %add3A_74 = vector.broadcast %add3A_73 : i32 to vector<16xi32>
        %add3A_75 = arith.addi %mul3A_72, %add3A_74 : vector<16xi32>
        %add3A_76 = arith.addf %gather3A_58, %gather3A_65 : vector<16xf32>
        tpu.vector_store_idx %arg9[%add3A_75], %add3A_76 : memref<8000xf32, #tpu.memory_space<vmem>>[vector<16xi32>], vector<16xf32>,
        %mul3A_77 = arith.constant 8 : i32
        %mul3A_78 = vector.broadcast %mul3A_77 : i32 to vector<16xi32>
        %mul3A_79 = arith.muli %get3A_23, %mul3A_78 : vector<16xi32>
        %add3A_80 = arith.constant 2 : i32
        %add3A_81 = vector.broadcast %add3A_80 : i32 to vector<16xi32>
        %add3A_82 = arith.addi %mul3A_79, %add3A_81 : vector<16xi32>
        %gather3A_83 = tpu.vector_load_idx %arg6[%add3A_82] : memref<80000xf32, #tpu.memory_space<vmem>>[vector<16xi32>], vector<16xf32>,
        %mul3A_84 = arith.constant 8 : i32
        %mul3A_85 = vector.broadcast %mul3A_84 : i32 to vector<16xi32>
        %mul3A_86 = arith.muli %get3A_27, %mul3A_85 : vector<16xi32>
        %add3A_87 = arith.constant 2 : i32
        %add3A_88 = vector.broadcast %add3A_87 : i32 to vector<16xi32>
        %add3A_89 = arith.addi %mul3A_86, %add3A_88 : vector<16xi32>
        %gather3A_90 = tpu.vector_load_idx %arg6[%add3A_89] : memref<80000xf32, #tpu.memory_space<vmem>>[vector<16xi32>], vector<16xf32>,
        %mul3A_91 = arith.constant 16 : i32
        %mul3A_92 = arith.muli %scan3A_20, %mul3A_91 : i32
        %add3A_93 = vector.broadcast %mul3A_92 : i32 to vector<16xi32>
        %add3A_94 = arith.addi %add3A_93, %iota3A : vector<16xi32>
        %mul3A_95 = arith.constant 4 : i32
        %mul3A_96 = vector.broadcast %mul3A_95 : i32 to vector<16xi32>
        %mul3A_97 = arith.muli %add3A_94, %mul3A_96 : vector<16xi32>
        %add3A_98 = arith.constant 2 : i32
        %add3A_99 = vector.broadcast %add3A_98 : i32 to vector<16xi32>
        %add3A_100 = arith.addi %mul3A_97, %add3A_99 : vector<16xi32>
        %add3A_101 = arith.addf %gather3A_83, %gather3A_90 : vector<16xf32>
        tpu.vector_store_idx %arg9[%add3A_100], %add3A_101 : memref<8000xf32, #tpu.memory_space<vmem>>[vector<16xi32>], vector<16xf32>,
        %mul3A_102 = arith.constant 8 : i32
        %mul3A_103 = vector.broadcast %mul3A_102 : i32 to vector<16xi32>
        %mul3A_104 = arith.muli %get3A_23, %mul3A_103 : vector<16xi32>
        %add3A_105 = arith.constant 3 : i32
        %add3A_106 = vector.broadcast %add3A_105 : i32 to vector<16xi32>
        %add3A_107 = arith.addi %mul3A_104, %add3A_106 : vector<16xi32>
        %gather3A_108 = tpu.vector_load_idx %arg6[%add3A_107] : memref<80000xf32, #tpu.memory_space<vmem>>[vector<16xi32>], vector<16xf32>,
        %mul3A_109 = arith.constant 8 : i32
        %mul3A_110 = vector.broadcast %mul3A_109 : i32 to vector<16xi32>
        %mul3A_111 = arith.muli %get3A_27, %mul3A_110 : vector<16xi32>
        %add3A_112 = arith.constant 3 : i32
        %add3A_113 = vector.broadcast %add3A_112 : i32 to vector<16xi32>
        %add3A_114 = arith.addi %mul3A_111, %add3A_113 : vector<16xi32>
        %gather3A_115 = tpu.vector_load_idx %arg6[%add3A_114] : memref<80000xf32, #tpu.memory_space<vmem>>[vector<16xi32>], vector<16xf32>,
        %mul3A_116 = arith.constant 16 : i32
        %mul3A_117 = arith.muli %scan3A_20, %mul3A_116 : i32
        %add3A_118 = vector.broadcast %mul3A_117 : i32 to vector<16xi32>
        %add3A_119 = arith.addi %add3A_118, %iota3A : vector<16xi32>
        %mul3A_120 = arith.constant 4 : i32
        %mul3A_121 = vector.broadcast %mul3A_120 : i32 to vector<16xi32>
        %mul3A_122 = arith.muli %add3A_119, %mul3A_121 : vector<16xi32>
        %add3A_123 = arith.constant 3 : i32
        %add3A_124 = vector.broadcast %add3A_123 : i32 to vector<16xi32>
        %add3A_125 = arith.addi %mul3A_122, %add3A_124 : vector<16xi32>
        %add3A_126 = arith.addf %gather3A_108, %gather3A_115 : vector<16xf32>
        tpu.vector_store_idx %arg9[%add3A_125], %add3A_126 : memref<8000xf32, #tpu.memory_space<vmem>>[vector<16xi32>], vector<16xf32>,
      }
      %scan3A_17 = arith.constant 125 : i32
      %mul3A_18 = arith.constant 4 : i32
      %mul3A_19 = arith.muli %mul3A_11, %mul3A_18 : i32
      "tpu.region"() ({
        %run_scoped3A = tpu.sem_alloc : memref<!tpu.dma_semaphore, #tpu.memory_space<semaphore_mem>>
        %dma_start3A = tpu.memref_slice %arg5[%mul3A_19] : memref<1280000xf32, #tpu.memory_space<hbm>> -> memref<8000xf32, #tpu.memory_space<hbm>>
        %dma_start3A_20 = tpu.memref_slice %arg5[%mul3A_19] : memref<1280000xf32, #tpu.memory_space<hbm>> -> memref<8000xf32, #tpu.memory_space<hbm>>
        tpu.enqueue_dma source(%arg9 : memref<8000xf32, #tpu.memory_space<vmem>>) target(%dma_start3A_20 : memref<8000xf32, #tpu.memory_space<hbm>>) target_semaphore(%run_scoped3A : memref<!tpu.dma_semaphore, #tpu.memory_space<semaphore_mem>>)
        %dma_wait3A = tpu.memref_slice %arg5[%mul3A_19] : memref<1280000xf32, #tpu.memory_space<hbm>> -> memref<8000xf32, #tpu.memory_space<hbm>>
        %dma_wait3A_21 = tpu.memref_slice %arg5[%mul3A_19] : memref<1280000xf32, #tpu.memory_space<hbm>> -> memref<8000xf32, #tpu.memory_space<hbm>>
        tpu.wait_dma2 semaphore(%run_scoped3A : memref<!tpu.dma_semaphore, #tpu.memory_space<semaphore_mem>>) src(%arg9 : memref<8000xf32, #tpu.memory_space<vmem>>) dst(%dma_wait3A_21 : memref<8000xf32, #tpu.memory_space<hbm>>)
        tpu.yield
      }) : () -> ()
    }
    %scan3A_5 = arith.constant 5 : i32
    return
  }
}

#map = affine_map<(d0, d1) -> (0, 0, 0)>
#map1 = affine_map<(d0, d1) -> (0, 0)>
module attributes {stable_mosaic.version = 14 : i64} {
  func.func @_attn_sc_body(%arg0: i32, %arg1: i32, %arg2: memref<10240x2x32xi32, #tpu.memory_space<hbm>>, %arg3: memref<327680x128xf32, #tpu.memory_space<hbm>>, %arg4: memref<10000x128xf32, #tpu.memory_space<hbm>>, %arg5: memref<10000x256xf32, #tpu.memory_space<hbm>>, %arg6: memref<640x136xf32, #tpu.memory_space<hbm>>, %arg7: memref<20480x136xf32, #tpu.memory_space<hbm>>, %arg8: memref<2x32xi32, #tpu.memory_space<vmem>>, %arg9: memref<2x32xi32, #tpu.memory_space<vmem>>, %arg10: memref<32x128xf32, #tpu.memory_space<vmem>>, %arg11: memref<32x128xf32, #tpu.memory_space<vmem>>, %arg12: memref<32x128xf32, #tpu.memory_space<vmem>>, %arg13: memref<32x128xf32, #tpu.memory_space<vmem>>, %arg14: memref<32x256xf32, #tpu.memory_space<vmem>>, %arg15: memref<32x256xf32, #tpu.memory_space<vmem>>, %arg16: memref<32x136xf32, #tpu.memory_space<vmem>>, %arg17: memref<10240x136xf32, #tpu.memory_space<vmem_shared>>, %arg18: memref<!tpu.dma_semaphore, #tpu.memory_space<semaphore_mem>>, %arg19: memref<!tpu.dma_semaphore, #tpu.memory_space<semaphore_mem>>) attributes {dimension_semantics = [#tpu.dimension_semantics<core_parallel>, #tpu.dimension_semantics<subcore_parallel>], iteration_bounds = array<i64: 2, 16>, scalar_prefetch = 0 : i64, scratch_operands = 12 : i64, tpu.core_type = #tpu.core_type<sc_vector_subcore>, window_params = [{transform_indices = #map}, {transform_indices = #map1}, {transform_indices = #map1}, {transform_indices = #map1}, {transform_indices = #map1}, {transform_indices = #map1}]} {
    %mul3A = arith.constant 16 : i32
    %mul3A_0 = arith.muli %arg0, %mul3A : i32
    %add3A = arith.addi %mul3A_0, %arg1 : i32
    %mul3A_1 = arith.constant 640 : i32
    %mul3A_2 = arith.muli %arg1, %mul3A_1 : i32
    %iota3A = tpu.iota {dimensions = array<i32: 0>} : vector<16xi32>
    %broadcast_in_dim3A = arith.constant 0 : i32
    %broadcast_in_dim3A_3 = vector.broadcast %broadcast_in_dim3A : i32 to vector<16xi32>
    %broadcast_in_dim3A_4 = arith.constant 0.000000e+00 : f32
    %broadcast_in_dim3A_5 = vector.broadcast %broadcast_in_dim3A_4 : f32 to vector<16xf32>
    %mul3A_6 = arith.constant 320 : i32
    %mul3A_7 = arith.muli %add3A, %mul3A_6 : i32
    %mul3A_8 = arith.constant 32 : i32
    %mul3A_9 = arith.muli %mul3A_7, %mul3A_8 : i32
    "tpu.region"() ({
      %run_scoped3A = tpu.sem_alloc : memref<!tpu.dma_semaphore, #tpu.memory_space<semaphore_mem>>
      %dma_start3A_53 = arith.constant 0 : i32
      %dma_start3A_54 = arith.constant 0 : i32
      %dma_start3A_55 = tpu.memref_slice %arg2[%mul3A_7, %dma_start3A_53, %dma_start3A_54] : memref<10240x2x32xi32, #tpu.memory_space<hbm>> -> memref<1x2x32xi32, #tpu.memory_space<hbm>>
      %dma_start3A_56 = tpu.memref_squeeze %dma_start3A_55 : memref<1x2x32xi32, #tpu.memory_space<hbm>> -> memref<2x32xi32, #tpu.memory_space<hbm>>
      %dma_start3A_57 = arith.constant 0 : i32
      %dma_start3A_58 = arith.constant 0 : i32
      %dma_start3A_59 = tpu.memref_slice %arg2[%mul3A_7, %dma_start3A_57, %dma_start3A_58] : memref<10240x2x32xi32, #tpu.memory_space<hbm>> -> memref<1x2x32xi32, #tpu.memory_space<hbm>>
      %dma_start3A_60 = tpu.memref_squeeze %dma_start3A_59 : memref<1x2x32xi32, #tpu.memory_space<hbm>> -> memref<2x32xi32, #tpu.memory_space<hbm>>
      tpu.enqueue_dma source(%dma_start3A_60 : memref<2x32xi32, #tpu.memory_space<hbm>>) target(%arg8 : memref<2x32xi32, #tpu.memory_space<vmem>>) target_semaphore(%run_scoped3A : memref<!tpu.dma_semaphore, #tpu.memory_space<semaphore_mem>>)
      %dma_wait3A_61 = arith.constant 0 : i32
      %dma_wait3A_62 = arith.constant 0 : i32
      %dma_wait3A_63 = tpu.memref_slice %arg2[%mul3A_7, %dma_wait3A_61, %dma_wait3A_62] : memref<10240x2x32xi32, #tpu.memory_space<hbm>> -> memref<1x2x32xi32, #tpu.memory_space<hbm>>
      %dma_wait3A_64 = tpu.memref_squeeze %dma_wait3A_63 : memref<1x2x32xi32, #tpu.memory_space<hbm>> -> memref<2x32xi32, #tpu.memory_space<hbm>>
      %dma_wait3A_65 = arith.constant 0 : i32
      %dma_wait3A_66 = arith.constant 0 : i32
      %dma_wait3A_67 = tpu.memref_slice %arg2[%mul3A_7, %dma_wait3A_65, %dma_wait3A_66] : memref<10240x2x32xi32, #tpu.memory_space<hbm>> -> memref<1x2x32xi32, #tpu.memory_space<hbm>>
      %dma_wait3A_68 = tpu.memref_squeeze %dma_wait3A_67 : memref<1x2x32xi32, #tpu.memory_space<hbm>> -> memref<2x32xi32, #tpu.memory_space<hbm>>
      tpu.wait_dma2 semaphore(%run_scoped3A : memref<!tpu.dma_semaphore, #tpu.memory_space<semaphore_mem>>) src(%dma_wait3A_68 : memref<2x32xi32, #tpu.memory_space<hbm>>) dst(%arg8 : memref<2x32xi32, #tpu.memory_space<vmem>>)
      tpu.yield
    }) : () -> ()
    %dma_start3A = arith.constant 0 : i32
    %dma_start3A_10 = tpu.memref_slice %arg3[%mul3A_9, %dma_start3A] : memref<327680x128xf32, #tpu.memory_space<hbm>> -> memref<32x128xf32, #tpu.memory_space<hbm>>
    %dma_start3A_11 = arith.constant 0 : i32
    %dma_start3A_12 = tpu.memref_slice %arg3[%mul3A_9, %dma_start3A_11] : memref<327680x128xf32, #tpu.memory_space<hbm>> -> memref<32x128xf32, #tpu.memory_space<hbm>>
    tpu.enqueue_dma source(%dma_start3A_12 : memref<32x128xf32, #tpu.memory_space<hbm>>) target(%arg10 : memref<32x128xf32, #tpu.memory_space<vmem>>) target_semaphore(%arg18 : memref<!tpu.dma_semaphore, #tpu.memory_space<semaphore_mem>>)
    %dma_start3A_13 = arith.constant 1 : i32
    %dma_start3A_14 = arith.constant 0 : i32
    %dma_start3A_15 = tpu.memref_slice %arg8[%dma_start3A_13, %dma_start3A_14] : memref<2x32xi32, #tpu.memory_space<vmem>> -> memref<1x32xi32, #tpu.memory_space<vmem>>
    %dma_start3A_16 = tpu.memref_squeeze %dma_start3A_15 : memref<1x32xi32, #tpu.memory_space<vmem>> -> memref<32xi32, #tpu.memory_space<vmem>>
    %dma_start3A_17 = arith.constant 0 : i32
    %dma_start3A_18 = arith.constant 0 : i32
    %dma_start3A_19 = tpu.memref_slice %arg4[%dma_start3A_17, %dma_start3A_18] : memref<10000x128xf32, #tpu.memory_space<hbm>> -> memref<10000x128xf32, #tpu.memory_space<hbm>>
    tpu.enqueue_indirect_dma source(%dma_start3A_19 : memref<10000x128xf32, #tpu.memory_space<hbm>>) target(%arg12 : memref<32x128xf32, #tpu.memory_space<vmem>>) offsets(%dma_start3A_16 : memref<32xi32, #tpu.memory_space<vmem>>) semaphore(%arg18 : memref<!tpu.dma_semaphore, #tpu.memory_space<semaphore_mem>>)
    %dma_start3A_20 = arith.constant 0 : i32
    %dma_start3A_21 = arith.constant 0 : i32
    %dma_start3A_22 = tpu.memref_slice %arg8[%dma_start3A_20, %dma_start3A_21] : memref<2x32xi32, #tpu.memory_space<vmem>> -> memref<1x32xi32, #tpu.memory_space<vmem>>
    %dma_start3A_23 = tpu.memref_squeeze %dma_start3A_22 : memref<1x32xi32, #tpu.memory_space<vmem>> -> memref<32xi32, #tpu.memory_space<vmem>>
    %dma_start3A_24 = arith.constant 0 : i32
    %dma_start3A_25 = arith.constant 0 : i32
    %dma_start3A_26 = tpu.memref_slice %arg5[%dma_start3A_24, %dma_start3A_25] : memref<10000x256xf32, #tpu.memory_space<hbm>> -> memref<10000x256xf32, #tpu.memory_space<hbm>>
    tpu.enqueue_indirect_dma source(%dma_start3A_26 : memref<10000x256xf32, #tpu.memory_space<hbm>>) target(%arg14 : memref<32x256xf32, #tpu.memory_space<vmem>>) offsets(%dma_start3A_23 : memref<32xi32, #tpu.memory_space<vmem>>) semaphore(%arg18 : memref<!tpu.dma_semaphore, #tpu.memory_space<semaphore_mem>>)
    "tpu.region"() ({
      %run_scoped3A = tpu.sem_alloc : memref<!tpu.dma_semaphore, #tpu.memory_space<semaphore_mem>>
      %dma_start3A_53 = arith.constant 0 : i32
      %dma_start3A_54 = tpu.memref_slice %arg17[%mul3A_2, %dma_start3A_53] : memref<10240x136xf32, #tpu.memory_space<vmem_shared>> -> memref<640x136xf32, #tpu.memory_space<vmem_shared>>
      tpu.enqueue_dma source(%arg6 : memref<640x136xf32, #tpu.memory_space<hbm>>) target(%dma_start3A_54 : memref<640x136xf32, #tpu.memory_space<vmem_shared>>) target_semaphore(%run_scoped3A : memref<!tpu.dma_semaphore, #tpu.memory_space<semaphore_mem>>)
      %dma_wait3A_55 = arith.constant 0 : i32
      %dma_wait3A_56 = tpu.memref_slice %arg17[%mul3A_2, %dma_wait3A_55] : memref<10240x136xf32, #tpu.memory_space<vmem_shared>> -> memref<640x136xf32, #tpu.memory_space<vmem_shared>>
      tpu.wait_dma2 semaphore(%run_scoped3A : memref<!tpu.dma_semaphore, #tpu.memory_space<semaphore_mem>>) src(%arg6 : memref<640x136xf32, #tpu.memory_space<hbm>>) dst(%dma_wait3A_56 : memref<640x136xf32, #tpu.memory_space<vmem_shared>>)
      tpu.yield
    }) : () -> ()
    %barrier3A = arith.constant 0 : index
    tpu.barrier barrier_id(%barrier3A)
    %scan3A = arith.constant 0 : i32
    %scan3A_27 = arith.constant 0 : i32
    %scan3A_28 = arith.constant 160 : i32
    %scan3A_29 = arith.addi %scan3A_27, %scan3A_28 : i32
    %scan3A_30 = arith.constant 1 : i32
    scf.for %scan3A_53 = %scan3A_27 to %scan3A_29 step %scan3A_30  : i32 {
      %mul3A_54 = arith.constant 2 : i32
      %mul3A_55 = arith.muli %scan3A_53, %mul3A_54 : i32
      %add3A_56 = arith.constant 0 : i32
      %add3A_57 = arith.addi %mul3A_55, %add3A_56 : i32
      %add3A_58 = arith.addi %mul3A_7, %add3A_57 : i32
      %mul3A_59 = arith.constant 32 : i32
      %mul3A_60 = arith.muli %add3A_58, %mul3A_59 : i32
      %dma_wait3A_61 = arith.constant 0 : i32
      %dma_wait3A_62 = arith.constant 0 : i32
      %dma_wait3A_63 = tpu.memref_slice %arg3[%dma_wait3A_61, %dma_wait3A_62] : memref<327680x128xf32, #tpu.memory_space<hbm>> -> memref<32x128xf32, #tpu.memory_space<hbm>>
      %dma_wait3A_64 = arith.constant 0 : i32
      %dma_wait3A_65 = arith.constant 0 : i32
      %dma_wait3A_66 = tpu.memref_slice %arg3[%dma_wait3A_64, %dma_wait3A_65] : memref<327680x128xf32, #tpu.memory_space<hbm>> -> memref<32x128xf32, #tpu.memory_space<hbm>>
      tpu.wait_dma2 semaphore(%arg18 : memref<!tpu.dma_semaphore, #tpu.memory_space<semaphore_mem>>) src(%dma_wait3A_66 : memref<32x128xf32, #tpu.memory_space<hbm>>) dst(%arg10 : memref<32x128xf32, #tpu.memory_space<vmem>>)
      %dma_wait3A_67 = arith.constant 0 : i32
      %dma_wait3A_68 = arith.constant 0 : i32
      %dma_wait3A_69 = tpu.memref_slice %arg3[%dma_wait3A_67, %dma_wait3A_68] : memref<327680x128xf32, #tpu.memory_space<hbm>> -> memref<32x128xf32, #tpu.memory_space<hbm>>
      %dma_wait3A_70 = arith.constant 0 : i32
      %dma_wait3A_71 = arith.constant 0 : i32
      %dma_wait3A_72 = tpu.memref_slice %arg3[%dma_wait3A_70, %dma_wait3A_71] : memref<327680x128xf32, #tpu.memory_space<hbm>> -> memref<32x128xf32, #tpu.memory_space<hbm>>
      tpu.wait_dma2 semaphore(%arg18 : memref<!tpu.dma_semaphore, #tpu.memory_space<semaphore_mem>>) src(%dma_wait3A_72 : memref<32x128xf32, #tpu.memory_space<hbm>>) dst(%arg12 : memref<32x128xf32, #tpu.memory_space<vmem>>)
      %dma_wait3A_73 = arith.constant 0 : i32
      %dma_wait3A_74 = arith.constant 0 : i32
      %dma_wait3A_75 = tpu.memref_slice %arg5[%dma_wait3A_73, %dma_wait3A_74] : memref<10000x256xf32, #tpu.memory_space<hbm>> -> memref<32x256xf32, #tpu.memory_space<hbm>>
      %dma_wait3A_76 = arith.constant 0 : i32
      %dma_wait3A_77 = arith.constant 0 : i32
      %dma_wait3A_78 = tpu.memref_slice %arg5[%dma_wait3A_76, %dma_wait3A_77] : memref<10000x256xf32, #tpu.memory_space<hbm>> -> memref<32x256xf32, #tpu.memory_space<hbm>>
      tpu.wait_dma2 semaphore(%arg18 : memref<!tpu.dma_semaphore, #tpu.memory_space<semaphore_mem>>) src(%dma_wait3A_78 : memref<32x256xf32, #tpu.memory_space<hbm>>) dst(%arg14 : memref<32x256xf32, #tpu.memory_space<vmem>>)
      %add3A_79 = arith.constant 1 : i32
      %add3A_80 = arith.addi %add3A_57, %add3A_79 : i32
      %rem3A = arith.constant 320 : i32
      %rem3A_81 = arith.remsi %add3A_80, %rem3A : i32
      %add3A_82 = arith.addi %mul3A_7, %rem3A_81 : i32
      %mul3A_83 = arith.constant 32 : i32
      %mul3A_84 = arith.muli %add3A_82, %mul3A_83 : i32
      "tpu.region"() ({
        %run_scoped3A_159 = tpu.sem_alloc : memref<!tpu.dma_semaphore, #tpu.memory_space<semaphore_mem>>
        %dma_start3A_160 = arith.constant 0 : i32
        %dma_start3A_161 = arith.constant 0 : i32
        %dma_start3A_162 = tpu.memref_slice %arg2[%add3A_82, %dma_start3A_160, %dma_start3A_161] : memref<10240x2x32xi32, #tpu.memory_space<hbm>> -> memref<1x2x32xi32, #tpu.memory_space<hbm>>
        %dma_start3A_163 = tpu.memref_squeeze %dma_start3A_162 : memref<1x2x32xi32, #tpu.memory_space<hbm>> -> memref<2x32xi32, #tpu.memory_space<hbm>>
        %dma_start3A_164 = arith.constant 0 : i32
        %dma_start3A_165 = arith.constant 0 : i32
        %dma_start3A_166 = tpu.memref_slice %arg2[%add3A_82, %dma_start3A_164, %dma_start3A_165] : memref<10240x2x32xi32, #tpu.memory_space<hbm>> -> memref<1x2x32xi32, #tpu.memory_space<hbm>>
        %dma_start3A_167 = tpu.memref_squeeze %dma_start3A_166 : memref<1x2x32xi32, #tpu.memory_space<hbm>> -> memref<2x32xi32, #tpu.memory_space<hbm>>
        tpu.enqueue_dma source(%dma_start3A_167 : memref<2x32xi32, #tpu.memory_space<hbm>>) target(%arg9 : memref<2x32xi32, #tpu.memory_space<vmem>>) target_semaphore(%run_scoped3A_159 : memref<!tpu.dma_semaphore, #tpu.memory_space<semaphore_mem>>)
        %dma_wait3A_168 = arith.constant 0 : i32
        %dma_wait3A_169 = arith.constant 0 : i32
        %dma_wait3A_170 = tpu.memref_slice %arg2[%add3A_82, %dma_wait3A_168, %dma_wait3A_169] : memref<10240x2x32xi32, #tpu.memory_space<hbm>> -> memref<1x2x32xi32, #tpu.memory_space<hbm>>
        %dma_wait3A_171 = tpu.memref_squeeze %dma_wait3A_170 : memref<1x2x32xi32, #tpu.memory_space<hbm>> -> memref<2x32xi32, #tpu.memory_space<hbm>>
        %dma_wait3A_172 = arith.constant 0 : i32
        %dma_wait3A_173 = arith.constant 0 : i32
        %dma_wait3A_174 = tpu.memref_slice %arg2[%add3A_82, %dma_wait3A_172, %dma_wait3A_173] : memref<10240x2x32xi32, #tpu.memory_space<hbm>> -> memref<1x2x32xi32, #tpu.memory_space<hbm>>
        %dma_wait3A_175 = tpu.memref_squeeze %dma_wait3A_174 : memref<1x2x32xi32, #tpu.memory_space<hbm>> -> memref<2x32xi32, #tpu.memory_space<hbm>>
        tpu.wait_dma2 semaphore(%run_scoped3A_159 : memref<!tpu.dma_semaphore, #tpu.memory_space<semaphore_mem>>) src(%dma_wait3A_175 : memref<2x32xi32, #tpu.memory_space<hbm>>) dst(%arg9 : memref<2x32xi32, #tpu.memory_space<vmem>>)
        tpu.yield
      }) : () -> ()
      %dma_start3A_85 = arith.constant 0 : i32
      %dma_start3A_86 = tpu.memref_slice %arg3[%mul3A_84, %dma_start3A_85] : memref<327680x128xf32, #tpu.memory_space<hbm>> -> memref<32x128xf32, #tpu.memory_space<hbm>>
      %dma_start3A_87 = arith.constant 0 : i32
      %dma_start3A_88 = tpu.memref_slice %arg3[%mul3A_84, %dma_start3A_87] : memref<327680x128xf32, #tpu.memory_space<hbm>> -> memref<32x128xf32, #tpu.memory_space<hbm>>
      tpu.enqueue_dma source(%dma_start3A_88 : memref<32x128xf32, #tpu.memory_space<hbm>>) target(%arg11 : memref<32x128xf32, #tpu.memory_space<vmem>>) target_semaphore(%arg19 : memref<!tpu.dma_semaphore, #tpu.memory_space<semaphore_mem>>)
      %dma_start3A_89 = arith.constant 1 : i32
      %dma_start3A_90 = arith.constant 0 : i32
      %dma_start3A_91 = tpu.memref_slice %arg9[%dma_start3A_89, %dma_start3A_90] : memref<2x32xi32, #tpu.memory_space<vmem>> -> memref<1x32xi32, #tpu.memory_space<vmem>>
      %dma_start3A_92 = tpu.memref_squeeze %dma_start3A_91 : memref<1x32xi32, #tpu.memory_space<vmem>> -> memref<32xi32, #tpu.memory_space<vmem>>
      %dma_start3A_93 = arith.constant 0 : i32
      %dma_start3A_94 = arith.constant 0 : i32
      %dma_start3A_95 = tpu.memref_slice %arg4[%dma_start3A_93, %dma_start3A_94] : memref<10000x128xf32, #tpu.memory_space<hbm>> -> memref<10000x128xf32, #tpu.memory_space<hbm>>
      tpu.enqueue_indirect_dma source(%dma_start3A_95 : memref<10000x128xf32, #tpu.memory_space<hbm>>) target(%arg13 : memref<32x128xf32, #tpu.memory_space<vmem>>) offsets(%dma_start3A_92 : memref<32xi32, #tpu.memory_space<vmem>>) semaphore(%arg19 : memref<!tpu.dma_semaphore, #tpu.memory_space<semaphore_mem>>)
      %dma_start3A_96 = arith.constant 0 : i32
      %dma_start3A_97 = arith.constant 0 : i32
      %dma_start3A_98 = tpu.memref_slice %arg9[%dma_start3A_96, %dma_start3A_97] : memref<2x32xi32, #tpu.memory_space<vmem>> -> memref<1x32xi32, #tpu.memory_space<vmem>>
      %dma_start3A_99 = tpu.memref_squeeze %dma_start3A_98 : memref<1x32xi32, #tpu.memory_space<vmem>> -> memref<32xi32, #tpu.memory_space<vmem>>
      %dma_start3A_100 = arith.constant 0 : i32
      %dma_start3A_101 = arith.constant 0 : i32
      %dma_start3A_102 = tpu.memref_slice %arg5[%dma_start3A_100, %dma_start3A_101] : memref<10000x256xf32, #tpu.memory_space<hbm>> -> memref<10000x256xf32, #tpu.memory_space<hbm>>
      tpu.enqueue_indirect_dma source(%dma_start3A_102 : memref<10000x256xf32, #tpu.memory_space<hbm>>) target(%arg15 : memref<32x256xf32, #tpu.memory_space<vmem>>) offsets(%dma_start3A_99 : memref<32xi32, #tpu.memory_space<vmem>>) semaphore(%arg19 : memref<!tpu.dma_semaphore, #tpu.memory_space<semaphore_mem>>)
      %parallel_loop3A = arith.constant 0 : i32
      %parallel_loop3A_103 = arith.constant 32 : i32
      %parallel_loop3A_104 = arith.constant 1 : i32
      scf.for %parallel_loop3A_159 = %parallel_loop3A to %parallel_loop3A_103 step %parallel_loop3A_104  : i32 {
        %parallel_loop3A_160 = arith.addi %mul3A_60, %parallel_loop3A_159 : i32
        %parallel_loop3A_161 = arith.constant 320000 : i32
        %parallel_loop3A_162 = arith.cmpi slt, %parallel_loop3A_160, %parallel_loop3A_161 : i32
        %parallel_loop3A_163 = arith.index_cast %parallel_loop3A_159 : i32 to index
        %parallel_loop3A_164 = arith.constant 0 : index
        %parallel_loop3A_165 = tpu.vector_load %arg12[%parallel_loop3A_163, %parallel_loop3A_164] {strides = array<i32>} : memref<32x128xf32, #tpu.memory_space<vmem>>, vector<16xf32>,
        %parallel_loop3A_166 = arith.index_cast %parallel_loop3A_159 : i32 to index
        %parallel_loop3A_167 = arith.constant 0 : index
        %parallel_loop3A_168 = tpu.vector_load %arg14[%parallel_loop3A_166, %parallel_loop3A_167] {strides = array<i32>} : memref<32x256xf32, #tpu.memory_space<vmem>>, vector<16xf32>,
        %parallel_loop3A_169 = arith.index_cast %parallel_loop3A_159 : i32 to index
        %parallel_loop3A_170 = arith.constant 0 : index
        %parallel_loop3A_171 = tpu.vector_load %arg10[%parallel_loop3A_169, %parallel_loop3A_170] {strides = array<i32>} : memref<32x128xf32, #tpu.memory_space<vmem>>, vector<16xf32>,
        %parallel_loop3A_172 = arith.addf %parallel_loop3A_168, %parallel_loop3A_171 : vector<16xf32>
        %parallel_loop3A_173 = arith.mulf %parallel_loop3A_165, %parallel_loop3A_172 : vector<16xf32>
        %parallel_loop3A_174 = arith.constant true
        %parallel_loop3A_175 = vector.broadcast %parallel_loop3A_174 : i1 to vector<16xi1>
        %parallel_loop3A_176 = tpu.scan <sum>, %parallel_loop3A_173 masked %parallel_loop3A_175 : vector<16xf32>, vector<16xi1> -> vector<16xf32>
        %parallel_loop3A_177 = vector.extract %parallel_loop3A_176[15] : f32 from vector<16xf32>
        %parallel_loop3A_178 = vector.broadcast %parallel_loop3A_177 : f32 to vector<16xf32>
        %parallel_loop3A_179 = arith.addf %parallel_loop3A_178, %broadcast_in_dim3A_5 : vector<16xf32>
        %parallel_loop3A_180 = math.exp %parallel_loop3A_179 : vector<16xf32>
        %parallel_loop3A_181 = arith.constant 0.000000e+00 : f32
        %parallel_loop3A_182 = vector.broadcast %parallel_loop3A_181 : f32 to vector<16xf32>
        %parallel_loop3A_183 = arith.select %parallel_loop3A_162, %parallel_loop3A_180, %parallel_loop3A_182 : vector<16xf32>
        %parallel_loop3A_184 = arith.constant 0 : i32
        %parallel_loop3A_185 = vector.broadcast %parallel_loop3A_184 : i32 to vector<16xi32>
        %parallel_loop3A_186 = arith.cmpi eq, %iota3A, %parallel_loop3A_185 : vector<16xi32>
        %parallel_loop3A_187 = arith.select %parallel_loop3A_186, %parallel_loop3A_183, %broadcast_in_dim3A_5 : vector<16xi1>, vector<16xf32>
        %parallel_loop3A_188 = arith.index_cast %parallel_loop3A_159 : i32 to index
        %parallel_loop3A_189 = arith.constant 16 : index
        %parallel_loop3A_190 = tpu.vector_load %arg12[%parallel_loop3A_188, %parallel_loop3A_189] {strides = array<i32>} : memref<32x128xf32, #tpu.memory_space<vmem>>, vector<16xf32>,
        %parallel_loop3A_191 = arith.index_cast %parallel_loop3A_159 : i32 to index
        %parallel_loop3A_192 = arith.constant 16 : index
        %parallel_loop3A_193 = tpu.vector_load %arg14[%parallel_loop3A_191, %parallel_loop3A_192] {strides = array<i32>} : memref<32x256xf32, #tpu.memory_space<vmem>>, vector<16xf32>,
        %parallel_loop3A_194 = arith.index_cast %parallel_loop3A_159 : i32 to index
        %parallel_loop3A_195 = arith.constant 16 : index
        %parallel_loop3A_196 = tpu.vector_load %arg10[%parallel_loop3A_194, %parallel_loop3A_195] {strides = array<i32>} : memref<32x128xf32, #tpu.memory_space<vmem>>, vector<16xf32>,
        %parallel_loop3A_197 = arith.addf %parallel_loop3A_193, %parallel_loop3A_196 : vector<16xf32>
        %parallel_loop3A_198 = arith.mulf %parallel_loop3A_190, %parallel_loop3A_197 : vector<16xf32>
        %parallel_loop3A_199 = arith.constant true
        %parallel_loop3A_200 = vector.broadcast %parallel_loop3A_199 : i1 to vector<16xi1>
        %parallel_loop3A_201 = tpu.scan <sum>, %parallel_loop3A_198 masked %parallel_loop3A_200 : vector<16xf32>, vector<16xi1> -> vector<16xf32>
        %parallel_loop3A_202 = vector.extract %parallel_loop3A_201[15] : f32 from vector<16xf32>
        %parallel_loop3A_203 = vector.broadcast %parallel_loop3A_202 : f32 to vector<16xf32>
        %parallel_loop3A_204 = arith.addf %parallel_loop3A_203, %broadcast_in_dim3A_5 : vector<16xf32>
        %parallel_loop3A_205 = math.exp %parallel_loop3A_204 : vector<16xf32>
        %parallel_loop3A_206 = arith.constant 0.000000e+00 : f32
        %parallel_loop3A_207 = vector.broadcast %parallel_loop3A_206 : f32 to vector<16xf32>
        %parallel_loop3A_208 = arith.select %parallel_loop3A_162, %parallel_loop3A_205, %parallel_loop3A_207 : vector<16xf32>
        %parallel_loop3A_209 = arith.constant 1 : i32
        %parallel_loop3A_210 = vector.broadcast %parallel_loop3A_209 : i32 to vector<16xi32>
        %parallel_loop3A_211 = arith.cmpi eq, %iota3A, %parallel_loop3A_210 : vector<16xi32>
        %parallel_loop3A_212 = arith.select %parallel_loop3A_211, %parallel_loop3A_208, %parallel_loop3A_187 : vector<16xi1>, vector<16xf32>
        %parallel_loop3A_213 = arith.index_cast %parallel_loop3A_159 : i32 to index
        %parallel_loop3A_214 = arith.constant 32 : index
        %parallel_loop3A_215 = tpu.vector_load %arg12[%parallel_loop3A_213, %parallel_loop3A_214] {strides = array<i32>} : memref<32x128xf32, #tpu.memory_space<vmem>>, vector<16xf32>,
        %parallel_loop3A_216 = arith.index_cast %parallel_loop3A_159 : i32 to index
        %parallel_loop3A_217 = arith.constant 32 : index
        %parallel_loop3A_218 = tpu.vector_load %arg14[%parallel_loop3A_216, %parallel_loop3A_217] {strides = array<i32>} : memref<32x256xf32, #tpu.memory_space<vmem>>, vector<16xf32>,
        %parallel_loop3A_219 = arith.index_cast %parallel_loop3A_159 : i32 to index
        %parallel_loop3A_220 = arith.constant 32 : index
        %parallel_loop3A_221 = tpu.vector_load %arg10[%parallel_loop3A_219, %parallel_loop3A_220] {strides = array<i32>} : memref<32x128xf32, #tpu.memory_space<vmem>>, vector<16xf32>,
        %parallel_loop3A_222 = arith.addf %parallel_loop3A_218, %parallel_loop3A_221 : vector<16xf32>
        %parallel_loop3A_223 = arith.mulf %parallel_loop3A_215, %parallel_loop3A_222 : vector<16xf32>
        %parallel_loop3A_224 = arith.constant true
        %parallel_loop3A_225 = vector.broadcast %parallel_loop3A_224 : i1 to vector<16xi1>
        %parallel_loop3A_226 = tpu.scan <sum>, %parallel_loop3A_223 masked %parallel_loop3A_225 : vector<16xf32>, vector<16xi1> -> vector<16xf32>
        %parallel_loop3A_227 = vector.extract %parallel_loop3A_226[15] : f32 from vector<16xf32>
        %parallel_loop3A_228 = vector.broadcast %parallel_loop3A_227 : f32 to vector<16xf32>
        %parallel_loop3A_229 = arith.addf %parallel_loop3A_228, %broadcast_in_dim3A_5 : vector<16xf32>
        %parallel_loop3A_230 = math.exp %parallel_loop3A_229 : vector<16xf32>
        %parallel_loop3A_231 = arith.constant 0.000000e+00 : f32
        %parallel_loop3A_232 = vector.broadcast %parallel_loop3A_231 : f32 to vector<16xf32>
        %parallel_loop3A_233 = arith.select %parallel_loop3A_162, %parallel_loop3A_230, %parallel_loop3A_232 : vector<16xf32>
        %parallel_loop3A_234 = arith.constant 2 : i32
        %parallel_loop3A_235 = vector.broadcast %parallel_loop3A_234 : i32 to vector<16xi32>
        %parallel_loop3A_236 = arith.cmpi eq, %iota3A, %parallel_loop3A_235 : vector<16xi32>
        %parallel_loop3A_237 = arith.select %parallel_loop3A_236, %parallel_loop3A_233, %parallel_loop3A_212 : vector<16xi1>, vector<16xf32>
        %parallel_loop3A_238 = arith.index_cast %parallel_loop3A_159 : i32 to index
        %parallel_loop3A_239 = arith.constant 48 : index
        %parallel_loop3A_240 = tpu.vector_load %arg12[%parallel_loop3A_238, %parallel_loop3A_239] {strides = array<i32>} : memref<32x128xf32, #tpu.memory_space<vmem>>, vector<16xf32>,
        %parallel_loop3A_241 = arith.index_cast %parallel_loop3A_159 : i32 to index
        %parallel_loop3A_242 = arith.constant 48 : index
        %parallel_loop3A_243 = tpu.vector_load %arg14[%parallel_loop3A_241, %parallel_loop3A_242] {strides = array<i32>} : memref<32x256xf32, #tpu.memory_space<vmem>>, vector<16xf32>,
        %parallel_loop3A_244 = arith.index_cast %parallel_loop3A_159 : i32 to index
        %parallel_loop3A_245 = arith.constant 48 : index
        %parallel_loop3A_246 = tpu.vector_load %arg10[%parallel_loop3A_244, %parallel_loop3A_245] {strides = array<i32>} : memref<32x128xf32, #tpu.memory_space<vmem>>, vector<16xf32>,
        %parallel_loop3A_247 = arith.addf %parallel_loop3A_243, %parallel_loop3A_246 : vector<16xf32>
        %parallel_loop3A_248 = arith.mulf %parallel_loop3A_240, %parallel_loop3A_247 : vector<16xf32>
        %parallel_loop3A_249 = arith.constant true
        %parallel_loop3A_250 = vector.broadcast %parallel_loop3A_249 : i1 to vector<16xi1>
        %parallel_loop3A_251 = tpu.scan <sum>, %parallel_loop3A_248 masked %parallel_loop3A_250 : vector<16xf32>, vector<16xi1> -> vector<16xf32>
        %parallel_loop3A_252 = vector.extract %parallel_loop3A_251[15] : f32 from vector<16xf32>
        %parallel_loop3A_253 = vector.broadcast %parallel_loop3A_252 : f32 to vector<16xf32>
        %parallel_loop3A_254 = arith.addf %parallel_loop3A_253, %broadcast_in_dim3A_5 : vector<16xf32>
        %parallel_loop3A_255 = math.exp %parallel_loop3A_254 : vector<16xf32>
        %parallel_loop3A_256 = arith.constant 0.000000e+00 : f32
        %parallel_loop3A_257 = vector.broadcast %parallel_loop3A_256 : f32 to vector<16xf32>
        %parallel_loop3A_258 = arith.select %parallel_loop3A_162, %parallel_loop3A_255, %parallel_loop3A_257 : vector<16xf32>
        %parallel_loop3A_259 = arith.constant 3 : i32
        %parallel_loop3A_260 = vector.broadcast %parallel_loop3A_259 : i32 to vector<16xi32>
        %parallel_loop3A_261 = arith.cmpi eq, %iota3A, %parallel_loop3A_260 : vector<16xi32>
        %parallel_loop3A_262 = arith.select %parallel_loop3A_261, %parallel_loop3A_258, %parallel_loop3A_237 : vector<16xi1>, vector<16xf32>
        %parallel_loop3A_263 = arith.index_cast %parallel_loop3A_159 : i32 to index
        %parallel_loop3A_264 = arith.constant 64 : index
        %parallel_loop3A_265 = tpu.vector_load %arg12[%parallel_loop3A_263, %parallel_loop3A_264] {strides = array<i32>} : memref<32x128xf32, #tpu.memory_space<vmem>>, vector<16xf32>,
        %parallel_loop3A_266 = arith.index_cast %parallel_loop3A_159 : i32 to index
        %parallel_loop3A_267 = arith.constant 64 : index
        %parallel_loop3A_268 = tpu.vector_load %arg14[%parallel_loop3A_266, %parallel_loop3A_267] {strides = array<i32>} : memref<32x256xf32, #tpu.memory_space<vmem>>, vector<16xf32>,
        %parallel_loop3A_269 = arith.index_cast %parallel_loop3A_159 : i32 to index
        %parallel_loop3A_270 = arith.constant 64 : index
        %parallel_loop3A_271 = tpu.vector_load %arg10[%parallel_loop3A_269, %parallel_loop3A_270] {strides = array<i32>} : memref<32x128xf32, #tpu.memory_space<vmem>>, vector<16xf32>,
        %parallel_loop3A_272 = arith.addf %parallel_loop3A_268, %parallel_loop3A_271 : vector<16xf32>
        %parallel_loop3A_273 = arith.mulf %parallel_loop3A_265, %parallel_loop3A_272 : vector<16xf32>
        %parallel_loop3A_274 = arith.constant true
        %parallel_loop3A_275 = vector.broadcast %parallel_loop3A_274 : i1 to vector<16xi1>
        %parallel_loop3A_276 = tpu.scan <sum>, %parallel_loop3A_273 masked %parallel_loop3A_275 : vector<16xf32>, vector<16xi1> -> vector<16xf32>
        %parallel_loop3A_277 = vector.extract %parallel_loop3A_276[15] : f32 from vector<16xf32>
        %parallel_loop3A_278 = vector.broadcast %parallel_loop3A_277 : f32 to vector<16xf32>
        %parallel_loop3A_279 = arith.addf %parallel_loop3A_278, %broadcast_in_dim3A_5 : vector<16xf32>
        %parallel_loop3A_280 = math.exp %parallel_loop3A_279 : vector<16xf32>
        %parallel_loop3A_281 = arith.constant 0.000000e+00 : f32
        %parallel_loop3A_282 = vector.broadcast %parallel_loop3A_281 : f32 to vector<16xf32>
        %parallel_loop3A_283 = arith.select %parallel_loop3A_162, %parallel_loop3A_280, %parallel_loop3A_282 : vector<16xf32>
        %parallel_loop3A_284 = arith.constant 4 : i32
        %parallel_loop3A_285 = vector.broadcast %parallel_loop3A_284 : i32 to vector<16xi32>
        %parallel_loop3A_286 = arith.cmpi eq, %iota3A, %parallel_loop3A_285 : vector<16xi32>
        %parallel_loop3A_287 = arith.select %parallel_loop3A_286, %parallel_loop3A_283, %parallel_loop3A_262 : vector<16xi1>, vector<16xf32>
        %parallel_loop3A_288 = arith.index_cast %parallel_loop3A_159 : i32 to index
        %parallel_loop3A_289 = arith.constant 80 : index
        %parallel_loop3A_290 = tpu.vector_load %arg12[%parallel_loop3A_288, %parallel_loop3A_289] {strides = array<i32>} : memref<32x128xf32, #tpu.memory_space<vmem>>, vector<16xf32>,
        %parallel_loop3A_291 = arith.index_cast %parallel_loop3A_159 : i32 to index
        %parallel_loop3A_292 = arith.constant 80 : index
        %parallel_loop3A_293 = tpu.vector_load %arg14[%parallel_loop3A_291, %parallel_loop3A_292] {strides = array<i32>} : memref<32x256xf32, #tpu.memory_space<vmem>>, vector<16xf32>,
        %parallel_loop3A_294 = arith.index_cast %parallel_loop3A_159 : i32 to index
        %parallel_loop3A_295 = arith.constant 80 : index
        %parallel_loop3A_296 = tpu.vector_load %arg10[%parallel_loop3A_294, %parallel_loop3A_295] {strides = array<i32>} : memref<32x128xf32, #tpu.memory_space<vmem>>, vector<16xf32>,
        %parallel_loop3A_297 = arith.addf %parallel_loop3A_293, %parallel_loop3A_296 : vector<16xf32>
        %parallel_loop3A_298 = arith.mulf %parallel_loop3A_290, %parallel_loop3A_297 : vector<16xf32>
        %parallel_loop3A_299 = arith.constant true
        %parallel_loop3A_300 = vector.broadcast %parallel_loop3A_299 : i1 to vector<16xi1>
        %parallel_loop3A_301 = tpu.scan <sum>, %parallel_loop3A_298 masked %parallel_loop3A_300 : vector<16xf32>, vector<16xi1> -> vector<16xf32>
        %parallel_loop3A_302 = vector.extract %parallel_loop3A_301[15] : f32 from vector<16xf32>
        %parallel_loop3A_303 = vector.broadcast %parallel_loop3A_302 : f32 to vector<16xf32>
        %parallel_loop3A_304 = arith.addf %parallel_loop3A_303, %broadcast_in_dim3A_5 : vector<16xf32>
        %parallel_loop3A_305 = math.exp %parallel_loop3A_304 : vector<16xf32>
        %parallel_loop3A_306 = arith.constant 0.000000e+00 : f32
        %parallel_loop3A_307 = vector.broadcast %parallel_loop3A_306 : f32 to vector<16xf32>
        %parallel_loop3A_308 = arith.select %parallel_loop3A_162, %parallel_loop3A_305, %parallel_loop3A_307 : vector<16xf32>
        %parallel_loop3A_309 = arith.constant 5 : i32
        %parallel_loop3A_310 = vector.broadcast %parallel_loop3A_309 : i32 to vector<16xi32>
        %parallel_loop3A_311 = arith.cmpi eq, %iota3A, %parallel_loop3A_310 : vector<16xi32>
        %parallel_loop3A_312 = arith.select %parallel_loop3A_311, %parallel_loop3A_308, %parallel_loop3A_287 : vector<16xi1>, vector<16xf32>
        %parallel_loop3A_313 = arith.index_cast %parallel_loop3A_159 : i32 to index
        %parallel_loop3A_314 = arith.constant 96 : index
        %parallel_loop3A_315 = tpu.vector_load %arg12[%parallel_loop3A_313, %parallel_loop3A_314] {strides = array<i32>} : memref<32x128xf32, #tpu.memory_space<vmem>>, vector<16xf32>,
        %parallel_loop3A_316 = arith.index_cast %parallel_loop3A_159 : i32 to index
        %parallel_loop3A_317 = arith.constant 96 : index
        %parallel_loop3A_318 = tpu.vector_load %arg14[%parallel_loop3A_316, %parallel_loop3A_317] {strides = array<i32>} : memref<32x256xf32, #tpu.memory_space<vmem>>, vector<16xf32>,
        %parallel_loop3A_319 = arith.index_cast %parallel_loop3A_159 : i32 to index
        %parallel_loop3A_320 = arith.constant 96 : index
        %parallel_loop3A_321 = tpu.vector_load %arg10[%parallel_loop3A_319, %parallel_loop3A_320] {strides = array<i32>} : memref<32x128xf32, #tpu.memory_space<vmem>>, vector<16xf32>,
        %parallel_loop3A_322 = arith.addf %parallel_loop3A_318, %parallel_loop3A_321 : vector<16xf32>
        %parallel_loop3A_323 = arith.mulf %parallel_loop3A_315, %parallel_loop3A_322 : vector<16xf32>
        %parallel_loop3A_324 = arith.constant true
        %parallel_loop3A_325 = vector.broadcast %parallel_loop3A_324 : i1 to vector<16xi1>
        %parallel_loop3A_326 = tpu.scan <sum>, %parallel_loop3A_323 masked %parallel_loop3A_325 : vector<16xf32>, vector<16xi1> -> vector<16xf32>
        %parallel_loop3A_327 = vector.extract %parallel_loop3A_326[15] : f32 from vector<16xf32>
        %parallel_loop3A_328 = vector.broadcast %parallel_loop3A_327 : f32 to vector<16xf32>
        %parallel_loop3A_329 = arith.addf %parallel_loop3A_328, %broadcast_in_dim3A_5 : vector<16xf32>
        %parallel_loop3A_330 = math.exp %parallel_loop3A_329 : vector<16xf32>
        %parallel_loop3A_331 = arith.constant 0.000000e+00 : f32
        %parallel_loop3A_332 = vector.broadcast %parallel_loop3A_331 : f32 to vector<16xf32>
        %parallel_loop3A_333 = arith.select %parallel_loop3A_162, %parallel_loop3A_330, %parallel_loop3A_332 : vector<16xf32>
        %parallel_loop3A_334 = arith.constant 6 : i32
        %parallel_loop3A_335 = vector.broadcast %parallel_loop3A_334 : i32 to vector<16xi32>
        %parallel_loop3A_336 = arith.cmpi eq, %iota3A, %parallel_loop3A_335 : vector<16xi32>
        %parallel_loop3A_337 = arith.select %parallel_loop3A_336, %parallel_loop3A_333, %parallel_loop3A_312 : vector<16xi1>, vector<16xf32>
        %parallel_loop3A_338 = arith.index_cast %parallel_loop3A_159 : i32 to index
        %parallel_loop3A_339 = arith.constant 112 : index
        %parallel_loop3A_340 = tpu.vector_load %arg12[%parallel_loop3A_338, %parallel_loop3A_339] {strides = array<i32>} : memref<32x128xf32, #tpu.memory_space<vmem>>, vector<16xf32>,
        %parallel_loop3A_341 = arith.index_cast %parallel_loop3A_159 : i32 to index
        %parallel_loop3A_342 = arith.constant 112 : index
        %parallel_loop3A_343 = tpu.vector_load %arg14[%parallel_loop3A_341, %parallel_loop3A_342] {strides = array<i32>} : memref<32x256xf32, #tpu.memory_space<vmem>>, vector<16xf32>,
        %parallel_loop3A_344 = arith.index_cast %parallel_loop3A_159 : i32 to index
        %parallel_loop3A_345 = arith.constant 112 : index
        %parallel_loop3A_346 = tpu.vector_load %arg10[%parallel_loop3A_344, %parallel_loop3A_345] {strides = array<i32>} : memref<32x128xf32, #tpu.memory_space<vmem>>, vector<16xf32>,
        %parallel_loop3A_347 = arith.addf %parallel_loop3A_343, %parallel_loop3A_346 : vector<16xf32>
        %parallel_loop3A_348 = arith.mulf %parallel_loop3A_340, %parallel_loop3A_347 : vector<16xf32>
        %parallel_loop3A_349 = arith.constant true
        %parallel_loop3A_350 = vector.broadcast %parallel_loop3A_349 : i1 to vector<16xi1>
        %parallel_loop3A_351 = tpu.scan <sum>, %parallel_loop3A_348 masked %parallel_loop3A_350 : vector<16xf32>, vector<16xi1> -> vector<16xf32>
        %parallel_loop3A_352 = vector.extract %parallel_loop3A_351[15] : f32 from vector<16xf32>
        %parallel_loop3A_353 = vector.broadcast %parallel_loop3A_352 : f32 to vector<16xf32>
        %parallel_loop3A_354 = arith.addf %parallel_loop3A_353, %broadcast_in_dim3A_5 : vector<16xf32>
        %parallel_loop3A_355 = math.exp %parallel_loop3A_354 : vector<16xf32>
        %parallel_loop3A_356 = arith.constant 0.000000e+00 : f32
        %parallel_loop3A_357 = vector.broadcast %parallel_loop3A_356 : f32 to vector<16xf32>
        %parallel_loop3A_358 = arith.select %parallel_loop3A_162, %parallel_loop3A_355, %parallel_loop3A_357 : vector<16xf32>
        %parallel_loop3A_359 = arith.constant 7 : i32
        %parallel_loop3A_360 = vector.broadcast %parallel_loop3A_359 : i32 to vector<16xi32>
        %parallel_loop3A_361 = arith.cmpi eq, %iota3A, %parallel_loop3A_360 : vector<16xi32>
        %parallel_loop3A_362 = arith.select %parallel_loop3A_361, %parallel_loop3A_358, %parallel_loop3A_337 : vector<16xi1>, vector<16xf32>
        %parallel_loop3A_363 = arith.index_cast %parallel_loop3A_159 : i32 to index
        %parallel_loop3A_364 = arith.constant 128 : index
        %parallel_loop3A_365 = tpu.vector_load %arg14[%parallel_loop3A_363, %parallel_loop3A_364] {strides = array<i32>} : memref<32x256xf32, #tpu.memory_space<vmem>>, vector<16xf32>,
        %parallel_loop3A_366 = arith.addf %parallel_loop3A_365, %parallel_loop3A_171 : vector<16xf32>
        %parallel_loop3A_367 = arith.mulf %parallel_loop3A_183, %parallel_loop3A_366 : vector<16xf32>
        %parallel_loop3A_368 = arith.index_cast %parallel_loop3A_159 : i32 to index
        %parallel_loop3A_369 = arith.constant 0 : index
        %parallel_loop3A_370 = tpu.vector_load %arg16[%parallel_loop3A_368, %parallel_loop3A_369] {strides = array<i32>} : memref<32x136xf32, #tpu.memory_space<vmem>>, vector<16xf32>,
        tpu.vector_store %arg16[%parallel_loop3A_368, %parallel_loop3A_369], %parallel_loop3A_367 {strides = array<i32>} : memref<32x136xf32, #tpu.memory_space<vmem>>, vector<16xf32>,
        %parallel_loop3A_371 = arith.index_cast %parallel_loop3A_159 : i32 to index
        %parallel_loop3A_372 = arith.constant 144 : index
        %parallel_loop3A_373 = tpu.vector_load %arg14[%parallel_loop3A_371, %parallel_loop3A_372] {strides = array<i32>} : memref<32x256xf32, #tpu.memory_space<vmem>>, vector<16xf32>,
        %parallel_loop3A_374 = arith.addf %parallel_loop3A_373, %parallel_loop3A_196 : vector<16xf32>
        %parallel_loop3A_375 = arith.mulf %parallel_loop3A_208, %parallel_loop3A_374 : vector<16xf32>
        %parallel_loop3A_376 = arith.index_cast %parallel_loop3A_159 : i32 to index
        %parallel_loop3A_377 = arith.constant 16 : index
        %parallel_loop3A_378 = tpu.vector_load %arg16[%parallel_loop3A_376, %parallel_loop3A_377] {strides = array<i32>} : memref<32x136xf32, #tpu.memory_space<vmem>>, vector<16xf32>,
        tpu.vector_store %arg16[%parallel_loop3A_376, %parallel_loop3A_377], %parallel_loop3A_375 {strides = array<i32>} : memref<32x136xf32, #tpu.memory_space<vmem>>, vector<16xf32>,
        %parallel_loop3A_379 = arith.index_cast %parallel_loop3A_159 : i32 to index
        %parallel_loop3A_380 = arith.constant 160 : index
        %parallel_loop3A_381 = tpu.vector_load %arg14[%parallel_loop3A_379, %parallel_loop3A_380] {strides = array<i32>} : memref<32x256xf32, #tpu.memory_space<vmem>>, vector<16xf32>,
        %parallel_loop3A_382 = arith.addf %parallel_loop3A_381, %parallel_loop3A_221 : vector<16xf32>
        %parallel_loop3A_383 = arith.mulf %parallel_loop3A_233, %parallel_loop3A_382 : vector<16xf32>
        %parallel_loop3A_384 = arith.index_cast %parallel_loop3A_159 : i32 to index
        %parallel_loop3A_385 = arith.constant 32 : index
        %parallel_loop3A_386 = tpu.vector_load %arg16[%parallel_loop3A_384, %parallel_loop3A_385] {strides = array<i32>} : memref<32x136xf32, #tpu.memory_space<vmem>>, vector<16xf32>,
        tpu.vector_store %arg16[%parallel_loop3A_384, %parallel_loop3A_385], %parallel_loop3A_383 {strides = array<i32>} : memref<32x136xf32, #tpu.memory_space<vmem>>, vector<16xf32>,
        %parallel_loop3A_387 = arith.index_cast %parallel_loop3A_159 : i32 to index
        %parallel_loop3A_388 = arith.constant 176 : index
        %parallel_loop3A_389 = tpu.vector_load %arg14[%parallel_loop3A_387, %parallel_loop3A_388] {strides = array<i32>} : memref<32x256xf32, #tpu.memory_space<vmem>>, vector<16xf32>,
        %parallel_loop3A_390 = arith.addf %parallel_loop3A_389, %parallel_loop3A_246 : vector<16xf32>
        %parallel_loop3A_391 = arith.mulf %parallel_loop3A_258, %parallel_loop3A_390 : vector<16xf32>
        %parallel_loop3A_392 = arith.index_cast %parallel_loop3A_159 : i32 to index
        %parallel_loop3A_393 = arith.constant 48 : index
        %parallel_loop3A_394 = tpu.vector_load %arg16[%parallel_loop3A_392, %parallel_loop3A_393] {strides = array<i32>} : memref<32x136xf32, #tpu.memory_space<vmem>>, vector<16xf32>,
        tpu.vector_store %arg16[%parallel_loop3A_392, %parallel_loop3A_393], %parallel_loop3A_391 {strides = array<i32>} : memref<32x136xf32, #tpu.memory_space<vmem>>, vector<16xf32>,
        %parallel_loop3A_395 = arith.index_cast %parallel_loop3A_159 : i32 to index
        %parallel_loop3A_396 = arith.constant 192 : index
        %parallel_loop3A_397 = tpu.vector_load %arg14[%parallel_loop3A_395, %parallel_loop3A_396] {strides = array<i32>} : memref<32x256xf32, #tpu.memory_space<vmem>>, vector<16xf32>,
        %parallel_loop3A_398 = arith.addf %parallel_loop3A_397, %parallel_loop3A_271 : vector<16xf32>
        %parallel_loop3A_399 = arith.mulf %parallel_loop3A_283, %parallel_loop3A_398 : vector<16xf32>
        %parallel_loop3A_400 = arith.index_cast %parallel_loop3A_159 : i32 to index
        %parallel_loop3A_401 = arith.constant 64 : index
        %parallel_loop3A_402 = tpu.vector_load %arg16[%parallel_loop3A_400, %parallel_loop3A_401] {strides = array<i32>} : memref<32x136xf32, #tpu.memory_space<vmem>>, vector<16xf32>,
        tpu.vector_store %arg16[%parallel_loop3A_400, %parallel_loop3A_401], %parallel_loop3A_399 {strides = array<i32>} : memref<32x136xf32, #tpu.memory_space<vmem>>, vector<16xf32>,
        %parallel_loop3A_403 = arith.index_cast %parallel_loop3A_159 : i32 to index
        %parallel_loop3A_404 = arith.constant 208 : index
        %parallel_loop3A_405 = tpu.vector_load %arg14[%parallel_loop3A_403, %parallel_loop3A_404] {strides = array<i32>} : memref<32x256xf32, #tpu.memory_space<vmem>>, vector<16xf32>,
        %parallel_loop3A_406 = arith.addf %parallel_loop3A_405, %parallel_loop3A_296 : vector<16xf32>
        %parallel_loop3A_407 = arith.mulf %parallel_loop3A_308, %parallel_loop3A_406 : vector<16xf32>
        %parallel_loop3A_408 = arith.index_cast %parallel_loop3A_159 : i32 to index
        %parallel_loop3A_409 = arith.constant 80 : index
        %parallel_loop3A_410 = tpu.vector_load %arg16[%parallel_loop3A_408, %parallel_loop3A_409] {strides = array<i32>} : memref<32x136xf32, #tpu.memory_space<vmem>>, vector<16xf32>,
        tpu.vector_store %arg16[%parallel_loop3A_408, %parallel_loop3A_409], %parallel_loop3A_407 {strides = array<i32>} : memref<32x136xf32, #tpu.memory_space<vmem>>, vector<16xf32>,
        %parallel_loop3A_411 = arith.index_cast %parallel_loop3A_159 : i32 to index
        %parallel_loop3A_412 = arith.constant 224 : index
        %parallel_loop3A_413 = tpu.vector_load %arg14[%parallel_loop3A_411, %parallel_loop3A_412] {strides = array<i32>} : memref<32x256xf32, #tpu.memory_space<vmem>>, vector<16xf32>,
        %parallel_loop3A_414 = arith.addf %parallel_loop3A_413, %parallel_loop3A_321 : vector<16xf32>
        %parallel_loop3A_415 = arith.mulf %parallel_loop3A_333, %parallel_loop3A_414 : vector<16xf32>
        %parallel_loop3A_416 = arith.index_cast %parallel_loop3A_159 : i32 to index
        %parallel_loop3A_417 = arith.constant 96 : index
        %parallel_loop3A_418 = tpu.vector_load %arg16[%parallel_loop3A_416, %parallel_loop3A_417] {strides = array<i32>} : memref<32x136xf32, #tpu.memory_space<vmem>>, vector<16xf32>,
        tpu.vector_store %arg16[%parallel_loop3A_416, %parallel_loop3A_417], %parallel_loop3A_415 {strides = array<i32>} : memref<32x136xf32, #tpu.memory_space<vmem>>, vector<16xf32>,
        %parallel_loop3A_419 = arith.index_cast %parallel_loop3A_159 : i32 to index
        %parallel_loop3A_420 = arith.constant 240 : index
        %parallel_loop3A_421 = tpu.vector_load %arg14[%parallel_loop3A_419, %parallel_loop3A_420] {strides = array<i32>} : memref<32x256xf32, #tpu.memory_space<vmem>>, vector<16xf32>,
        %parallel_loop3A_422 = arith.addf %parallel_loop3A_421, %parallel_loop3A_346 : vector<16xf32>
        %parallel_loop3A_423 = arith.mulf %parallel_loop3A_358, %parallel_loop3A_422 : vector<16xf32>
        %parallel_loop3A_424 = arith.index_cast %parallel_loop3A_159 : i32 to index
        %parallel_loop3A_425 = arith.constant 112 : index
        %parallel_loop3A_426 = tpu.vector_load %arg16[%parallel_loop3A_424, %parallel_loop3A_425] {strides = array<i32>} : memref<32x136xf32, #tpu.memory_space<vmem>>, vector<16xf32>,
        tpu.vector_store %arg16[%parallel_loop3A_424, %parallel_loop3A_425], %parallel_loop3A_423 {strides = array<i32>} : memref<32x136xf32, #tpu.memory_space<vmem>>, vector<16xf32>,
        %parallel_loop3A_427 = vector.broadcast %parallel_loop3A_159 : i32 to vector<16xi32>
        %parallel_loop3A_428 = arith.addi %parallel_loop3A_427, %broadcast_in_dim3A_3 : vector<16xi32>
        %parallel_loop3A_429 = arith.constant 128 : i32
        %parallel_loop3A_430 = vector.broadcast %parallel_loop3A_429 : i32 to vector<16xi32>
        %parallel_loop3A_431 = arith.addi %parallel_loop3A_430, %iota3A : vector<16xi32>
        %parallel_loop3A_432 = arith.constant 8 : i32
        %parallel_loop3A_433 = vector.broadcast %parallel_loop3A_432 : i32 to vector<16xi32>
        %parallel_loop3A_434 = arith.cmpi slt, %iota3A, %parallel_loop3A_433 : vector<16xi32>
        tpu.vector_store_idx %arg16[%parallel_loop3A_428, %parallel_loop3A_431], %parallel_loop3A_362 masked %parallel_loop3A_434 : memref<32x136xf32, #tpu.memory_space<vmem>>[vector<16xi32>, vector<16xi32>], vector<16xf32>, vector<16xi1>
      } {sc.loop_unroll_factor = 4 : i64, sc.parallel_access}
      %run_scoped3A = arith.constant 1 : i32
      "tpu.region"() ({
        %run_scoped3A_159 = tpu.sem_alloc : memref<!tpu.dma_semaphore, #tpu.memory_space<semaphore_mem>>
        %dma_start3A_160 = arith.constant 0 : i32
        %dma_start3A_161 = tpu.memref_slice %arg8[%run_scoped3A, %dma_start3A_160] : memref<2x32xi32, #tpu.memory_space<vmem>> -> memref<1x32xi32, #tpu.memory_space<vmem>>
        %dma_start3A_162 = tpu.memref_squeeze %dma_start3A_161 : memref<1x32xi32, #tpu.memory_space<vmem>> -> memref<32xi32, #tpu.memory_space<vmem>>
        %dma_start3A_163 = arith.constant 0 : i32
        %dma_start3A_164 = arith.constant 0 : i32
        %dma_start3A_165 = tpu.memref_slice %arg17[%dma_start3A_163, %dma_start3A_164] : memref<10240x136xf32, #tpu.memory_space<vmem_shared>> -> memref<10240x136xf32, #tpu.memory_space<vmem_shared>>
        tpu.enqueue_indirect_dma source(%arg16 : memref<32x136xf32, #tpu.memory_space<vmem>>) target(%dma_start3A_165 : memref<10240x136xf32, #tpu.memory_space<vmem_shared>>) offsets(%dma_start3A_162 : memref<32xi32, #tpu.memory_space<vmem>>) semaphore(%run_scoped3A_159 : memref<!tpu.dma_semaphore, #tpu.memory_space<semaphore_mem>>) {add = true}
        %dma_wait3A_166 = arith.constant 0 : i32
        %dma_wait3A_167 = tpu.memref_slice %arg8[%run_scoped3A, %dma_wait3A_166] : memref<2x32xi32, #tpu.memory_space<vmem>> -> memref<1x32xi32, #tpu.memory_space<vmem>>
        %dma_wait3A_168 = tpu.memref_squeeze %dma_wait3A_167 : memref<1x32xi32, #tpu.memory_space<vmem>> -> memref<32xi32, #tpu.memory_space<vmem>>
        %dma_wait3A_169 = arith.constant 0 : i32
        %dma_wait3A_170 = arith.constant 0 : i32
        %dma_wait3A_171 = tpu.memref_slice %arg17[%dma_wait3A_169, %dma_wait3A_170] : memref<10240x136xf32, #tpu.memory_space<vmem_shared>> -> memref<10240x136xf32, #tpu.memory_space<vmem_shared>>
        tpu.wait_indirect_dma semaphore(%run_scoped3A_159 : memref<!tpu.dma_semaphore, #tpu.memory_space<semaphore_mem>>) src(%arg16 : memref<32x136xf32, #tpu.memory_space<vmem>>) dst(%dma_wait3A_171 : memref<10240x136xf32, #tpu.memory_space<vmem_shared>>)
        tpu.yield
      }) : () -> ()
      %mul3A_105 = arith.constant 2 : i32
      %mul3A_106 = arith.muli %scan3A_53, %mul3A_105 : i32
      %add3A_107 = arith.constant 1 : i32
      %add3A_108 = arith.addi %mul3A_106, %add3A_107 : i32
      %add3A_109 = arith.addi %mul3A_7, %add3A_108 : i32
      %mul3A_110 = arith.constant 32 : i32
      %mul3A_111 = arith.muli %add3A_109, %mul3A_110 : i32
      %dma_wait3A_112 = arith.constant 0 : i32
      %dma_wait3A_113 = arith.constant 0 : i32
      %dma_wait3A_114 = tpu.memref_slice %arg3[%dma_wait3A_112, %dma_wait3A_113] : memref<327680x128xf32, #tpu.memory_space<hbm>> -> memref<32x128xf32, #tpu.memory_space<hbm>>
      %dma_wait3A_115 = arith.constant 0 : i32
      %dma_wait3A_116 = arith.constant 0 : i32
      %dma_wait3A_117 = tpu.memref_slice %arg3[%dma_wait3A_115, %dma_wait3A_116] : memref<327680x128xf32, #tpu.memory_space<hbm>> -> memref<32x128xf32, #tpu.memory_space<hbm>>
      tpu.wait_dma2 semaphore(%arg19 : memref<!tpu.dma_semaphore, #tpu.memory_space<semaphore_mem>>) src(%dma_wait3A_117 : memref<32x128xf32, #tpu.memory_space<hbm>>) dst(%arg11 : memref<32x128xf32, #tpu.memory_space<vmem>>)
      %dma_wait3A_118 = arith.constant 0 : i32
      %dma_wait3A_119 = arith.constant 0 : i32
      %dma_wait3A_120 = tpu.memref_slice %arg3[%dma_wait3A_118, %dma_wait3A_119] : memref<327680x128xf32, #tpu.memory_space<hbm>> -> memref<32x128xf32, #tpu.memory_space<hbm>>
      %dma_wait3A_121 = arith.constant 0 : i32
      %dma_wait3A_122 = arith.constant 0 : i32
      %dma_wait3A_123 = tpu.memref_slice %arg3[%dma_wait3A_121, %dma_wait3A_122] : memref<327680x128xf32, #tpu.memory_space<hbm>> -> memref<32x128xf32, #tpu.memory_space<hbm>>
      tpu.wait_dma2 semaphore(%arg19 : memref<!tpu.dma_semaphore, #tpu.memory_space<semaphore_mem>>) src(%dma_wait3A_123 : memref<32x128xf32, #tpu.memory_space<hbm>>) dst(%arg13 : memref<32x128xf32, #tpu.memory_space<vmem>>)
      %dma_wait3A_124 = arith.constant 0 : i32
      %dma_wait3A_125 = arith.constant 0 : i32
      %dma_wait3A_126 = tpu.memref_slice %arg5[%dma_wait3A_124, %dma_wait3A_125] : memref<10000x256xf32, #tpu.memory_space<hbm>> -> memref<32x256xf32, #tpu.memory_space<hbm>>
      %dma_wait3A_127 = arith.constant 0 : i32
      %dma_wait3A_128 = arith.constant 0 : i32
      %dma_wait3A_129 = tpu.memref_slice %arg5[%dma_wait3A_127, %dma_wait3A_128] : memref<10000x256xf32, #tpu.memory_space<hbm>> -> memref<32x256xf32, #tpu.memory_space<hbm>>
      tpu.wait_dma2 semaphore(%arg19 : memref<!tpu.dma_semaphore, #tpu.memory_space<semaphore_mem>>) src(%dma_wait3A_129 : memref<32x256xf32, #tpu.memory_space<hbm>>) dst(%arg15 : memref<32x256xf32, #tpu.memory_space<vmem>>)
      %add3A_130 = arith.constant 1 : i32
      %add3A_131 = arith.addi %add3A_108, %add3A_130 : i32
      %rem3A_132 = arith.constant 320 : i32
      %rem3A_133 = arith.remsi %add3A_131, %rem3A_132 : i32
      %add3A_134 = arith.addi %mul3A_7, %rem3A_133 : i32
      %mul3A_135 = arith.constant 32 : i32
      %mul3A_136 = arith.muli %add3A_134, %mul3A_135 : i32
      "tpu.region"() ({
        %run_scoped3A_159 = tpu.sem_alloc : memref<!tpu.dma_semaphore, #tpu.memory_space<semaphore_mem>>
        %dma_start3A_160 = arith.constant 0 : i32
        %dma_start3A_161 = arith.constant 0 : i32
        %dma_start3A_162 = tpu.memref_slice %arg2[%add3A_134, %dma_start3A_160, %dma_start3A_161] : memref<10240x2x32xi32, #tpu.memory_space<hbm>> -> memref<1x2x32xi32, #tpu.memory_space<hbm>>
        %dma_start3A_163 = tpu.memref_squeeze %dma_start3A_162 : memref<1x2x32xi32, #tpu.memory_space<hbm>> -> memref<2x32xi32, #tpu.memory_space<hbm>>
        %dma_start3A_164 = arith.constant 0 : i32
        %dma_start3A_165 = arith.constant 0 : i32
        %dma_start3A_166 = tpu.memref_slice %arg2[%add3A_134, %dma_start3A_164, %dma_start3A_165] : memref<10240x2x32xi32, #tpu.memory_space<hbm>> -> memref<1x2x32xi32, #tpu.memory_space<hbm>>
        %dma_start3A_167 = tpu.memref_squeeze %dma_start3A_166 : memref<1x2x32xi32, #tpu.memory_space<hbm>> -> memref<2x32xi32, #tpu.memory_space<hbm>>
        tpu.enqueue_dma source(%dma_start3A_167 : memref<2x32xi32, #tpu.memory_space<hbm>>) target(%arg8 : memref<2x32xi32, #tpu.memory_space<vmem>>) target_semaphore(%run_scoped3A_159 : memref<!tpu.dma_semaphore, #tpu.memory_space<semaphore_mem>>)
        %dma_wait3A_168 = arith.constant 0 : i32
        %dma_wait3A_169 = arith.constant 0 : i32
        %dma_wait3A_170 = tpu.memref_slice %arg2[%add3A_134, %dma_wait3A_168, %dma_wait3A_169] : memref<10240x2x32xi32, #tpu.memory_space<hbm>> -> memref<1x2x32xi32, #tpu.memory_space<hbm>>
        %dma_wait3A_171 = tpu.memref_squeeze %dma_wait3A_170 : memref<1x2x32xi32, #tpu.memory_space<hbm>> -> memref<2x32xi32, #tpu.memory_space<hbm>>
        %dma_wait3A_172 = arith.constant 0 : i32
        %dma_wait3A_173 = arith.constant 0 : i32
        %dma_wait3A_174 = tpu.memref_slice %arg2[%add3A_134, %dma_wait3A_172, %dma_wait3A_173] : memref<10240x2x32xi32, #tpu.memory_space<hbm>> -> memref<1x2x32xi32, #tpu.memory_space<hbm>>
        %dma_wait3A_175 = tpu.memref_squeeze %dma_wait3A_174 : memref<1x2x32xi32, #tpu.memory_space<hbm>> -> memref<2x32xi32, #tpu.memory_space<hbm>>
        tpu.wait_dma2 semaphore(%run_scoped3A_159 : memref<!tpu.dma_semaphore, #tpu.memory_space<semaphore_mem>>) src(%dma_wait3A_175 : memref<2x32xi32, #tpu.memory_space<hbm>>) dst(%arg8 : memref<2x32xi32, #tpu.memory_space<vmem>>)
        tpu.yield
      }) : () -> ()
      %dma_start3A_137 = arith.constant 0 : i32
      %dma_start3A_138 = tpu.memref_slice %arg3[%mul3A_136, %dma_start3A_137] : memref<327680x128xf32, #tpu.memory_space<hbm>> -> memref<32x128xf32, #tpu.memory_space<hbm>>
      %dma_start3A_139 = arith.constant 0 : i32
      %dma_start3A_140 = tpu.memref_slice %arg3[%mul3A_136, %dma_start3A_139] : memref<327680x128xf32, #tpu.memory_space<hbm>> -> memref<32x128xf32, #tpu.memory_space<hbm>>
      tpu.enqueue_dma source(%dma_start3A_140 : memref<32x128xf32, #tpu.memory_space<hbm>>) target(%arg10 : memref<32x128xf32, #tpu.memory_space<vmem>>) target_semaphore(%arg18 : memref<!tpu.dma_semaphore, #tpu.memory_space<semaphore_mem>>)
      %dma_start3A_141 = arith.constant 1 : i32
      %dma_start3A_142 = arith.constant 0 : i32
      %dma_start3A_143 = tpu.memref_slice %arg8[%dma_start3A_141, %dma_start3A_142] : memref<2x32xi32, #tpu.memory_space<vmem>> -> memref<1x32xi32, #tpu.memory_space<vmem>>
      %dma_start3A_144 = tpu.memref_squeeze %dma_start3A_143 : memref<1x32xi32, #tpu.memory_space<vmem>> -> memref<32xi32, #tpu.memory_space<vmem>>
      %dma_start3A_145 = arith.constant 0 : i32
      %dma_start3A_146 = arith.constant 0 : i32
      %dma_start3A_147 = tpu.memref_slice %arg4[%dma_start3A_145, %dma_start3A_146] : memref<10000x128xf32, #tpu.memory_space<hbm>> -> memref<10000x128xf32, #tpu.memory_space<hbm>>
      tpu.enqueue_indirect_dma source(%dma_start3A_147 : memref<10000x128xf32, #tpu.memory_space<hbm>>) target(%arg12 : memref<32x128xf32, #tpu.memory_space<vmem>>) offsets(%dma_start3A_144 : memref<32xi32, #tpu.memory_space<vmem>>) semaphore(%arg18 : memref<!tpu.dma_semaphore, #tpu.memory_space<semaphore_mem>>)
      %dma_start3A_148 = arith.constant 0 : i32
      %dma_start3A_149 = arith.constant 0 : i32
      %dma_start3A_150 = tpu.memref_slice %arg8[%dma_start3A_148, %dma_start3A_149] : memref<2x32xi32, #tpu.memory_space<vmem>> -> memref<1x32xi32, #tpu.memory_space<vmem>>
      %dma_start3A_151 = tpu.memref_squeeze %dma_start3A_150 : memref<1x32xi32, #tpu.memory_space<vmem>> -> memref<32xi32, #tpu.memory_space<vmem>>
      %dma_start3A_152 = arith.constant 0 : i32
      %dma_start3A_153 = arith.constant 0 : i32
      %dma_start3A_154 = tpu.memref_slice %arg5[%dma_start3A_152, %dma_start3A_153] : memref<10000x256xf32, #tpu.memory_space<hbm>> -> memref<10000x256xf32, #tpu.memory_space<hbm>>
      tpu.enqueue_indirect_dma source(%dma_start3A_154 : memref<10000x256xf32, #tpu.memory_space<hbm>>) target(%arg14 : memref<32x256xf32, #tpu.memory_space<vmem>>) offsets(%dma_start3A_151 : memref<32xi32, #tpu.memory_space<vmem>>) semaphore(%arg18 : memref<!tpu.dma_semaphore, #tpu.memory_space<semaphore_mem>>)
      %parallel_loop3A_155 = arith.constant 0 : i32
      %parallel_loop3A_156 = arith.constant 32 : i32
      %parallel_loop3A_157 = arith.constant 1 : i32
      scf.for %parallel_loop3A_159 = %parallel_loop3A_155 to %parallel_loop3A_156 step %parallel_loop3A_157  : i32 {
        %parallel_loop3A_160 = arith.addi %mul3A_111, %parallel_loop3A_159 : i32
        %parallel_loop3A_161 = arith.constant 320000 : i32
        %parallel_loop3A_162 = arith.cmpi slt, %parallel_loop3A_160, %parallel_loop3A_161 : i32
        %parallel_loop3A_163 = arith.index_cast %parallel_loop3A_159 : i32 to index
        %parallel_loop3A_164 = arith.constant 0 : index
        %parallel_loop3A_165 = tpu.vector_load %arg13[%parallel_loop3A_163, %parallel_loop3A_164] {strides = array<i32>} : memref<32x128xf32, #tpu.memory_space<vmem>>, vector<16xf32>,
        %parallel_loop3A_166 = arith.index_cast %parallel_loop3A_159 : i32 to index
        %parallel_loop3A_167 = arith.constant 0 : index
        %parallel_loop3A_168 = tpu.vector_load %arg15[%parallel_loop3A_166, %parallel_loop3A_167] {strides = array<i32>} : memref<32x256xf32, #tpu.memory_space<vmem>>, vector<16xf32>,
        %parallel_loop3A_169 = arith.index_cast %parallel_loop3A_159 : i32 to index
        %parallel_loop3A_170 = arith.constant 0 : index
        %parallel_loop3A_171 = tpu.vector_load %arg11[%parallel_loop3A_169, %parallel_loop3A_170] {strides = array<i32>} : memref<32x128xf32, #tpu.memory_space<vmem>>, vector<16xf32>,
        %parallel_loop3A_172 = arith.addf %parallel_loop3A_168, %parallel_loop3A_171 : vector<16xf32>
        %parallel_loop3A_173 = arith.mulf %parallel_loop3A_165, %parallel_loop3A_172 : vector<16xf32>
        %parallel_loop3A_174 = arith.constant true
        %parallel_loop3A_175 = vector.broadcast %parallel_loop3A_174 : i1 to vector<16xi1>
        %parallel_loop3A_176 = tpu.scan <sum>, %parallel_loop3A_173 masked %parallel_loop3A_175 : vector<16xf32>, vector<16xi1> -> vector<16xf32>
        %parallel_loop3A_177 = vector.extract %parallel_loop3A_176[15] : f32 from vector<16xf32>
        %parallel_loop3A_178 = vector.broadcast %parallel_loop3A_177 : f32 to vector<16xf32>
        %parallel_loop3A_179 = arith.addf %parallel_loop3A_178, %broadcast_in_dim3A_5 : vector<16xf32>
        %parallel_loop3A_180 = math.exp %parallel_loop3A_179 : vector<16xf32>
        %parallel_loop3A_181 = arith.constant 0.000000e+00 : f32
        %parallel_loop3A_182 = vector.broadcast %parallel_loop3A_181 : f32 to vector<16xf32>
        %parallel_loop3A_183 = arith.select %parallel_loop3A_162, %parallel_loop3A_180, %parallel_loop3A_182 : vector<16xf32>
        %parallel_loop3A_184 = arith.constant 0 : i32
        %parallel_loop3A_185 = vector.broadcast %parallel_loop3A_184 : i32 to vector<16xi32>
        %parallel_loop3A_186 = arith.cmpi eq, %iota3A, %parallel_loop3A_185 : vector<16xi32>
        %parallel_loop3A_187 = arith.select %parallel_loop3A_186, %parallel_loop3A_183, %broadcast_in_dim3A_5 : vector<16xi1>, vector<16xf32>
        %parallel_loop3A_188 = arith.index_cast %parallel_loop3A_159 : i32 to index
        %parallel_loop3A_189 = arith.constant 16 : index
        %parallel_loop3A_190 = tpu.vector_load %arg13[%parallel_loop3A_188, %parallel_loop3A_189] {strides = array<i32>} : memref<32x128xf32, #tpu.memory_space<vmem>>, vector<16xf32>,
        %parallel_loop3A_191 = arith.index_cast %parallel_loop3A_159 : i32 to index
        %parallel_loop3A_192 = arith.constant 16 : index
        %parallel_loop3A_193 = tpu.vector_load %arg15[%parallel_loop3A_191, %parallel_loop3A_192] {strides = array<i32>} : memref<32x256xf32, #tpu.memory_space<vmem>>, vector<16xf32>,
        %parallel_loop3A_194 = arith.index_cast %parallel_loop3A_159 : i32 to index
        %parallel_loop3A_195 = arith.constant 16 : index
        %parallel_loop3A_196 = tpu.vector_load %arg11[%parallel_loop3A_194, %parallel_loop3A_195] {strides = array<i32>} : memref<32x128xf32, #tpu.memory_space<vmem>>, vector<16xf32>,
        %parallel_loop3A_197 = arith.addf %parallel_loop3A_193, %parallel_loop3A_196 : vector<16xf32>
        %parallel_loop3A_198 = arith.mulf %parallel_loop3A_190, %parallel_loop3A_197 : vector<16xf32>
        %parallel_loop3A_199 = arith.constant true
        %parallel_loop3A_200 = vector.broadcast %parallel_loop3A_199 : i1 to vector<16xi1>
        %parallel_loop3A_201 = tpu.scan <sum>, %parallel_loop3A_198 masked %parallel_loop3A_200 : vector<16xf32>, vector<16xi1> -> vector<16xf32>
        %parallel_loop3A_202 = vector.extract %parallel_loop3A_201[15] : f32 from vector<16xf32>
        %parallel_loop3A_203 = vector.broadcast %parallel_loop3A_202 : f32 to vector<16xf32>
        %parallel_loop3A_204 = arith.addf %parallel_loop3A_203, %broadcast_in_dim3A_5 : vector<16xf32>
        %parallel_loop3A_205 = math.exp %parallel_loop3A_204 : vector<16xf32>
        %parallel_loop3A_206 = arith.constant 0.000000e+00 : f32
        %parallel_loop3A_207 = vector.broadcast %parallel_loop3A_206 : f32 to vector<16xf32>
        %parallel_loop3A_208 = arith.select %parallel_loop3A_162, %parallel_loop3A_205, %parallel_loop3A_207 : vector<16xf32>
        %parallel_loop3A_209 = arith.constant 1 : i32
        %parallel_loop3A_210 = vector.broadcast %parallel_loop3A_209 : i32 to vector<16xi32>
        %parallel_loop3A_211 = arith.cmpi eq, %iota3A, %parallel_loop3A_210 : vector<16xi32>
        %parallel_loop3A_212 = arith.select %parallel_loop3A_211, %parallel_loop3A_208, %parallel_loop3A_187 : vector<16xi1>, vector<16xf32>
        %parallel_loop3A_213 = arith.index_cast %parallel_loop3A_159 : i32 to index
        %parallel_loop3A_214 = arith.constant 32 : index
        %parallel_loop3A_215 = tpu.vector_load %arg13[%parallel_loop3A_213, %parallel_loop3A_214] {strides = array<i32>} : memref<32x128xf32, #tpu.memory_space<vmem>>, vector<16xf32>,
        %parallel_loop3A_216 = arith.index_cast %parallel_loop3A_159 : i32 to index
        %parallel_loop3A_217 = arith.constant 32 : index
        %parallel_loop3A_218 = tpu.vector_load %arg15[%parallel_loop3A_216, %parallel_loop3A_217] {strides = array<i32>} : memref<32x256xf32, #tpu.memory_space<vmem>>, vector<16xf32>,
        %parallel_loop3A_219 = arith.index_cast %parallel_loop3A_159 : i32 to index
        %parallel_loop3A_220 = arith.constant 32 : index
        %parallel_loop3A_221 = tpu.vector_load %arg11[%parallel_loop3A_219, %parallel_loop3A_220] {strides = array<i32>} : memref<32x128xf32, #tpu.memory_space<vmem>>, vector<16xf32>,
        %parallel_loop3A_222 = arith.addf %parallel_loop3A_218, %parallel_loop3A_221 : vector<16xf32>
        %parallel_loop3A_223 = arith.mulf %parallel_loop3A_215, %parallel_loop3A_222 : vector<16xf32>
        %parallel_loop3A_224 = arith.constant true
        %parallel_loop3A_225 = vector.broadcast %parallel_loop3A_224 : i1 to vector<16xi1>
        %parallel_loop3A_226 = tpu.scan <sum>, %parallel_loop3A_223 masked %parallel_loop3A_225 : vector<16xf32>, vector<16xi1> -> vector<16xf32>
        %parallel_loop3A_227 = vector.extract %parallel_loop3A_226[15] : f32 from vector<16xf32>
        %parallel_loop3A_228 = vector.broadcast %parallel_loop3A_227 : f32 to vector<16xf32>
        %parallel_loop3A_229 = arith.addf %parallel_loop3A_228, %broadcast_in_dim3A_5 : vector<16xf32>
        %parallel_loop3A_230 = math.exp %parallel_loop3A_229 : vector<16xf32>
        %parallel_loop3A_231 = arith.constant 0.000000e+00 : f32
        %parallel_loop3A_232 = vector.broadcast %parallel_loop3A_231 : f32 to vector<16xf32>
        %parallel_loop3A_233 = arith.select %parallel_loop3A_162, %parallel_loop3A_230, %parallel_loop3A_232 : vector<16xf32>
        %parallel_loop3A_234 = arith.constant 2 : i32
        %parallel_loop3A_235 = vector.broadcast %parallel_loop3A_234 : i32 to vector<16xi32>
        %parallel_loop3A_236 = arith.cmpi eq, %iota3A, %parallel_loop3A_235 : vector<16xi32>
        %parallel_loop3A_237 = arith.select %parallel_loop3A_236, %parallel_loop3A_233, %parallel_loop3A_212 : vector<16xi1>, vector<16xf32>
        %parallel_loop3A_238 = arith.index_cast %parallel_loop3A_159 : i32 to index
        %parallel_loop3A_239 = arith.constant 48 : index
        %parallel_loop3A_240 = tpu.vector_load %arg13[%parallel_loop3A_238, %parallel_loop3A_239] {strides = array<i32>} : memref<32x128xf32, #tpu.memory_space<vmem>>, vector<16xf32>,
        %parallel_loop3A_241 = arith.index_cast %parallel_loop3A_159 : i32 to index
        %parallel_loop3A_242 = arith.constant 48 : index
        %parallel_loop3A_243 = tpu.vector_load %arg15[%parallel_loop3A_241, %parallel_loop3A_242] {strides = array<i32>} : memref<32x256xf32, #tpu.memory_space<vmem>>, vector<16xf32>,
        %parallel_loop3A_244 = arith.index_cast %parallel_loop3A_159 : i32 to index
        %parallel_loop3A_245 = arith.constant 48 : index
        %parallel_loop3A_246 = tpu.vector_load %arg11[%parallel_loop3A_244, %parallel_loop3A_245] {strides = array<i32>} : memref<32x128xf32, #tpu.memory_space<vmem>>, vector<16xf32>,
        %parallel_loop3A_247 = arith.addf %parallel_loop3A_243, %parallel_loop3A_246 : vector<16xf32>
        %parallel_loop3A_248 = arith.mulf %parallel_loop3A_240, %parallel_loop3A_247 : vector<16xf32>
        %parallel_loop3A_249 = arith.constant true
        %parallel_loop3A_250 = vector.broadcast %parallel_loop3A_249 : i1 to vector<16xi1>
        %parallel_loop3A_251 = tpu.scan <sum>, %parallel_loop3A_248 masked %parallel_loop3A_250 : vector<16xf32>, vector<16xi1> -> vector<16xf32>
        %parallel_loop3A_252 = vector.extract %parallel_loop3A_251[15] : f32 from vector<16xf32>
        %parallel_loop3A_253 = vector.broadcast %parallel_loop3A_252 : f32 to vector<16xf32>
        %parallel_loop3A_254 = arith.addf %parallel_loop3A_253, %broadcast_in_dim3A_5 : vector<16xf32>
        %parallel_loop3A_255 = math.exp %parallel_loop3A_254 : vector<16xf32>
        %parallel_loop3A_256 = arith.constant 0.000000e+00 : f32
        %parallel_loop3A_257 = vector.broadcast %parallel_loop3A_256 : f32 to vector<16xf32>
        %parallel_loop3A_258 = arith.select %parallel_loop3A_162, %parallel_loop3A_255, %parallel_loop3A_257 : vector<16xf32>
        %parallel_loop3A_259 = arith.constant 3 : i32
        %parallel_loop3A_260 = vector.broadcast %parallel_loop3A_259 : i32 to vector<16xi32>
        %parallel_loop3A_261 = arith.cmpi eq, %iota3A, %parallel_loop3A_260 : vector<16xi32>
        %parallel_loop3A_262 = arith.select %parallel_loop3A_261, %parallel_loop3A_258, %parallel_loop3A_237 : vector<16xi1>, vector<16xf32>
        %parallel_loop3A_263 = arith.index_cast %parallel_loop3A_159 : i32 to index
        %parallel_loop3A_264 = arith.constant 64 : index
        %parallel_loop3A_265 = tpu.vector_load %arg13[%parallel_loop3A_263, %parallel_loop3A_264] {strides = array<i32>} : memref<32x128xf32, #tpu.memory_space<vmem>>, vector<16xf32>,
        %parallel_loop3A_266 = arith.index_cast %parallel_loop3A_159 : i32 to index
        %parallel_loop3A_267 = arith.constant 64 : index
        %parallel_loop3A_268 = tpu.vector_load %arg15[%parallel_loop3A_266, %parallel_loop3A_267] {strides = array<i32>} : memref<32x256xf32, #tpu.memory_space<vmem>>, vector<16xf32>,
        %parallel_loop3A_269 = arith.index_cast %parallel_loop3A_159 : i32 to index
        %parallel_loop3A_270 = arith.constant 64 : index
        %parallel_loop3A_271 = tpu.vector_load %arg11[%parallel_loop3A_269, %parallel_loop3A_270] {strides = array<i32>} : memref<32x128xf32, #tpu.memory_space<vmem>>, vector<16xf32>,
        %parallel_loop3A_272 = arith.addf %parallel_loop3A_268, %parallel_loop3A_271 : vector<16xf32>
        %parallel_loop3A_273 = arith.mulf %parallel_loop3A_265, %parallel_loop3A_272 : vector<16xf32>
        %parallel_loop3A_274 = arith.constant true
        %parallel_loop3A_275 = vector.broadcast %parallel_loop3A_274 : i1 to vector<16xi1>
        %parallel_loop3A_276 = tpu.scan <sum>, %parallel_loop3A_273 masked %parallel_loop3A_275 : vector<16xf32>, vector<16xi1> -> vector<16xf32>
        %parallel_loop3A_277 = vector.extract %parallel_loop3A_276[15] : f32 from vector<16xf32>
        %parallel_loop3A_278 = vector.broadcast %parallel_loop3A_277 : f32 to vector<16xf32>
        %parallel_loop3A_279 = arith.addf %parallel_loop3A_278, %broadcast_in_dim3A_5 : vector<16xf32>
        %parallel_loop3A_280 = math.exp %parallel_loop3A_279 : vector<16xf32>
        %parallel_loop3A_281 = arith.constant 0.000000e+00 : f32
        %parallel_loop3A_282 = vector.broadcast %parallel_loop3A_281 : f32 to vector<16xf32>
        %parallel_loop3A_283 = arith.select %parallel_loop3A_162, %parallel_loop3A_280, %parallel_loop3A_282 : vector<16xf32>
        %parallel_loop3A_284 = arith.constant 4 : i32
        %parallel_loop3A_285 = vector.broadcast %parallel_loop3A_284 : i32 to vector<16xi32>
        %parallel_loop3A_286 = arith.cmpi eq, %iota3A, %parallel_loop3A_285 : vector<16xi32>
        %parallel_loop3A_287 = arith.select %parallel_loop3A_286, %parallel_loop3A_283, %parallel_loop3A_262 : vector<16xi1>, vector<16xf32>
        %parallel_loop3A_288 = arith.index_cast %parallel_loop3A_159 : i32 to index
        %parallel_loop3A_289 = arith.constant 80 : index
        %parallel_loop3A_290 = tpu.vector_load %arg13[%parallel_loop3A_288, %parallel_loop3A_289] {strides = array<i32>} : memref<32x128xf32, #tpu.memory_space<vmem>>, vector<16xf32>,
        %parallel_loop3A_291 = arith.index_cast %parallel_loop3A_159 : i32 to index
        %parallel_loop3A_292 = arith.constant 80 : index
        %parallel_loop3A_293 = tpu.vector_load %arg15[%parallel_loop3A_291, %parallel_loop3A_292] {strides = array<i32>} : memref<32x256xf32, #tpu.memory_space<vmem>>, vector<16xf32>,
        %parallel_loop3A_294 = arith.index_cast %parallel_loop3A_159 : i32 to index
        %parallel_loop3A_295 = arith.constant 80 : index
        %parallel_loop3A_296 = tpu.vector_load %arg11[%parallel_loop3A_294, %parallel_loop3A_295] {strides = array<i32>} : memref<32x128xf32, #tpu.memory_space<vmem>>, vector<16xf32>,
        %parallel_loop3A_297 = arith.addf %parallel_loop3A_293, %parallel_loop3A_296 : vector<16xf32>
        %parallel_loop3A_298 = arith.mulf %parallel_loop3A_290, %parallel_loop3A_297 : vector<16xf32>
        %parallel_loop3A_299 = arith.constant true
        %parallel_loop3A_300 = vector.broadcast %parallel_loop3A_299 : i1 to vector<16xi1>
        %parallel_loop3A_301 = tpu.scan <sum>, %parallel_loop3A_298 masked %parallel_loop3A_300 : vector<16xf32>, vector<16xi1> -> vector<16xf32>
        %parallel_loop3A_302 = vector.extract %parallel_loop3A_301[15] : f32 from vector<16xf32>
        %parallel_loop3A_303 = vector.broadcast %parallel_loop3A_302 : f32 to vector<16xf32>
        %parallel_loop3A_304 = arith.addf %parallel_loop3A_303, %broadcast_in_dim3A_5 : vector<16xf32>
        %parallel_loop3A_305 = math.exp %parallel_loop3A_304 : vector<16xf32>
        %parallel_loop3A_306 = arith.constant 0.000000e+00 : f32
        %parallel_loop3A_307 = vector.broadcast %parallel_loop3A_306 : f32 to vector<16xf32>
        %parallel_loop3A_308 = arith.select %parallel_loop3A_162, %parallel_loop3A_305, %parallel_loop3A_307 : vector<16xf32>
        %parallel_loop3A_309 = arith.constant 5 : i32
        %parallel_loop3A_310 = vector.broadcast %parallel_loop3A_309 : i32 to vector<16xi32>
        %parallel_loop3A_311 = arith.cmpi eq, %iota3A, %parallel_loop3A_310 : vector<16xi32>
        %parallel_loop3A_312 = arith.select %parallel_loop3A_311, %parallel_loop3A_308, %parallel_loop3A_287 : vector<16xi1>, vector<16xf32>
        %parallel_loop3A_313 = arith.index_cast %parallel_loop3A_159 : i32 to index
        %parallel_loop3A_314 = arith.constant 96 : index
        %parallel_loop3A_315 = tpu.vector_load %arg13[%parallel_loop3A_313, %parallel_loop3A_314] {strides = array<i32>} : memref<32x128xf32, #tpu.memory_space<vmem>>, vector<16xf32>,
        %parallel_loop3A_316 = arith.index_cast %parallel_loop3A_159 : i32 to index
        %parallel_loop3A_317 = arith.constant 96 : index
        %parallel_loop3A_318 = tpu.vector_load %arg15[%parallel_loop3A_316, %parallel_loop3A_317] {strides = array<i32>} : memref<32x256xf32, #tpu.memory_space<vmem>>, vector<16xf32>,
        %parallel_loop3A_319 = arith.index_cast %parallel_loop3A_159 : i32 to index
        %parallel_loop3A_320 = arith.constant 96 : index
        %parallel_loop3A_321 = tpu.vector_load %arg11[%parallel_loop3A_319, %parallel_loop3A_320] {strides = array<i32>} : memref<32x128xf32, #tpu.memory_space<vmem>>, vector<16xf32>,
        %parallel_loop3A_322 = arith.addf %parallel_loop3A_318, %parallel_loop3A_321 : vector<16xf32>
        %parallel_loop3A_323 = arith.mulf %parallel_loop3A_315, %parallel_loop3A_322 : vector<16xf32>
        %parallel_loop3A_324 = arith.constant true
        %parallel_loop3A_325 = vector.broadcast %parallel_loop3A_324 : i1 to vector<16xi1>
        %parallel_loop3A_326 = tpu.scan <sum>, %parallel_loop3A_323 masked %parallel_loop3A_325 : vector<16xf32>, vector<16xi1> -> vector<16xf32>
        %parallel_loop3A_327 = vector.extract %parallel_loop3A_326[15] : f32 from vector<16xf32>
        %parallel_loop3A_328 = vector.broadcast %parallel_loop3A_327 : f32 to vector<16xf32>
        %parallel_loop3A_329 = arith.addf %parallel_loop3A_328, %broadcast_in_dim3A_5 : vector<16xf32>
        %parallel_loop3A_330 = math.exp %parallel_loop3A_329 : vector<16xf32>
        %parallel_loop3A_331 = arith.constant 0.000000e+00 : f32
        %parallel_loop3A_332 = vector.broadcast %parallel_loop3A_331 : f32 to vector<16xf32>
        %parallel_loop3A_333 = arith.select %parallel_loop3A_162, %parallel_loop3A_330, %parallel_loop3A_332 : vector<16xf32>
        %parallel_loop3A_334 = arith.constant 6 : i32
        %parallel_loop3A_335 = vector.broadcast %parallel_loop3A_334 : i32 to vector<16xi32>
        %parallel_loop3A_336 = arith.cmpi eq, %iota3A, %parallel_loop3A_335 : vector<16xi32>
        %parallel_loop3A_337 = arith.select %parallel_loop3A_336, %parallel_loop3A_333, %parallel_loop3A_312 : vector<16xi1>, vector<16xf32>
        %parallel_loop3A_338 = arith.index_cast %parallel_loop3A_159 : i32 to index
        %parallel_loop3A_339 = arith.constant 112 : index
        %parallel_loop3A_340 = tpu.vector_load %arg13[%parallel_loop3A_338, %parallel_loop3A_339] {strides = array<i32>} : memref<32x128xf32, #tpu.memory_space<vmem>>, vector<16xf32>,
        %parallel_loop3A_341 = arith.index_cast %parallel_loop3A_159 : i32 to index
        %parallel_loop3A_342 = arith.constant 112 : index
        %parallel_loop3A_343 = tpu.vector_load %arg15[%parallel_loop3A_341, %parallel_loop3A_342] {strides = array<i32>} : memref<32x256xf32, #tpu.memory_space<vmem>>, vector<16xf32>,
        %parallel_loop3A_344 = arith.index_cast %parallel_loop3A_159 : i32 to index
        %parallel_loop3A_345 = arith.constant 112 : index
        %parallel_loop3A_346 = tpu.vector_load %arg11[%parallel_loop3A_344, %parallel_loop3A_345] {strides = array<i32>} : memref<32x128xf32, #tpu.memory_space<vmem>>, vector<16xf32>,
        %parallel_loop3A_347 = arith.addf %parallel_loop3A_343, %parallel_loop3A_346 : vector<16xf32>
        %parallel_loop3A_348 = arith.mulf %parallel_loop3A_340, %parallel_loop3A_347 : vector<16xf32>
        %parallel_loop3A_349 = arith.constant true
        %parallel_loop3A_350 = vector.broadcast %parallel_loop3A_349 : i1 to vector<16xi1>
        %parallel_loop3A_351 = tpu.scan <sum>, %parallel_loop3A_348 masked %parallel_loop3A_350 : vector<16xf32>, vector<16xi1> -> vector<16xf32>
        %parallel_loop3A_352 = vector.extract %parallel_loop3A_351[15] : f32 from vector<16xf32>
        %parallel_loop3A_353 = vector.broadcast %parallel_loop3A_352 : f32 to vector<16xf32>
        %parallel_loop3A_354 = arith.addf %parallel_loop3A_353, %broadcast_in_dim3A_5 : vector<16xf32>
        %parallel_loop3A_355 = math.exp %parallel_loop3A_354 : vector<16xf32>
        %parallel_loop3A_356 = arith.constant 0.000000e+00 : f32
        %parallel_loop3A_357 = vector.broadcast %parallel_loop3A_356 : f32 to vector<16xf32>
        %parallel_loop3A_358 = arith.select %parallel_loop3A_162, %parallel_loop3A_355, %parallel_loop3A_357 : vector<16xf32>
        %parallel_loop3A_359 = arith.constant 7 : i32
        %parallel_loop3A_360 = vector.broadcast %parallel_loop3A_359 : i32 to vector<16xi32>
        %parallel_loop3A_361 = arith.cmpi eq, %iota3A, %parallel_loop3A_360 : vector<16xi32>
        %parallel_loop3A_362 = arith.select %parallel_loop3A_361, %parallel_loop3A_358, %parallel_loop3A_337 : vector<16xi1>, vector<16xf32>
        %parallel_loop3A_363 = arith.index_cast %parallel_loop3A_159 : i32 to index
        %parallel_loop3A_364 = arith.constant 128 : index
        %parallel_loop3A_365 = tpu.vector_load %arg15[%parallel_loop3A_363, %parallel_loop3A_364] {strides = array<i32>} : memref<32x256xf32, #tpu.memory_space<vmem>>, vector<16xf32>,
        %parallel_loop3A_366 = arith.addf %parallel_loop3A_365, %parallel_loop3A_171 : vector<16xf32>
        %parallel_loop3A_367 = arith.mulf %parallel_loop3A_183, %parallel_loop3A_366 : vector<16xf32>
        %parallel_loop3A_368 = arith.index_cast %parallel_loop3A_159 : i32 to index
        %parallel_loop3A_369 = arith.constant 0 : index
        %parallel_loop3A_370 = tpu.vector_load %arg16[%parallel_loop3A_368, %parallel_loop3A_369] {strides = array<i32>} : memref<32x136xf32, #tpu.memory_space<vmem>>, vector<16xf32>,
        tpu.vector_store %arg16[%parallel_loop3A_368, %parallel_loop3A_369], %parallel_loop3A_367 {strides = array<i32>} : memref<32x136xf32, #tpu.memory_space<vmem>>, vector<16xf32>,
        %parallel_loop3A_371 = arith.index_cast %parallel_loop3A_159 : i32 to index
        %parallel_loop3A_372 = arith.constant 144 : index
        %parallel_loop3A_373 = tpu.vector_load %arg15[%parallel_loop3A_371, %parallel_loop3A_372] {strides = array<i32>} : memref<32x256xf32, #tpu.memory_space<vmem>>, vector<16xf32>,
        %parallel_loop3A_374 = arith.addf %parallel_loop3A_373, %parallel_loop3A_196 : vector<16xf32>
        %parallel_loop3A_375 = arith.mulf %parallel_loop3A_208, %parallel_loop3A_374 : vector<16xf32>
        %parallel_loop3A_376 = arith.index_cast %parallel_loop3A_159 : i32 to index
        %parallel_loop3A_377 = arith.constant 16 : index
        %parallel_loop3A_378 = tpu.vector_load %arg16[%parallel_loop3A_376, %parallel_loop3A_377] {strides = array<i32>} : memref<32x136xf32, #tpu.memory_space<vmem>>, vector<16xf32>,
        tpu.vector_store %arg16[%parallel_loop3A_376, %parallel_loop3A_377], %parallel_loop3A_375 {strides = array<i32>} : memref<32x136xf32, #tpu.memory_space<vmem>>, vector<16xf32>,
        %parallel_loop3A_379 = arith.index_cast %parallel_loop3A_159 : i32 to index
        %parallel_loop3A_380 = arith.constant 160 : index
        %parallel_loop3A_381 = tpu.vector_load %arg15[%parallel_loop3A_379, %parallel_loop3A_380] {strides = array<i32>} : memref<32x256xf32, #tpu.memory_space<vmem>>, vector<16xf32>,
        %parallel_loop3A_382 = arith.addf %parallel_loop3A_381, %parallel_loop3A_221 : vector<16xf32>
        %parallel_loop3A_383 = arith.mulf %parallel_loop3A_233, %parallel_loop3A_382 : vector<16xf32>
        %parallel_loop3A_384 = arith.index_cast %parallel_loop3A_159 : i32 to index
        %parallel_loop3A_385 = arith.constant 32 : index
        %parallel_loop3A_386 = tpu.vector_load %arg16[%parallel_loop3A_384, %parallel_loop3A_385] {strides = array<i32>} : memref<32x136xf32, #tpu.memory_space<vmem>>, vector<16xf32>,
        tpu.vector_store %arg16[%parallel_loop3A_384, %parallel_loop3A_385], %parallel_loop3A_383 {strides = array<i32>} : memref<32x136xf32, #tpu.memory_space<vmem>>, vector<16xf32>,
        %parallel_loop3A_387 = arith.index_cast %parallel_loop3A_159 : i32 to index
        %parallel_loop3A_388 = arith.constant 176 : index
        %parallel_loop3A_389 = tpu.vector_load %arg15[%parallel_loop3A_387, %parallel_loop3A_388] {strides = array<i32>} : memref<32x256xf32, #tpu.memory_space<vmem>>, vector<16xf32>,
        %parallel_loop3A_390 = arith.addf %parallel_loop3A_389, %parallel_loop3A_246 : vector<16xf32>
        %parallel_loop3A_391 = arith.mulf %parallel_loop3A_258, %parallel_loop3A_390 : vector<16xf32>
        %parallel_loop3A_392 = arith.index_cast %parallel_loop3A_159 : i32 to index
        %parallel_loop3A_393 = arith.constant 48 : index
        %parallel_loop3A_394 = tpu.vector_load %arg16[%parallel_loop3A_392, %parallel_loop3A_393] {strides = array<i32>} : memref<32x136xf32, #tpu.memory_space<vmem>>, vector<16xf32>,
        tpu.vector_store %arg16[%parallel_loop3A_392, %parallel_loop3A_393], %parallel_loop3A_391 {strides = array<i32>} : memref<32x136xf32, #tpu.memory_space<vmem>>, vector<16xf32>,
        %parallel_loop3A_395 = arith.index_cast %parallel_loop3A_159 : i32 to index
        %parallel_loop3A_396 = arith.constant 192 : index
        %parallel_loop3A_397 = tpu.vector_load %arg15[%parallel_loop3A_395, %parallel_loop3A_396] {strides = array<i32>} : memref<32x256xf32, #tpu.memory_space<vmem>>, vector<16xf32>,
        %parallel_loop3A_398 = arith.addf %parallel_loop3A_397, %parallel_loop3A_271 : vector<16xf32>
        %parallel_loop3A_399 = arith.mulf %parallel_loop3A_283, %parallel_loop3A_398 : vector<16xf32>
        %parallel_loop3A_400 = arith.index_cast %parallel_loop3A_159 : i32 to index
        %parallel_loop3A_401 = arith.constant 64 : index
        %parallel_loop3A_402 = tpu.vector_load %arg16[%parallel_loop3A_400, %parallel_loop3A_401] {strides = array<i32>} : memref<32x136xf32, #tpu.memory_space<vmem>>, vector<16xf32>,
        tpu.vector_store %arg16[%parallel_loop3A_400, %parallel_loop3A_401], %parallel_loop3A_399 {strides = array<i32>} : memref<32x136xf32, #tpu.memory_space<vmem>>, vector<16xf32>,
        %parallel_loop3A_403 = arith.index_cast %parallel_loop3A_159 : i32 to index
        %parallel_loop3A_404 = arith.constant 208 : index
        %parallel_loop3A_405 = tpu.vector_load %arg15[%parallel_loop3A_403, %parallel_loop3A_404] {strides = array<i32>} : memref<32x256xf32, #tpu.memory_space<vmem>>, vector<16xf32>,
        %parallel_loop3A_406 = arith.addf %parallel_loop3A_405, %parallel_loop3A_296 : vector<16xf32>
        %parallel_loop3A_407 = arith.mulf %parallel_loop3A_308, %parallel_loop3A_406 : vector<16xf32>
        %parallel_loop3A_408 = arith.index_cast %parallel_loop3A_159 : i32 to index
        %parallel_loop3A_409 = arith.constant 80 : index
        %parallel_loop3A_410 = tpu.vector_load %arg16[%parallel_loop3A_408, %parallel_loop3A_409] {strides = array<i32>} : memref<32x136xf32, #tpu.memory_space<vmem>>, vector<16xf32>,
        tpu.vector_store %arg16[%parallel_loop3A_408, %parallel_loop3A_409], %parallel_loop3A_407 {strides = array<i32>} : memref<32x136xf32, #tpu.memory_space<vmem>>, vector<16xf32>,
        %parallel_loop3A_411 = arith.index_cast %parallel_loop3A_159 : i32 to index
        %parallel_loop3A_412 = arith.constant 224 : index
        %parallel_loop3A_413 = tpu.vector_load %arg15[%parallel_loop3A_411, %parallel_loop3A_412] {strides = array<i32>} : memref<32x256xf32, #tpu.memory_space<vmem>>, vector<16xf32>,
        %parallel_loop3A_414 = arith.addf %parallel_loop3A_413, %parallel_loop3A_321 : vector<16xf32>
        %parallel_loop3A_415 = arith.mulf %parallel_loop3A_333, %parallel_loop3A_414 : vector<16xf32>
        %parallel_loop3A_416 = arith.index_cast %parallel_loop3A_159 : i32 to index
        %parallel_loop3A_417 = arith.constant 96 : index
        %parallel_loop3A_418 = tpu.vector_load %arg16[%parallel_loop3A_416, %parallel_loop3A_417] {strides = array<i32>} : memref<32x136xf32, #tpu.memory_space<vmem>>, vector<16xf32>,
        tpu.vector_store %arg16[%parallel_loop3A_416, %parallel_loop3A_417], %parallel_loop3A_415 {strides = array<i32>} : memref<32x136xf32, #tpu.memory_space<vmem>>, vector<16xf32>,
        %parallel_loop3A_419 = arith.index_cast %parallel_loop3A_159 : i32 to index
        %parallel_loop3A_420 = arith.constant 240 : index
        %parallel_loop3A_421 = tpu.vector_load %arg15[%parallel_loop3A_419, %parallel_loop3A_420] {strides = array<i32>} : memref<32x256xf32, #tpu.memory_space<vmem>>, vector<16xf32>,
        %parallel_loop3A_422 = arith.addf %parallel_loop3A_421, %parallel_loop3A_346 : vector<16xf32>
        %parallel_loop3A_423 = arith.mulf %parallel_loop3A_358, %parallel_loop3A_422 : vector<16xf32>
        %parallel_loop3A_424 = arith.index_cast %parallel_loop3A_159 : i32 to index
        %parallel_loop3A_425 = arith.constant 112 : index
        %parallel_loop3A_426 = tpu.vector_load %arg16[%parallel_loop3A_424, %parallel_loop3A_425] {strides = array<i32>} : memref<32x136xf32, #tpu.memory_space<vmem>>, vector<16xf32>,
        tpu.vector_store %arg16[%parallel_loop3A_424, %parallel_loop3A_425], %parallel_loop3A_423 {strides = array<i32>} : memref<32x136xf32, #tpu.memory_space<vmem>>, vector<16xf32>,
        %parallel_loop3A_427 = vector.broadcast %parallel_loop3A_159 : i32 to vector<16xi32>
        %parallel_loop3A_428 = arith.addi %parallel_loop3A_427, %broadcast_in_dim3A_3 : vector<16xi32>
        %parallel_loop3A_429 = arith.constant 128 : i32
        %parallel_loop3A_430 = vector.broadcast %parallel_loop3A_429 : i32 to vector<16xi32>
        %parallel_loop3A_431 = arith.addi %parallel_loop3A_430, %iota3A : vector<16xi32>
        %parallel_loop3A_432 = arith.constant 8 : i32
        %parallel_loop3A_433 = vector.broadcast %parallel_loop3A_432 : i32 to vector<16xi32>
        %parallel_loop3A_434 = arith.cmpi slt, %iota3A, %parallel_loop3A_433 : vector<16xi32>
        tpu.vector_store_idx %arg16[%parallel_loop3A_428, %parallel_loop3A_431], %parallel_loop3A_362 masked %parallel_loop3A_434 : memref<32x136xf32, #tpu.memory_space<vmem>>[vector<16xi32>, vector<16xi32>], vector<16xf32>, vector<16xi1>
      } {sc.loop_unroll_factor = 4 : i64, sc.parallel_access}
      %run_scoped3A_158 = arith.constant 1 : i32
      "tpu.region"() ({
        %run_scoped3A_159 = tpu.sem_alloc : memref<!tpu.dma_semaphore, #tpu.memory_space<semaphore_mem>>
        %dma_start3A_160 = arith.constant 0 : i32
        %dma_start3A_161 = tpu.memref_slice %arg9[%run_scoped3A_158, %dma_start3A_160] : memref<2x32xi32, #tpu.memory_space<vmem>> -> memref<1x32xi32, #tpu.memory_space<vmem>>
        %dma_start3A_162 = tpu.memref_squeeze %dma_start3A_161 : memref<1x32xi32, #tpu.memory_space<vmem>> -> memref<32xi32, #tpu.memory_space<vmem>>
        %dma_start3A_163 = arith.constant 0 : i32
        %dma_start3A_164 = arith.constant 0 : i32
        %dma_start3A_165 = tpu.memref_slice %arg17[%dma_start3A_163, %dma_start3A_164] : memref<10240x136xf32, #tpu.memory_space<vmem_shared>> -> memref<10240x136xf32, #tpu.memory_space<vmem_shared>>
        tpu.enqueue_indirect_dma source(%arg16 : memref<32x136xf32, #tpu.memory_space<vmem>>) target(%dma_start3A_165 : memref<10240x136xf32, #tpu.memory_space<vmem_shared>>) offsets(%dma_start3A_162 : memref<32xi32, #tpu.memory_space<vmem>>) semaphore(%run_scoped3A_159 : memref<!tpu.dma_semaphore, #tpu.memory_space<semaphore_mem>>) {add = true}
        %dma_wait3A_166 = arith.constant 0 : i32
        %dma_wait3A_167 = tpu.memref_slice %arg9[%run_scoped3A_158, %dma_wait3A_166] : memref<2x32xi32, #tpu.memory_space<vmem>> -> memref<1x32xi32, #tpu.memory_space<vmem>>
        %dma_wait3A_168 = tpu.memref_squeeze %dma_wait3A_167 : memref<1x32xi32, #tpu.memory_space<vmem>> -> memref<32xi32, #tpu.memory_space<vmem>>
        %dma_wait3A_169 = arith.constant 0 : i32
        %dma_wait3A_170 = arith.constant 0 : i32
        %dma_wait3A_171 = tpu.memref_slice %arg17[%dma_wait3A_169, %dma_wait3A_170] : memref<10240x136xf32, #tpu.memory_space<vmem_shared>> -> memref<10240x136xf32, #tpu.memory_space<vmem_shared>>
        tpu.wait_indirect_dma semaphore(%run_scoped3A_159 : memref<!tpu.dma_semaphore, #tpu.memory_space<semaphore_mem>>) src(%arg16 : memref<32x136xf32, #tpu.memory_space<vmem>>) dst(%dma_wait3A_171 : memref<10240x136xf32, #tpu.memory_space<vmem_shared>>)
        tpu.yield
      }) : () -> ()
    }
    %scan3A_31 = arith.constant 160 : i32
    %dma_wait3A = arith.constant 0 : i32
    %dma_wait3A_32 = arith.constant 0 : i32
    %dma_wait3A_33 = tpu.memref_slice %arg3[%dma_wait3A, %dma_wait3A_32] : memref<327680x128xf32, #tpu.memory_space<hbm>> -> memref<32x128xf32, #tpu.memory_space<hbm>>
    %dma_wait3A_34 = arith.constant 0 : i32
    %dma_wait3A_35 = arith.constant 0 : i32
    %dma_wait3A_36 = tpu.memref_slice %arg3[%dma_wait3A_34, %dma_wait3A_35] : memref<327680x128xf32, #tpu.memory_space<hbm>> -> memref<32x128xf32, #tpu.memory_space<hbm>>
    tpu.wait_dma2 semaphore(%arg18 : memref<!tpu.dma_semaphore, #tpu.memory_space<semaphore_mem>>) src(%dma_wait3A_36 : memref<32x128xf32, #tpu.memory_space<hbm>>) dst(%arg10 : memref<32x128xf32, #tpu.memory_space<vmem>>)
    %dma_wait3A_37 = arith.constant 0 : i32
    %dma_wait3A_38 = arith.constant 0 : i32
    %dma_wait3A_39 = tpu.memref_slice %arg3[%dma_wait3A_37, %dma_wait3A_38] : memref<327680x128xf32, #tpu.memory_space<hbm>> -> memref<32x128xf32, #tpu.memory_space<hbm>>
    %dma_wait3A_40 = arith.constant 0 : i32
    %dma_wait3A_41 = arith.constant 0 : i32
    %dma_wait3A_42 = tpu.memref_slice %arg3[%dma_wait3A_40, %dma_wait3A_41] : memref<327680x128xf32, #tpu.memory_space<hbm>> -> memref<32x128xf32, #tpu.memory_space<hbm>>
    tpu.wait_dma2 semaphore(%arg18 : memref<!tpu.dma_semaphore, #tpu.memory_space<semaphore_mem>>) src(%dma_wait3A_42 : memref<32x128xf32, #tpu.memory_space<hbm>>) dst(%arg12 : memref<32x128xf32, #tpu.memory_space<vmem>>)
    %dma_wait3A_43 = arith.constant 0 : i32
    %dma_wait3A_44 = arith.constant 0 : i32
    %dma_wait3A_45 = tpu.memref_slice %arg5[%dma_wait3A_43, %dma_wait3A_44] : memref<10000x256xf32, #tpu.memory_space<hbm>> -> memref<32x256xf32, #tpu.memory_space<hbm>>
    %dma_wait3A_46 = arith.constant 0 : i32
    %dma_wait3A_47 = arith.constant 0 : i32
    %dma_wait3A_48 = tpu.memref_slice %arg5[%dma_wait3A_46, %dma_wait3A_47] : memref<10000x256xf32, #tpu.memory_space<hbm>> -> memref<32x256xf32, #tpu.memory_space<hbm>>
    tpu.wait_dma2 semaphore(%arg18 : memref<!tpu.dma_semaphore, #tpu.memory_space<semaphore_mem>>) src(%dma_wait3A_48 : memref<32x256xf32, #tpu.memory_space<hbm>>) dst(%arg14 : memref<32x256xf32, #tpu.memory_space<vmem>>)
    %barrier3A_49 = arith.constant 0 : index
    tpu.barrier barrier_id(%barrier3A_49)
    %mul3A_50 = arith.constant 10240 : i32
    %mul3A_51 = arith.muli %arg0, %mul3A_50 : i32
    %add3A_52 = arith.addi %mul3A_51, %mul3A_2 : i32
    "tpu.region"() ({
      %run_scoped3A = tpu.sem_alloc : memref<!tpu.dma_semaphore, #tpu.memory_space<semaphore_mem>>
      %dma_start3A_53 = arith.constant 0 : i32
      %dma_start3A_54 = tpu.memref_slice %arg7[%add3A_52, %dma_start3A_53] : memref<20480x136xf32, #tpu.memory_space<hbm>> -> memref<640x136xf32, #tpu.memory_space<hbm>>
      %dma_start3A_55 = arith.constant 0 : i32
      %dma_start3A_56 = tpu.memref_slice %arg17[%mul3A_2, %dma_start3A_55] : memref<10240x136xf32, #tpu.memory_space<vmem_shared>> -> memref<640x136xf32, #tpu.memory_space<vmem_shared>>
      tpu.enqueue_dma source(%dma_start3A_56 : memref<640x136xf32, #tpu.memory_space<vmem_shared>>) target(%dma_start3A_54 : memref<640x136xf32, #tpu.memory_space<hbm>>) target_semaphore(%run_scoped3A : memref<!tpu.dma_semaphore, #tpu.memory_space<semaphore_mem>>)
      %dma_wait3A_57 = arith.constant 0 : i32
      %dma_wait3A_58 = tpu.memref_slice %arg7[%add3A_52, %dma_wait3A_57] : memref<20480x136xf32, #tpu.memory_space<hbm>> -> memref<640x136xf32, #tpu.memory_space<hbm>>
      %dma_wait3A_59 = arith.constant 0 : i32
      %dma_wait3A_60 = tpu.memref_slice %arg17[%mul3A_2, %dma_wait3A_59] : memref<10240x136xf32, #tpu.memory_space<vmem_shared>> -> memref<640x136xf32, #tpu.memory_space<vmem_shared>>
      tpu.wait_dma2 semaphore(%run_scoped3A : memref<!tpu.dma_semaphore, #tpu.memory_space<semaphore_mem>>) src(%dma_wait3A_60 : memref<640x136xf32, #tpu.memory_space<vmem_shared>>) dst(%dma_wait3A_58 : memref<640x136xf32, #tpu.memory_space<hbm>>)
      tpu.yield
    }) : () -> ()
    return
  }
}

module attributes {stable_mosaic.version = 14 : i64} {
  func.func @_nodes_body(%arg0: i32, %arg1: memref<400x128xf32, #tpu.memory_space<vmem>>, %arg2: memref<128x128xf32, #tpu.memory_space<vmem>>, %arg3: memref<1x128xf32, #tpu.memory_space<vmem>>, %arg4: memref<128x128xf32, #tpu.memory_space<vmem>>, %arg5: memref<1x128xf32, #tpu.memory_space<vmem>>, %arg6: memref<128x128xf32, #tpu.memory_space<vmem>>, %arg7: memref<1x128xf32, #tpu.memory_space<vmem>>, %arg8: memref<128x128xf32, #tpu.memory_space<vmem>>, %arg9: memref<1x128xf32, #tpu.memory_space<vmem>>, %arg10: memref<128x128xf32, #tpu.memory_space<vmem>>, %arg11: memref<1x128xf32, #tpu.memory_space<vmem>>, %arg12: memref<400x128xf32, #tpu.memory_space<vmem>>, %arg13: memref<400x256xf32, #tpu.memory_space<vmem>>, %arg14: memref<400x128xf32, #tpu.memory_space<vmem>>) attributes {dimension_semantics = [#tpu.dimension_semantics<arbitrary>], iteration_bounds = array<i64: 25>, scalar_prefetch = 0 : i64, scratch_operands = 0 : i64, tpu.core_type = #tpu.core_type<tc>, window_params = [{transform_indices = @transform_0, window_bounds = array<i64: 400, 128>}, {pipeline_mode = #tpu.pipeline_mode<synchronous>, transform_indices = @transform_1, window_bounds = array<i64: 128, 128>}, {pipeline_mode = #tpu.pipeline_mode<synchronous>, transform_indices = @transform_2, window_bounds = array<i64: 1, 128>}, {pipeline_mode = #tpu.pipeline_mode<synchronous>, transform_indices = @transform_3, window_bounds = array<i64: 128, 128>}, {pipeline_mode = #tpu.pipeline_mode<synchronous>, transform_indices = @transform_4, window_bounds = array<i64: 1, 128>}, {pipeline_mode = #tpu.pipeline_mode<synchronous>, transform_indices = @transform_5, window_bounds = array<i64: 128, 128>}, {pipeline_mode = #tpu.pipeline_mode<synchronous>, transform_indices = @transform_6, window_bounds = array<i64: 1, 128>}, {pipeline_mode = #tpu.pipeline_mode<synchronous>, transform_indices = @transform_7, window_bounds = array<i64: 128, 128>}, {pipeline_mode = #tpu.pipeline_mode<synchronous>, transform_indices = @transform_8, window_bounds = array<i64: 1, 128>}, {pipeline_mode = #tpu.pipeline_mode<synchronous>, transform_indices = @transform_9, window_bounds = array<i64: 128, 128>}, {pipeline_mode = #tpu.pipeline_mode<synchronous>, transform_indices = @transform_10, window_bounds = array<i64: 1, 128>}, {transform_indices = @transform_11, window_bounds = array<i64: 400, 128>}, {transform_indices = @transform_12, window_bounds = array<i64: 400, 256>}, {transform_indices = @transform_13, window_bounds = array<i64: 400, 128>}]} {
    %get3A = arith.constant 0 : index
    %get3A_0 = arith.constant 0 : index
    %get3A_1 = vector.load %arg1[%get3A, %get3A_0] : memref<400x128xf32, #tpu.memory_space<vmem>>, vector<400x128xf32>
    %get3A_2 = arith.constant 0 : index
    %get3A_3 = arith.constant 0 : index
    %get3A_4 = vector.load %arg2[%get3A_2, %get3A_3] : memref<128x128xf32, #tpu.memory_space<vmem>>, vector<128x128xf32>
    %dot_general3A = arith.constant dense<0.000000e+00> : vector<400x128xf32>
    %dot_general3A_5 = tpu.matmul %get3A_1, %get3A_4, %dot_general3A {dimension_numbers = #tpu.dot_dimension_numbers<[1], [0], [0], [1], [0, 0, 1, 1], [], []>, transpose_lhs_hint = false} : vector<400x128xf32>, vector<128x128xf32>, vector<400x128xf32> -> vector<400x128xf32>
    %get3A_6 = arith.constant 0 : index
    %get3A_7 = arith.constant 0 : index
    %get3A_8 = vector.load %arg3[%get3A_6, %get3A_7] : memref<1x128xf32, #tpu.memory_space<vmem>>, vector<1x128xf32>
    %add3A = vector.broadcast %get3A_8 : vector<1x128xf32> to vector<400x128xf32>
    %add3A_9 = arith.addf %dot_general3A_5, %add3A : vector<400x128xf32>
    %get3A_10 = arith.constant 0 : index
    %get3A_11 = arith.constant 0 : index
    %get3A_12 = vector.load %arg4[%get3A_10, %get3A_11] : memref<128x128xf32, #tpu.memory_space<vmem>>, vector<128x128xf32>
    %dot_general3A_13 = arith.constant dense<0.000000e+00> : vector<400x128xf32>
    %dot_general3A_14 = tpu.matmul %add3A_9, %get3A_12, %dot_general3A_13 {dimension_numbers = #tpu.dot_dimension_numbers<[1], [0], [0], [1], [0, 0, 1, 1], [], []>, transpose_lhs_hint = false} : vector<400x128xf32>, vector<128x128xf32>, vector<400x128xf32> -> vector<400x128xf32>
    %get3A_15 = arith.constant 0 : index
    %get3A_16 = arith.constant 0 : index
    %get3A_17 = vector.load %arg5[%get3A_15, %get3A_16] : memref<1x128xf32, #tpu.memory_space<vmem>>, vector<1x128xf32>
    %add3A_18 = vector.broadcast %get3A_17 : vector<1x128xf32> to vector<400x128xf32>
    %add3A_19 = arith.addf %dot_general3A_14, %add3A_18 : vector<400x128xf32>
    %mul3A = arith.constant 2.500000e-01 : f32
    %mul3A_20 = vector.broadcast %mul3A : f32 to vector<400x128xf32>
    %mul3A_21 = arith.mulf %add3A_19, %mul3A_20 : vector<400x128xf32>
    %get3A_22 = arith.constant 0 : index
    %get3A_23 = arith.constant 0 : index
    %get3A_24 = vector.load %arg6[%get3A_22, %get3A_23] : memref<128x128xf32, #tpu.memory_space<vmem>>, vector<128x128xf32>
    %dot_general3A_25 = arith.constant dense<0.000000e+00> : vector<400x128xf32>
    %dot_general3A_26 = tpu.matmul %add3A_9, %get3A_24, %dot_general3A_25 {dimension_numbers = #tpu.dot_dimension_numbers<[1], [0], [0], [1], [0, 0, 1, 1], [], []>, transpose_lhs_hint = false} : vector<400x128xf32>, vector<128x128xf32>, vector<400x128xf32> -> vector<400x128xf32>
    %get3A_27 = arith.constant 0 : index
    %get3A_28 = arith.constant 0 : index
    %get3A_29 = vector.load %arg7[%get3A_27, %get3A_28] : memref<1x128xf32, #tpu.memory_space<vmem>>, vector<1x128xf32>
    %add3A_30 = vector.broadcast %get3A_29 : vector<1x128xf32> to vector<400x128xf32>
    %add3A_31 = arith.addf %dot_general3A_26, %add3A_30 : vector<400x128xf32>
    %get3A_32 = arith.constant 0 : index
    %get3A_33 = arith.constant 0 : index
    %get3A_34 = vector.load %arg8[%get3A_32, %get3A_33] : memref<128x128xf32, #tpu.memory_space<vmem>>, vector<128x128xf32>
    %dot_general3A_35 = arith.constant dense<0.000000e+00> : vector<400x128xf32>
    %dot_general3A_36 = tpu.matmul %add3A_9, %get3A_34, %dot_general3A_35 {dimension_numbers = #tpu.dot_dimension_numbers<[1], [0], [0], [1], [0, 0, 1, 1], [], []>, transpose_lhs_hint = false} : vector<400x128xf32>, vector<128x128xf32>, vector<400x128xf32> -> vector<400x128xf32>
    %get3A_37 = arith.constant 0 : index
    %get3A_38 = arith.constant 0 : index
    %get3A_39 = vector.load %arg9[%get3A_37, %get3A_38] : memref<1x128xf32, #tpu.memory_space<vmem>>, vector<1x128xf32>
    %add3A_40 = vector.broadcast %get3A_39 : vector<1x128xf32> to vector<400x128xf32>
    %add3A_41 = arith.addf %dot_general3A_36, %add3A_40 : vector<400x128xf32>
    %swap3A = arith.constant 0 : index
    %swap3A_42 = arith.constant 0 : index
    %swap3A_43 = vector.load %arg12[%swap3A, %swap3A_42] : memref<400x128xf32, #tpu.memory_space<vmem>>, vector<400x128xf32>
    tpu.vector_store %arg12[%swap3A, %swap3A_42], %mul3A_21 {strides = array<i32>} : memref<400x128xf32, #tpu.memory_space<vmem>>, vector<400x128xf32>,
    %concatenate3A = tpu.concatenate %add3A_31, %add3A_41 in 1 : vector<400x128xf32>, vector<400x128xf32> -> vector<400x256xf32>
    %swap3A_44 = arith.constant 0 : index
    %swap3A_45 = arith.constant 0 : index
    %swap3A_46 = vector.load %arg13[%swap3A_44, %swap3A_45] : memref<400x256xf32, #tpu.memory_space<vmem>>, vector<400x256xf32>
    tpu.vector_store %arg13[%swap3A_44, %swap3A_45], %concatenate3A {strides = array<i32>} : memref<400x256xf32, #tpu.memory_space<vmem>>, vector<400x256xf32>,
    %get3A_47 = arith.constant 0 : index
    %get3A_48 = arith.constant 0 : index
    %get3A_49 = vector.load %arg10[%get3A_47, %get3A_48] : memref<128x128xf32, #tpu.memory_space<vmem>>, vector<128x128xf32>
    %dot_general3A_50 = arith.constant dense<0.000000e+00> : vector<400x128xf32>
    %dot_general3A_51 = tpu.matmul %add3A_9, %get3A_49, %dot_general3A_50 {dimension_numbers = #tpu.dot_dimension_numbers<[1], [0], [0], [1], [0, 0, 1, 1], [], []>, transpose_lhs_hint = false} : vector<400x128xf32>, vector<128x128xf32>, vector<400x128xf32> -> vector<400x128xf32>
    %get3A_52 = arith.constant 0 : index
    %get3A_53 = arith.constant 0 : index
    %get3A_54 = vector.load %arg11[%get3A_52, %get3A_53] : memref<1x128xf32, #tpu.memory_space<vmem>>, vector<1x128xf32>
    %add3A_55 = vector.broadcast %get3A_54 : vector<1x128xf32> to vector<400x128xf32>
    %add3A_56 = arith.addf %dot_general3A_51, %add3A_55 : vector<400x128xf32>
    %swap3A_57 = arith.constant 0 : index
    %swap3A_58 = arith.constant 0 : index
    %swap3A_59 = vector.load %arg14[%swap3A_57, %swap3A_58] : memref<400x128xf32, #tpu.memory_space<vmem>>, vector<400x128xf32>
    tpu.vector_store %arg14[%swap3A_57, %swap3A_58], %add3A_56 {strides = array<i32>} : memref<400x128xf32, #tpu.memory_space<vmem>>, vector<400x128xf32>,
    return
  }
  func.func @transform_0(%arg0: i32) -> (i32, i32) {
    %c0_i32 = arith.constant 0 : i32
    %c0_i32_0 = arith.constant 0 : i32
    return %arg0, %c0_i32 : i32, i32
  }
  func.func @transform_1(%arg0: i32) -> (i32, i32) {
    %c0_i32 = arith.constant 0 : i32
    %c0_i32_0 = arith.constant 0 : i32
    %c0_i32_1 = arith.constant 0 : i32
    return %c0_i32, %c0_i32_0 : i32, i32
  }
  func.func @transform_2(%arg0: i32) -> (i32, i32) {
    %c0_i32 = arith.constant 0 : i32
    %c0_i32_0 = arith.constant 0 : i32
    %c0_i32_1 = arith.constant 0 : i32
    return %c0_i32, %c0_i32_0 : i32, i32
  }
  func.func @transform_3(%arg0: i32) -> (i32, i32) {
    %c0_i32 = arith.constant 0 : i32
    %c0_i32_0 = arith.constant 0 : i32
    %c0_i32_1 = arith.constant 0 : i32
    return %c0_i32, %c0_i32_0 : i32, i32
  }
  func.func @transform_4(%arg0: i32) -> (i32, i32) {
    %c0_i32 = arith.constant 0 : i32
    %c0_i32_0 = arith.constant 0 : i32
    %c0_i32_1 = arith.constant 0 : i32
    return %c0_i32, %c0_i32_0 : i32, i32
  }
  func.func @transform_5(%arg0: i32) -> (i32, i32) {
    %c0_i32 = arith.constant 0 : i32
    %c0_i32_0 = arith.constant 0 : i32
    %c0_i32_1 = arith.constant 0 : i32
    return %c0_i32, %c0_i32_0 : i32, i32
  }
  func.func @transform_6(%arg0: i32) -> (i32, i32) {
    %c0_i32 = arith.constant 0 : i32
    %c0_i32_0 = arith.constant 0 : i32
    %c0_i32_1 = arith.constant 0 : i32
    return %c0_i32, %c0_i32_0 : i32, i32
  }
  func.func @transform_7(%arg0: i32) -> (i32, i32) {
    %c0_i32 = arith.constant 0 : i32
    %c0_i32_0 = arith.constant 0 : i32
    %c0_i32_1 = arith.constant 0 : i32
    return %c0_i32, %c0_i32_0 : i32, i32
  }
  func.func @transform_8(%arg0: i32) -> (i32, i32) {
    %c0_i32 = arith.constant 0 : i32
    %c0_i32_0 = arith.constant 0 : i32
    %c0_i32_1 = arith.constant 0 : i32
    return %c0_i32, %c0_i32_0 : i32, i32
  }
  func.func @transform_9(%arg0: i32) -> (i32, i32) {
    %c0_i32 = arith.constant 0 : i32
    %c0_i32_0 = arith.constant 0 : i32
    %c0_i32_1 = arith.constant 0 : i32
    return %c0_i32, %c0_i32_0 : i32, i32
  }
  func.func @transform_10(%arg0: i32) -> (i32, i32) {
    %c0_i32 = arith.constant 0 : i32
    %c0_i32_0 = arith.constant 0 : i32
    %c0_i32_1 = arith.constant 0 : i32
    return %c0_i32, %c0_i32_0 : i32, i32
  }
  func.func @transform_11(%arg0: i32) -> (i32, i32) {
    %c0_i32 = arith.constant 0 : i32
    %c0_i32_0 = arith.constant 0 : i32
    return %arg0, %c0_i32 : i32, i32
  }
  func.func @transform_12(%arg0: i32) -> (i32, i32) {
    %c0_i32 = arith.constant 0 : i32
    %c0_i32_0 = arith.constant 0 : i32
    return %arg0, %c0_i32 : i32, i32
  }
  func.func @transform_13(%arg0: i32) -> (i32, i32) {
    %c0_i32 = arith.constant 0 : i32
    %c0_i32_0 = arith.constant 0 : i32
    return %arg0, %c0_i32 : i32, i32
  }
}

module attributes {stable_mosaic.version = 14 : i64} {
  func.func @_edge_enc_body(%arg0: i32, %arg1: memref<1024x16xf32, #tpu.memory_space<vmem>>, %arg2: memref<1024x16xf32, #tpu.memory_space<vmem>>, %arg3: memref<16x128xf32, #tpu.memory_space<vmem>>, %arg4: memref<1x128xf32, #tpu.memory_space<vmem>>, %arg5: memref<1024x128xf32, #tpu.memory_space<vmem>>) attributes {dimension_semantics = [#tpu.dimension_semantics<arbitrary>], iteration_bounds = array<i64: 320>, scalar_prefetch = 0 : i64, scratch_operands = 0 : i64, tpu.core_type = #tpu.core_type<tc>, window_params = [{transform_indices = @transform_0, window_bounds = array<i64: 1024, 16>}, {transform_indices = @transform_1, window_bounds = array<i64: 1024, 16>}, {pipeline_mode = #tpu.pipeline_mode<synchronous>, transform_indices = @transform_2, window_bounds = array<i64: 16, 128>}, {pipeline_mode = #tpu.pipeline_mode<synchronous>, transform_indices = @transform_3, window_bounds = array<i64: 1, 128>}, {transform_indices = @transform_4, window_bounds = array<i64: 1024, 128>}]} {
    %get3A = arith.constant 0 : index
    %get3A_0 = arith.constant 0 : index
    %get3A_1 = vector.load %arg2[%get3A, %get3A_0] : memref<1024x16xf32, #tpu.memory_space<vmem>>, vector<1024x16xf32>
    %get3A_2 = arith.constant 0 : index
    %get3A_3 = arith.constant 0 : index
    %get3A_4 = vector.load %arg1[%get3A_2, %get3A_3] : memref<1024x16xf32, #tpu.memory_space<vmem>>, vector<1024x16xf32>
    %sub3A = arith.subf %get3A_1, %get3A_4 : vector<1024x16xf32>
    %get3A_5 = arith.constant 0 : index
    %get3A_6 = arith.constant 0 : index
    %get3A_7 = vector.load %arg3[%get3A_5, %get3A_6] : memref<16x128xf32, #tpu.memory_space<vmem>>, vector<16x128xf32>
    %dot_general3A = arith.constant dense<0.000000e+00> : vector<1024x128xf32>
    %dot_general3A_8 = tpu.matmul %sub3A, %get3A_7, %dot_general3A {dimension_numbers = #tpu.dot_dimension_numbers<[1], [0], [0], [1], [0, 0, 1, 1], [], []>, transpose_lhs_hint = false} : vector<1024x16xf32>, vector<16x128xf32>, vector<1024x128xf32> -> vector<1024x128xf32>
    %get3A_9 = arith.constant 0 : index
    %get3A_10 = arith.constant 0 : index
    %get3A_11 = vector.load %arg4[%get3A_9, %get3A_10] : memref<1x128xf32, #tpu.memory_space<vmem>>, vector<1x128xf32>
    %add3A = vector.broadcast %get3A_11 : vector<1x128xf32> to vector<1024x128xf32>
    %add3A_12 = arith.addf %dot_general3A_8, %add3A : vector<1024x128xf32>
    %swap3A = arith.constant 0 : index
    %swap3A_13 = arith.constant 0 : index
    %swap3A_14 = vector.load %arg5[%swap3A, %swap3A_13] : memref<1024x128xf32, #tpu.memory_space<vmem>>, vector<1024x128xf32>
    tpu.vector_store %arg5[%swap3A, %swap3A_13], %add3A_12 {strides = array<i32>} : memref<1024x128xf32, #tpu.memory_space<vmem>>, vector<1024x128xf32>,
    return
  }
  func.func @transform_0(%arg0: i32) -> (i32, i32) {
    %min3A = arith.constant 312 : i32
    %min3A_0 = arith.minsi %arg0, %min3A : i32
    %c0_i32 = arith.constant 0 : i32
    %c0_i32_1 = arith.constant 0 : i32
    return %min3A_0, %c0_i32 : i32, i32
  }
  func.func @transform_1(%arg0: i32) -> (i32, i32) {
    %min3A = arith.constant 312 : i32
    %min3A_0 = arith.minsi %arg0, %min3A : i32
    %c0_i32 = arith.constant 0 : i32
    %c0_i32_1 = arith.constant 0 : i32
    return %min3A_0, %c0_i32 : i32, i32
  }
  func.func @transform_2(%arg0: i32) -> (i32, i32) {
    %c0_i32 = arith.constant 0 : i32
    %c0_i32_0 = arith.constant 0 : i32
    %c0_i32_1 = arith.constant 0 : i32
    return %c0_i32, %c0_i32_0 : i32, i32
  }
  func.func @transform_3(%arg0: i32) -> (i32, i32) {
    %c0_i32 = arith.constant 0 : i32
    %c0_i32_0 = arith.constant 0 : i32
    %c0_i32_1 = arith.constant 0 : i32
    return %c0_i32, %c0_i32_0 : i32, i32
  }
  func.func @transform_4(%arg0: i32) -> (i32, i32) {
    %c0_i32 = arith.constant 0 : i32
    %c0_i32_0 = arith.constant 0 : i32
    return %arg0, %c0_i32 : i32, i32
  }
}

module attributes {stable_mosaic.version = 14 : i64} {
  func.func @_combine_body(%arg0: i32, %arg1: memref<80x136xf32, #tpu.memory_space<vmem>>, %arg2: memref<80x136xf32, #tpu.memory_space<vmem>>, %arg3: memref<80x128xf32, #tpu.memory_space<vmem>>, %arg4: memref<8x128xf32, #tpu.memory_space<vmem>>, %arg5: memref<128x128xf32, #tpu.memory_space<vmem>>, %arg6: memref<1x128xf32, #tpu.memory_space<vmem>>, %arg7: memref<80x128xf32, #tpu.memory_space<vmem>>) attributes {dimension_semantics = [#tpu.dimension_semantics<arbitrary>], iteration_bounds = array<i64: 125>, scalar_prefetch = 0 : i64, scratch_operands = 0 : i64, tpu.core_type = #tpu.core_type<tc>, window_params = [{transform_indices = @transform_0, window_bounds = array<i64: 80, 136>}, {transform_indices = @transform_1, window_bounds = array<i64: 80, 136>}, {transform_indices = @transform_2, window_bounds = array<i64: 80, 128>}, {pipeline_mode = #tpu.pipeline_mode<synchronous>, transform_indices = @transform_3, window_bounds = array<i64: 8, 128>}, {pipeline_mode = #tpu.pipeline_mode<synchronous>, transform_indices = @transform_4, window_bounds = array<i64: 128, 128>}, {pipeline_mode = #tpu.pipeline_mode<synchronous>, transform_indices = @transform_5, window_bounds = array<i64: 1, 128>}, {transform_indices = @transform_6, window_bounds = array<i64: 80, 128>}]} {
    %get3A = arith.constant 0 : index
    %get3A_0 = arith.constant 0 : index
    %get3A_1 = vector.load %arg1[%get3A, %get3A_0] : memref<80x136xf32, #tpu.memory_space<vmem>>, vector<80x128xf32>
    %get3A_2 = arith.constant 0 : index
    %get3A_3 = arith.constant 0 : index
    %get3A_4 = vector.load %arg2[%get3A_2, %get3A_3] : memref<80x136xf32, #tpu.memory_space<vmem>>, vector<80x128xf32>
    %add3A = arith.addf %get3A_1, %get3A_4 : vector<80x128xf32>
    %get3A_5 = arith.constant 0 : index
    %get3A_6 = arith.constant 128 : index
    %get3A_7 = vector.load %arg1[%get3A_5, %get3A_6] : memref<80x136xf32, #tpu.memory_space<vmem>>, vector<80x8xf32>
    %get3A_8 = arith.constant 0 : index
    %get3A_9 = arith.constant 128 : index
    %get3A_10 = vector.load %arg2[%get3A_8, %get3A_9] : memref<80x136xf32, #tpu.memory_space<vmem>>, vector<80x8xf32>
    %add3A_11 = arith.addf %get3A_7, %get3A_10 : vector<80x8xf32>
    %get3A_12 = arith.constant 0 : index
    %get3A_13 = arith.constant 0 : index
    %get3A_14 = vector.load %arg4[%get3A_12, %get3A_13] : memref<8x128xf32, #tpu.memory_space<vmem>>, vector<8x128xf32>
    %dot_general3A = arith.constant dense<0.000000e+00> : vector<80x128xf32>
    %dot_general3A_15 = tpu.matmul %add3A_11, %get3A_14, %dot_general3A {dimension_numbers = #tpu.dot_dimension_numbers<[1], [0], [0], [1], [0, 0, 1, 1], [], []>, transpose_lhs_hint = false} : vector<80x8xf32>, vector<8x128xf32>, vector<80x128xf32> -> vector<80x128xf32>
    %add3A_16 = arith.constant 1.000000e-16 : f32
    %add3A_17 = vector.broadcast %add3A_16 : f32 to vector<80x128xf32>
    %add3A_18 = arith.addf %dot_general3A_15, %add3A_17 : vector<80x128xf32>
    %div3A = arith.divf %add3A, %add3A_18 : vector<80x128xf32>
    %get3A_19 = arith.constant 0 : index
    %get3A_20 = arith.constant 0 : index
    %get3A_21 = vector.load %arg3[%get3A_19, %get3A_20] : memref<80x128xf32, #tpu.memory_space<vmem>>, vector<80x128xf32>
    %add3A_22 = arith.addf %div3A, %get3A_21 : vector<80x128xf32>
    %get3A_23 = arith.constant 0 : index
    %get3A_24 = arith.constant 0 : index
    %get3A_25 = vector.load %arg5[%get3A_23, %get3A_24] : memref<128x128xf32, #tpu.memory_space<vmem>>, vector<128x128xf32>
    %dot_general3A_26 = arith.constant dense<0.000000e+00> : vector<80x128xf32>
    %dot_general3A_27 = tpu.matmul %add3A_22, %get3A_25, %dot_general3A_26 {dimension_numbers = #tpu.dot_dimension_numbers<[1], [0], [0], [1], [0, 0, 1, 1], [], []>, transpose_lhs_hint = false} : vector<80x128xf32>, vector<128x128xf32>, vector<80x128xf32> -> vector<80x128xf32>
    %get3A_28 = arith.constant 0 : index
    %get3A_29 = arith.constant 0 : index
    %get3A_30 = vector.load %arg6[%get3A_28, %get3A_29] : memref<1x128xf32, #tpu.memory_space<vmem>>, vector<1x128xf32>
    %add3A_31 = vector.broadcast %get3A_30 : vector<1x128xf32> to vector<80x128xf32>
    %add3A_32 = arith.addf %dot_general3A_27, %add3A_31 : vector<80x128xf32>
    %swap3A = arith.constant 0 : index
    %swap3A_33 = arith.constant 0 : index
    %swap3A_34 = vector.load %arg7[%swap3A, %swap3A_33] : memref<80x128xf32, #tpu.memory_space<vmem>>, vector<80x128xf32>
    tpu.vector_store %arg7[%swap3A, %swap3A_33], %add3A_32 {strides = array<i32>} : memref<80x128xf32, #tpu.memory_space<vmem>>, vector<80x128xf32>,
    return
  }
  func.func @transform_0(%arg0: i32) -> (i32, i32) {
    %c0_i32 = arith.constant 0 : i32
    %c0_i32_0 = arith.constant 0 : i32
    return %arg0, %c0_i32 : i32, i32
  }
  func.func @transform_1(%arg0: i32) -> (i32, i32) {
    %add3A = arith.constant 128 : i32
    %add3A_0 = arith.addi %arg0, %add3A : i32
    %c0_i32 = arith.constant 0 : i32
    %c0_i32_1 = arith.constant 0 : i32
    return %add3A_0, %c0_i32 : i32, i32
  }
  func.func @transform_2(%arg0: i32) -> (i32, i32) {
    %c0_i32 = arith.constant 0 : i32
    %c0_i32_0 = arith.constant 0 : i32
    return %arg0, %c0_i32 : i32, i32
  }
  func.func @transform_3(%arg0: i32) -> (i32, i32) {
    %c0_i32 = arith.constant 0 : i32
    %c0_i32_0 = arith.constant 0 : i32
    %c0_i32_1 = arith.constant 0 : i32
    return %c0_i32, %c0_i32_0 : i32, i32
  }
  func.func @transform_4(%arg0: i32) -> (i32, i32) {
    %c0_i32 = arith.constant 0 : i32
    %c0_i32_0 = arith.constant 0 : i32
    %c0_i32_1 = arith.constant 0 : i32
    return %c0_i32, %c0_i32_0 : i32, i32
  }
  func.func @transform_5(%arg0: i32) -> (i32, i32) {
    %c0_i32 = arith.constant 0 : i32
    %c0_i32_0 = arith.constant 0 : i32
    %c0_i32_1 = arith.constant 0 : i32
    return %c0_i32, %c0_i32_0 : i32, i32
  }
  func.func @transform_6(%arg0: i32) -> (i32, i32) {
    %c0_i32 = arith.constant 0 : i32
    %c0_i32_0 = arith.constant 0 : i32
    return %arg0, %c0_i32 : i32, i32
  }
}

</mosaic_0001>

<sc_bundles>
// kernel: kernel.10.cloned.1.call-start
scs
__scs_entry_jumppad:
0x0: {  	(pc) =	sbr.rel $0x88, $3  }
0x1: {  	(tag) =	ssettag $0x0;
	lr =	simm.s32 $0x1  }
0x2: {  	[smem:$0x3F8F] =	sst lr;
	_ =	strace $0xD0000000  }
0x3: {  	_ = 	snop  }
0x4: {  	_ = 	snop  }
0x5: {  	_ = 	snop  }
0x6: {  	_ = 	snop  }
0x7: {  	_ = 	snop  }
__scs_overlays_trampoline_lowered:
0x8: {  	[smem:$0x3F9E] =	sst s0  }
0x9: {  	[smem:$0x3F9F] =	sst s1  }
0xa: {  	[smem:$0x3FA0] =	sst s2  }
0xb: {  	[smem:$0x3FA1] =	sst s3  }
0xc: {  	[smem:$0x3FA2] =	sst s4  }
0xd: {  	[smem:$0x3FA3] =	sst s5  }
0xe: {  	[smem:$0x3FA4] =	sst s6  }
0xf: {  	[smem:$0x3FA5] =	sst s7  }
0x10: {  	[smem:$0x3FA6] =	sst s8  }
0x11: {  	[smem:$0x3FA7] =	sst s9;
	s0 =	simm.s32 @!p0 $0x0  }
0x12: {  	s1 =	sld [smem:$0x3F8D];
	s0 =	simm.s32 @p0 $0x1  }
0x13: {  	[smem:$0x3FA8] =	sst s0;
	s0 =	simm.s32 @!p1 $0x0  }
0x14: {  	s2 =	sld [smem:$0x3F8C];
	s0 =	simm.s32 @p1 $0x1  }
0x15: {  	[smem:$0x3FA9] =	sst s0;
	s0 =	simm.s32 @!p2 $0x0  }
0x16: {  	s3 =	sld [smem:$0x3FDB];
	s0 =	simm.s32 @p2 $0x1  }
0x17: {  	s4 =	simm.s32 $0x1BF5;
	[smem:$0x3FAB] =	sst s0  }
0x18: {  	s0 =	sld [smem:$0x3F8E];
	_ =	swait.ge [sflag:s4], $0x0  }
0x19: {  	s7 =	sld [smem:$0x3F8F]  }
0x1a: {  	s8 =	sadd.s32 $0xFFFFE003, lr  }
0x1b: {  	s9 =	sadd.s32 $0xFFFFFEF7, lr;
	s5 =	simm.s32 $0xFFFFFFFF;
	p2 =	slt.u32 s8, $0xFFFFF086  }
0x1c: {  	p1 =	slt.u32 s9, $0xF7A;
	s5 =	simm.s32 @!p2 $0x0  }
0x1d: {  	s5 =	simm.s32 @p1 $0x1;
	p0 =	seq.s32 s7, s2  }
0x1e: {  	s7 =	smul.u32 @!p0 $0xF7A, s2;
	p2 =	seq.s32 @!p0 s5, $0x0  }
0x1f: {  	s9 =	smul.u32 $0xF7A, s1;
	s8 =	simm.s32 @!p0 $0x1BF5;
	p2 =	por !p2, p0  }
0x20: {  	[sflag:s8] =	ssyncset.s32 @!p0 $0xFFFFF086;
	s6 =	sadd.s32 @!p0 s3, s7;
	s7 =	simm.s32 @!p0 $0x108  }
0x21: {  	s3 =	sadd.s32 s3, s9;
	s6 =	sadd.s32 @!p0 $0x88, s6;
	s7 =	simm.s32 @p2 $0x1082  }
0x22: {  	[simem:s7], [sflag:s8] =	dma.local @!p0 [hbm:s6], $0xF7A  }
0x23: {  	s9 =	sor.u32 $0xD0000000, s2;
	s6 =	simm.s32 $0x108;
	_ =	swait.ge @!p0 [sflag:s8], $0x0  }
0x24: {  	s3 =	sadd.s32 $0x88, s3;
	s6 =	simm.s32 @!p1 $0x1082;
	[sflag:s4] =	ssyncset.s32 $0xFFFFF086  }
0x25: {  	[simem:s6], [sflag:s4] =	dma.local [hbm:s3], $0xF7A  }
0x26: {  	[smem:$0x3F8F] =	sst s1;
	(tag) =	ssettag s2;
	_ =	strace s9  }
0x27: {  	s1 =	sld [smem:$0x3F9F]  }
0x28: {  	s2 =	sld [smem:$0x3FA0]  }
0x29: {  	s4 =	sld [smem:$0x3FA2]  }
0x2a: {  	p0 =	seq.s32 s5, $0x0;
	s5 =	sld [smem:$0x3FA3]  }
0x2b: {  	s6 =	sld [smem:$0x3FA4]  }
0x2c: {  	s7 =	sld [smem:$0x3FA5]  }
0x2d: {  	s3 =	simm.s32 $0x108;
	s8 =	sld [smem:$0x3FA6]  }
0x2e: {  	s3 =	simm.s32 @!p0 $0x1082;
	s9 =	sld [smem:$0x3FA7]  }
0x2f: {  	lr =	sadd.s32 s0, s3;
	s0 =	sld [smem:$0x3F9E]  }
0x30: {  	s3 =	sld [smem:$0x3FA1]  }
0x31: {  	[smem:$0x3FAA] =	sst s10  }
0x32: {  	s10 =	sld [smem:$0x3FA8];
	_ =	sdelay $0x3  }
0x33: {  	p0 =	seq.s32 s10, $0x1;
	s10 =	sld [smem:$0x3FAA];
	_ =	sdelay $0x3  }
0x34: {  	[smem:$0x3FAA] =	sst s10  }
0x35: {  	s10 =	sld [smem:$0x3FA9];
	_ =	sdelay $0x3  }
0x36: {  	p1 =	seq.s32 s10, $0x1;
	s10 =	sld [smem:$0x3FAA];
	_ =	sdelay $0x3  }
0x37: {  	[smem:$0x3FAA] =	sst s10  }
0x38: {  	s10 =	sld [smem:$0x3FAB]  }
0x39: {  	_ = 	snop;
	(pc) =	sbr.ind lr, $3  }
0x3a: {  	_ = 	snop  }
0x3b: {  	_ = 	snop  }
0x3c: {  	p2 =	seq.s32 s10, $0x1;
	s10 =	sld [smem:$0x3FAA]  }
0x3d: {  	_ =	shalt  }
0x3e: {  	_ =	shalt  }
0x3f: {  	_ =	shalt  }
0x40: {  	_ =	shalt  }
0x41: {  	_ =	shalt  }
0x42: {  	_ =	shalt  }
0x43: {  	_ =	shalt  }
0x44: {  	_ =	shalt  }
0x45: {  	_ =	shalt  }
0x46: {  	_ =	shalt  }
0x47: {  	_ =	shalt  }
0x48: {  	_ =	shalt  }
0x49: {  	_ =	shalt  }
0x4a: {  	_ =	shalt  }
0x4b: {  	_ =	shalt  }
0x4c: {  	_ =	shalt  }
0x4d: {  	_ =	shalt  }
0x4e: {  	_ =	shalt  }
0x4f: {  	_ =	shalt  }
0x50: {  	_ =	shalt  }
0x51: {  	_ =	shalt  }
0x52: {  	_ =	shalt  }
0x53: {  	_ =	shalt  }
0x54: {  	_ =	shalt  }
0x55: {  	_ =	shalt  }
0x56: {  	_ =	shalt  }
0x57: {  	_ =	shalt  }
0x58: {  	_ =	shalt  }
0x59: {  	_ =	shalt  }
0x5a: {  	_ =	shalt  }
0x5b: {  	_ =	shalt  }
0x5c: {  	_ =	shalt  }
0x5d: {  	_ =	shalt  }
0x5e: {  	_ =	shalt  }
0x5f: {  	_ =	shalt  }
0x60: {  	_ =	shalt  }
0x61: {  	_ =	shalt  }
0x62: {  	_ =	shalt  }
0x63: {  	_ =	shalt  }
0x64: {  	_ =	shalt  }
0x65: {  	_ =	shalt  }
0x66: {  	_ =	shalt  }
0x67: {  	_ =	shalt  }
0x68: {  	_ =	shalt  }
0x69: {  	_ =	shalt  }
0x6a: {  	_ =	shalt  }
0x6b: {  	_ =	shalt  }
0x6c: {  	_ =	shalt  }
0x6d: {  	_ =	shalt  }
0x6e: {  	_ =	shalt  }
0x6f: {  	_ =	shalt  }
0x70: {  	_ =	shalt  }
0x71: {  	_ =	shalt  }
0x72: {  	_ =	shalt  }
0x73: {  	_ =	shalt  }
0x74: {  	_ =	shalt  }
0x75: {  	_ =	shalt  }
0x76: {  	_ =	shalt  }
0x77: {  	_ =	shalt  }
0x78: {  	_ =	shalt  }
0x79: {  	_ =	shalt  }
0x7a: {  	_ =	shalt  }
0x7b: {  	_ =	shalt  }
0x7c: {  	_ =	shalt  }
0x7d: {  	_ =	shalt  }
0x7e: {  	_ =	shalt  }
0x7f: {  	_ =	shalt  }
0x80: {  	_ =	shalt  }
0x81: {  	_ =	shalt  }
0x82: {  	_ =	shalt  }
0x83: {  	_ =	shalt  }
0x84: {  	_ =	shalt  }
0x85: {  	_ =	shalt  }
0x86: {  	_ =	shalt  }
0x87: {  	_ =	shalt  }
.Lfunc_end0:
.L_simem_size_0:
called_computation.1_lowered:
.L_overlay_start_0:
0x88: {  	s2 =	sld [smem:$0x3FD9]  }
0x89: {  	s3 =	sld [smem:$0x3FFE];
	_ =	sdelay $0x1  }
0x8a: {  	s1 =	srdreg.scid  }
0x8b: {  	s0 =	sand.u32 $0x1, s1  }
0x8c: {  	s17 =	sshll.u32 s0, $0xA;
	s2 =	sadd.s32 s3, s2  }
0x8d: {  	s2 =	sadd.s32 s2, s17  }
0x8e: {  	[smem:$0x3FB6] =	sst s2  }
0x8f: {  	_ = 	snop  }
0x90: {  	s2 =	sld [smem:$0x3FD0];
	(tm) =	ssettm $0x1  }
0x91: {  	s18 =	sld [smem:$0x3FFB];
	_ =	sdelay $0x3  }
0x92: {  	_ =	strace s18  }
0x93: {  	s3 =	sld [smem:$0x3FFC];
	_ =	sdelay $0x3  }
0x94: {  	_ =	strace s3  }
0x95: {  	s3 =	sld [smem:$0x3FFD];
	_ =	sdelay $0x3  }
0x96: {  	_ =	strace s3  }
0x97: {  	_ =	strace $0x8FFFFFFF  }
0x98: {  	s19 =	sld [smem:$0x3FDB];
	_ =	sdelay $0x1  }
0x99: {  	s4 =	simm.s32 $_scs_section_size  }
0x9a: {  	s5 =	simm.s32 $_size__tile_overlayer_lowered;
	s6 =	simm.s32 $_tile_overlayer_lowered  }
0x9b: {  	s22 =	simm.s32 $0x1BFF;
	s21 =	sshll.u32 s6, $0x1;
	s3 =	sadd.s32 s4, s19  }
0x9c: {  	s7 =	simm.s32 $0x0;
	s20 =	sshll.u32 s5, $0x1;
	s5 =	sadd.s32 s21, s3  }
0x9d: {  	[timem:s7], [sflag:s22] =	dma.local [hbm:s5], s20  }
0x9e: {  	_ =	swait.ge [sflag:s22], s20  }
0x9f: {  	s4 =	ssub.s32 $0x0, s20;
	[sflag:s22] =	ssyncset.done $0x0  }
0xa0: {  	[sflag:s22] =	ssyncadd.s32 s4;
	_ =	sdelay $0x1  }
0xa1: {  	s23 =	simm.s32 $0x1B8B  }
0xa2: {  	_ =	swait.ge [sflag:s23], $0x1  }
0xa3: {  	[sflag:s23] =	ssyncset.done $0x0  }
0xa4: {  	s25 =	simm.s32 $0x1B8E;
	s24 =	sld [smem:$0x3FFE];
	[sflag:s23] =	ssyncadd.s32 $0xFFFFFFFF  }
0xa5: {  	s26 =	simm.s32 $execute0_lowered;
	[smem:$0x3FD2] =	sst s25  }
0xa6: {  	s5 =	sshll.u32 s26, $0x1;
	_ =	strace $0x80000049;
	[dreg:$0x1] =	wrdreg $0xFFFFFFFF  }
0xa7: {  	s28 =	simm.s32 $_size_execute0_lowered;
	s3 =	sadd.s32 s3, s5;
	[dreg:$0x0] =	wrdreg $0x0  }
0xa8: {  	s5 =	sshll.u32 s28, $0x1;
	[dreg:$0x2] =	wrdreg s3  }
0xa9: {  	[dreg:$0x3] =	wrdreg s5  }
0xaa: {  	[dreg:$0x4] =	wrdreg $0xC0  }
0xab: {  	_ =	task [dreg:s7], $0x5FFFF  }
0xac: {  	[dreg:$0x1] =	wrdreg $0xFFFFFFFF  }
0xad: {  	[dreg:$0x0] =	wrdreg $0x60  }
0xae: {  	[dreg:$0x2] =	wrdreg s24  }
0xaf: {  	[dreg:$0x3] =	wrdreg s2  }
0xb0: {  	[dreg:$0x4] =	wrdreg $0x9  }
0xb1: {  	_ =	task.clear_ibuf [dreg:s7], $0x5FFFF;
	_ =	strace $0x90000049  }
0xb2: {  	s29 =	simm.s32 $0x9;
	_ =	strace $0x8000004B  }
0xb3: {  	_ =	swait.ge [sflag:s29], $0x1  }
0xb4: {  	[sflag:s29] =	ssyncadd.s32 $0xFFFFFFFF  }
0xb5: {  	_ =	strace $0x9000004B  }
0xb6: {  	_ =	sfence  }
0xb7: {  	s30 =	sld [smem:$0x0];
	_ =	sdelay $0x2  }
0xb8: {  	s31 =	sshll.u32 s1, $0xD;
	s1 =	sshrl.u32 s1, $0x2  }
0xb9: {  	s3 =	sand.u32 $0x4000, s31;
	s1 =	sadd.s32 s1, s30  }
0xba: {  	s0 =	sor.u32 s3, s0;
	s1 =	sshll.u32 s1, $0x11  }
0xbb: {  	s0 =	sor.u32 s1, s0  }
0xbc: {  	s0 =	sadd.s32 $0x8F2B, s0  }
0xbd: {  	[sflag:s0] =	ssyncadd.remote.s32 $0x1  }
0xbe: {  	_ =	sfence.sel $0xFFFF  }
0xbf: {  	[dreg:$0x0] =	wrdreg $0xFFFFFFFF;
	(pc) =	sbr.abs _section_cstart, $3  }
0xc0: {  	[dreg:$0x1] =	wrdreg $0xFFFFFFFF  }
0xc1: {  	_ =	task.clear_ibuf [dreg:s7], $0x2FFFF;
	_ =	strace $0x9FFFFFFF  }
0xc2: {  	(tm) =	ssettm $0x7FFFFFFF  }
0xc3: {  	_ =	shalt  }
tec
execute0_lowered:
.L_overlay_start_1:
0x0: {  	(tag) =	ssettag $0x1  }
0x1: {  	s6 =	rddreg [dreg:$0x0]  }
0x2: {  	s1 =	rddreg [dreg:$0x1]  }
0x3: {  	s0 =	rddreg [dreg:$0x2];
	s2 =	simm.s32 $0x0  }
0x4: {  	s3 =	srdreg.scid;
	s11 =	simm.s32 $0x0;
	[smem:$0x7FF] =	sst s2  }
0x5: {  	s7 =	sand.u32 $0x1, s3;
	s3 =	stileid.u32;
	s4 =	sadd.s32 $0x4600, s6  }
0x6: {  	s5 =	sadd.s32 $0xE600, s6;
	s6 =	sadd.s32 $0x18600, s6;
	s8 =	ssub.s32 $0x2, s7  }
0x7: {  	_ =	strace $0x8000004A;
	s10 =	sshll.u32 s3, $0x1;
	s9 =	sshrl.u32 s8, $0x1  }
0x8: {  	v0 =	vlaneseq.u32;
	s7 =	sor.u32 s7, s10;
	s10 =	simm.s32 $0x14820;
	s8 =	ssub.s32 s8, s9  }
0x9: {  	v0 =	vmul.u32 $0x4, v0;
	s7 =	smul.u32 $0x5, s7;
	s9 =	simm.s32 $0x1;
	s8 =	smax.u32 s8, $0x1  }
.LBB2_1:
0xa: {  	[tilespmem:s2], [sflag:$0x1] =	stream.linear.gather [hbm4b:s6+s2], $0x13880, $0x38;
	[tilespmem:$0x16760] =	vst v63  }
0xb: {  	_ =	swait.ge [sflag:s9], $0x13880  }
0xc: {  	[sflag:s9] =	ssyncset.done $0x0  }
0xd: {  	s12 =	simm.s32 $0x0;
	[sflag:s9] =	ssyncadd.s32 $0xFFFEC780  }
.LBB2_2:
0xe: {  	s13 =	sadd.s32 s7, s12  }
0xf: {  	s15 =	smul.u32 $0xFA, s13;
	_ =	sdelay $0x1  }
0x10: {  	s17 =	simm.s32 $0x0;
	s14 =	simm.s32 $0x13880;
	s16 =	sadd.s32 s4, s15  }
0x11: {  	[tilespmem:s14], [sflag:$0x1] =	stream.linear.gather [hbm4b:s16+s17], $0x7D0, $0x38;
	[tilespmem:$0x16760] =	vst v63  }
0x12: {  	_ =	swait.ge [sflag:s9], $0x7D0  }
0x13: {  	[sflag:s9] =	ssyncset.done $0x0  }
0x14: {  	s31 =	sadd.s32 s5, s15;
	s15 =	simm.s32 $0x14050;
	[sflag:s9] =	ssyncadd.s32 $0xFFFFF830  }
0x15: {  	[tilespmem:s15], [sflag:$0x1] =	stream.linear.gather [hbm4b:s31+s17], $0x7D0, $0x38;
	[tilespmem:$0x16760] =	vst v63  }
0x16: {  	_ =	swait.ge [sflag:s9], $0x7D0  }
0x17: {  	[sflag:s9] =	ssyncset.done $0x0  }
0x18: {  	[sflag:s9] =	ssyncadd.s32 $0xFFFFF830  }
0x19: {  	v1 =	vld [tilespmem:s14+$0x0]  }
0x1a: {  	v2 =	vld [tilespmem:s15+$0x0];
	_ =	sdelay $0x3  }
0x1b: {  	v1 =	vshll.u32 v1, $0x3  }
0x1c: {  	v2 =	vshll.u32 v2, $0x3;
	_ =	sdelay $0x3  }
0x1d: {  	v3 =	vld.idx.msk [tilespmem:v1+s2+$0x0], $0xffff  }
0x1e: {  	v5 =	vmov s17;
	v4 =	vld.idx.msk [tilespmem:v2+s2+$0x0], $0xffff  }
0x1f: {  	v5 =	vshll.u32 v5, $0x2  }
0x20: {  	v5 =	vor.u32 v0, v5  }
0x21: {  	v6 =	vor.u32 $0x1, v1  }
0x22: {  	v7 =	vor.u32 $0x1, v2  }
0x23: {  	v3 =	vadd.f32 v4, v3;
	_ =	sdelay $0x1  }
0x24: {  	[tilespmem:v5+s10+$0x0] =	vst.idx.msk $0xffff, v3  }
0x25: {  	v3 =	vld.idx.msk [tilespmem:v6+s2+$0x0], $0xffff  }
0x26: {  	v4 =	vld.idx.msk [tilespmem:v7+s2+$0x0], $0xffff;
	_ =	sdelay $0x1  }
0x27: {  	v60 =	vor.u32 $0x1, v5  }
0x28: {  	v61 =	vor.u32 $0x2, v1  }
0x29: {  	v8 =	vor.u32 $0x2, v2  }
0x2a: {  	v3 =	vadd.f32 v4, v3;
	_ =	sdelay $0x1  }
0x2b: {  	[tilespmem:v60+s10+$0x0] =	vst.idx.msk $0xffff, v3  }
0x2c: {  	v3 =	vld.idx.msk [tilespmem:v61+s2+$0x0], $0xffff  }
0x2d: {  	v4 =	vld.idx.msk [tilespmem:v8+s2+$0x0], $0xffff;
	_ =	sdelay $0x1  }
0x2e: {  	v62 =	vor.u32 $0x2, v5  }
0x2f: {  	v1 =	vor.u32 $0x3, v1  }
0x30: {  	v63 =	vor.u32 $0x3, v2  }
0x31: {  	v2 =	vadd.f32 v4, v3;
	_ =	sdelay $0x1  }
0x32: {  	[tilespmem:v62+s10+$0x0] =	vst.idx.msk $0xffff, v2  }
0x33: {  	v2 =	vld.idx.msk [tilespmem:v1+s2+$0x0], $0xffff  }
0x34: {  	s16 =	simm.s32 $0x10;
	v3 =	vld.idx.msk [tilespmem:v63+s2+$0x0], $0xffff;
	v1 =	vor.u32 $0x3, v5  }
.LBB2_3:
0x35: {  	_ =	sdelay $0x2  }
0x36: {  	p0 =	sne.s32 s16, $0x7C0;
	s14 =	sadd.s32 $0x10, s14;
	s15 =	sadd.s32 $0x10, s15  }
0x37: {  	s17 =	smov.u32 s16;
	s16 =	sadd.s32 $0x10, s16;
	v2 =	vadd.f32 v3, v2;
	_ =	sdelay $0x1  }
0x38: {  	[tilespmem:v1+s10+$0x0] =	vst.idx.msk $0xffff, v2  }
0x39: {  	v1 =	vld [tilespmem:s14+$0x0]  }
0x3a: {  	v2 =	vld [tilespmem:s15+$0x0];
	_ =	sdelay $0x3  }
0x3b: {  	v1 =	vshll.u32 v1, $0x3  }
0x3c: {  	v2 =	vshll.u32 v2, $0x3;
	_ =	sdelay $0x3  }
0x3d: {  	v3 =	vld.idx.msk [tilespmem:v1+s2+$0x0], $0xffff  }
0x3e: {  	v4 =	vld.idx.msk [tilespmem:v2+s2+$0x0], $0xffff  }
0x3f: {  	v5 =	vmov s17  }
0x40: {  	v5 =	vshll.u32 v5, $0x2  }
0x41: {  	v5 =	vor.u32 v0, v5  }
0x42: {  	v6 =	vor.u32 $0x1, v1;
	v7 =	vor.u32 $0x1, v2;
	_ =	sdelay $0x1  }
0x43: {  	v3 =	vadd.f32 v4, v3;
	_ =	sdelay $0x1  }
0x44: {  	[tilespmem:v5+s10+$0x0] =	vst.idx.msk $0xffff, v3  }
0x45: {  	v3 =	vld.idx.msk [tilespmem:v6+s2+$0x0], $0xffff  }
0x46: {  	v4 =	vld.idx.msk [tilespmem:v7+s2+$0x0], $0xffff;
	_ =	sdelay $0x1  }
0x47: {  	v6 =	vor.u32 $0x1, v5;
	_ =	sdelay $0x1  }
0x48: {  	v8 =	vor.u32 $0x2, v2;
	v7 =	vor.u32 $0x2, v1;
	_ =	sdelay $0x1  }
0x49: {  	v3 =	vadd.f32 v4, v3;
	_ =	sdelay $0x1  }
0x4a: {  	[tilespmem:v6+s10+$0x0] =	vst.idx.msk $0xffff, v3  }
0x4b: {  	v3 =	vld.idx.msk [tilespmem:v7+s2+$0x0], $0xffff  }
0x4c: {  	v4 =	vld.idx.msk [tilespmem:v8+s2+$0x0], $0xffff  }
0x4d: {  	v6 =	vor.u32 $0x2, v5;
	_ =	sdelay $0x2  }
0x4e: {  	v1 =	vor.u32 $0x3, v1;
	v7 =	vor.u32 $0x3, v2;
	_ =	sdelay $0x1  }
.Ltmp0:
0x4f: {  	v2 =	vadd.f32 v4, v3;
	(pc) =	sbr.rel @p0 .LBB2_3-.Ltmp0, $4  }
0x50: {  	_ = 	snop  }
0x51: {  	[tilespmem:v6+s10+$0x0] =	vst.idx.msk $0xffff, v2  }
0x52: {  	v2 =	vld.idx.msk [tilespmem:v1+s2+$0x0], $0xffff  }
0x53: {  	v1 =	vor.u32 $0x3, v5;
	v3 =	vld.idx.msk [tilespmem:v7+s2+$0x0], $0xffff  }
0x54: {  	_ =	sdelay $0x3  }
0x55: {  	s13 =	smul.u32 $0x3E8, s13;
	s12 =	sadd.s32 $0x1, s12;
	v2 =	vadd.f32 v3, v2  }
0x56: {  	p0 =	sne.s32 s12, $0x5  }
.Ltmp1:
0x57: {  	s13 =	sadd.s32 s1, s13;
	[tilespmem:v1+s10+$0x0] =	vst.idx.msk $0xffff, v2;
	(pc) =	sbr.rel @p0 .LBB2_2-.Ltmp1, $4  }
0x58: {  	[hbm4b:s13+s2] =	stream.linear.scatter [tilespmem:s10], [sflag:$0x1], $0x1F40, $0x38;
	[tilespmem:$0x16760] =	vst v63  }
0x59: {  	_ =	swait.ge [sflag:s9], $0x1F40  }
0x5a: {  	[sflag:s9] =	ssyncset.done $0x0  }
0x5b: {  	[sflag:s9] =	ssyncadd.s32 $0xFFFFE0C0  }
0x5c: {  	s11 =	sadd.s32 $0x1, s11  }
0x5d: {  	p0 =	sne.s32 s11, s8  }
.Ltmp2:
0x5e: {  	_ = 	snop;
	(pc) =	sbr.rel @p0 .LBB2_1-.Ltmp2, $1  }
0x5f: {  	_ =	sdelay $0x3  }
0x60: {  	_ =	sfence.sel $0x180000  }
0x61: {  	[bflag:$0x0] =	sbarrier.arrive $0xFFFF  }
0x62: {  	p0 =	sne.s32 s3, $0x0;
	_ =	strace $0x9000004A  }
0x63: {  	s0 =	sadd.s32 @!p0 $0x100000, s0;
	[bflag:$0x2] =	sbarrier.arrive $0xFFFF  }
0x64: {  	[sflag:s0] =	ssyncadd.tile.s32 @!p0 $0x1;
	_ =	shalt  }
.Lfunc_end2:
_tile_overlayer_lowered:
.L_overlay_start_2:
0x65: {  	(tag) =	ssettag $0x2  }
0x66: {  	s0 =	rddreg [dreg:$0x0];
	s2 =	stileid.u32  }
0x67: {  	s1 =	rddreg [dreg:$0x1];
	p0 =	sne.s32 s2, $0x0  }
0x68: {  	s3 =	rddreg [dreg:$0x2];
	[bflag:$0x3] =	sbarrier.arrive $0xFFFF;
	s2 =	simm.s32 @!p0 $0x1C01  }
0x69: {  	[timem:s3], [sflag:s2] =	dma.local @!p0 [hbm:s0], s1  }
0x6a: {  	s0 =	simm.s32 @!p0 $0x1  }
0x6b: {  	_ =	swait.ge @!p0 [sflag:s0], s1  }
0x6c: {  	s1 =	ssub.s32 @!p0 $0x0, s1;
	[sflag:s0] =	ssyncset.done @!p0 $0x0  }
0x6d: {  	[sflag:s0] =	ssyncadd.s32 @!p0 s1  }
0x6e: {  	[bflag:$0x3] =	sbarrier.arrive $0xFFFF  }
0x6f: {  	_ =	shalt  }

// kernel: kernel.7.cloned.1.call-start
scs
__scs_entry_jumppad:
0x0: {  	(pc) =	sbr.rel $0x88, $3  }
0x1: {  	(tag) =	ssettag $0x0;
	lr =	simm.s32 $0x1  }
0x2: {  	[smem:$0x3F8F] =	sst lr;
	_ =	strace $0xD0000000  }
0x3: {  	_ = 	snop  }
0x4: {  	_ = 	snop  }
0x5: {  	_ = 	snop  }
0x6: {  	_ = 	snop  }
0x7: {  	_ = 	snop  }
__scs_overlays_trampoline_lowered:
0x8: {  	[smem:$0x3F9E] =	sst s0  }
0x9: {  	[smem:$0x3F9F] =	sst s1  }
0xa: {  	[smem:$0x3FA0] =	sst s2  }
0xb: {  	[smem:$0x3FA1] =	sst s3  }
0xc: {  	[smem:$0x3FA2] =	sst s4  }
0xd: {  	[smem:$0x3FA3] =	sst s5  }
0xe: {  	[smem:$0x3FA4] =	sst s6  }
0xf: {  	[smem:$0x3FA5] =	sst s7  }
0x10: {  	[smem:$0x3FA6] =	sst s8  }
0x11: {  	[smem:$0x3FA7] =	sst s9;
	s0 =	simm.s32 @!p0 $0x0  }
0x12: {  	s1 =	sld [smem:$0x3F8D];
	s0 =	simm.s32 @p0 $0x1  }
0x13: {  	[smem:$0x3FA8] =	sst s0;
	s0 =	simm.s32 @!p1 $0x0  }
0x14: {  	s2 =	sld [smem:$0x3F8C];
	s0 =	simm.s32 @p1 $0x1  }
0x15: {  	[smem:$0x3FA9] =	sst s0;
	s0 =	simm.s32 @!p2 $0x0  }
0x16: {  	s3 =	sld [smem:$0x3FDB];
	s0 =	simm.s32 @p2 $0x1  }
0x17: {  	s4 =	simm.s32 $0x1BF5;
	[smem:$0x3FAB] =	sst s0  }
0x18: {  	s0 =	sld [smem:$0x3F8E];
	_ =	swait.ge [sflag:s4], $0x0  }
0x19: {  	s7 =	sld [smem:$0x3F8F]  }
0x1a: {  	s8 =	sadd.s32 $0xFFFFE003, lr  }
0x1b: {  	s9 =	sadd.s32 $0xFFFFFEF7, lr;
	s5 =	simm.s32 $0xFFFFFFFF;
	p2 =	slt.u32 s8, $0xFFFFF086  }
0x1c: {  	p1 =	slt.u32 s9, $0xF7A;
	s5 =	simm.s32 @!p2 $0x0  }
0x1d: {  	s5 =	simm.s32 @p1 $0x1;
	p0 =	seq.s32 s7, s2  }
0x1e: {  	s7 =	smul.u32 @!p0 $0xF7A, s2;
	p2 =	seq.s32 @!p0 s5, $0x0  }
0x1f: {  	s9 =	smul.u32 $0xF7A, s1;
	s8 =	simm.s32 @!p0 $0x1BF5;
	p2 =	por !p2, p0  }
0x20: {  	[sflag:s8] =	ssyncset.s32 @!p0 $0xFFFFF086;
	s6 =	sadd.s32 @!p0 s3, s7;
	s7 =	simm.s32 @!p0 $0x108  }
0x21: {  	s3 =	sadd.s32 s3, s9;
	s6 =	sadd.s32 @!p0 $0x88, s6;
	s7 =	simm.s32 @p2 $0x1082  }
0x22: {  	[simem:s7], [sflag:s8] =	dma.local @!p0 [hbm:s6], $0xF7A  }
0x23: {  	s9 =	sor.u32 $0xD0000000, s2;
	s6 =	simm.s32 $0x108;
	_ =	swait.ge @!p0 [sflag:s8], $0x0  }
0x24: {  	s3 =	sadd.s32 $0x88, s3;
	s6 =	simm.s32 @!p1 $0x1082;
	[sflag:s4] =	ssyncset.s32 $0xFFFFF086  }
0x25: {  	[simem:s6], [sflag:s4] =	dma.local [hbm:s3], $0xF7A  }
0x26: {  	[smem:$0x3F8F] =	sst s1;
	(tag) =	ssettag s2;
	_ =	strace s9  }
0x27: {  	s1 =	sld [smem:$0x3F9F]  }
0x28: {  	s2 =	sld [smem:$0x3FA0]  }
0x29: {  	s4 =	sld [smem:$0x3FA2]  }
0x2a: {  	p0 =	seq.s32 s5, $0x0;
	s5 =	sld [smem:$0x3FA3]  }
0x2b: {  	s6 =	sld [smem:$0x3FA4]  }
0x2c: {  	s7 =	sld [smem:$0x3FA5]  }
0x2d: {  	s3 =	simm.s32 $0x108;
	s8 =	sld [smem:$0x3FA6]  }
0x2e: {  	s3 =	simm.s32 @!p0 $0x1082;
	s9 =	sld [smem:$0x3FA7]  }
0x2f: {  	lr =	sadd.s32 s0, s3;
	s0 =	sld [smem:$0x3F9E]  }
0x30: {  	s3 =	sld [smem:$0x3FA1]  }
0x31: {  	[smem:$0x3FAA] =	sst s10  }
0x32: {  	s10 =	sld [smem:$0x3FA8];
	_ =	sdelay $0x3  }
0x33: {  	p0 =	seq.s32 s10, $0x1;
	s10 =	sld [smem:$0x3FAA];
	_ =	sdelay $0x3  }
0x34: {  	[smem:$0x3FAA] =	sst s10  }
0x35: {  	s10 =	sld [smem:$0x3FA9];
	_ =	sdelay $0x3  }
0x36: {  	p1 =	seq.s32 s10, $0x1;
	s10 =	sld [smem:$0x3FAA];
	_ =	sdelay $0x3  }
0x37: {  	[smem:$0x3FAA] =	sst s10  }
0x38: {  	s10 =	sld [smem:$0x3FAB]  }
0x39: {  	_ = 	snop;
	(pc) =	sbr.ind lr, $3  }
0x3a: {  	_ = 	snop  }
0x3b: {  	_ = 	snop  }
0x3c: {  	p2 =	seq.s32 s10, $0x1;
	s10 =	sld [smem:$0x3FAA]  }
0x3d: {  	_ =	shalt  }
0x3e: {  	_ =	shalt  }
0x3f: {  	_ =	shalt  }
0x40: {  	_ =	shalt  }
0x41: {  	_ =	shalt  }
0x42: {  	_ =	shalt  }
0x43: {  	_ =	shalt  }
0x44: {  	_ =	shalt  }
0x45: {  	_ =	shalt  }
0x46: {  	_ =	shalt  }
0x47: {  	_ =	shalt  }
0x48: {  	_ =	shalt  }
0x49: {  	_ =	shalt  }
0x4a: {  	_ =	shalt  }
0x4b: {  	_ =	shalt  }
0x4c: {  	_ =	shalt  }
0x4d: {  	_ =	shalt  }
0x4e: {  	_ =	shalt  }
0x4f: {  	_ =	shalt  }
0x50: {  	_ =	shalt  }
0x51: {  	_ =	shalt  }
0x52: {  	_ =	shalt  }
0x53: {  	_ =	shalt  }
0x54: {  	_ =	shalt  }
0x55: {  	_ =	shalt  }
0x56: {  	_ =	shalt  }
0x57: {  	_ =	shalt  }
0x58: {  	_ =	shalt  }
0x59: {  	_ =	shalt  }
0x5a: {  	_ =	shalt  }
0x5b: {  	_ =	shalt  }
0x5c: {  	_ =	shalt  }
0x5d: {  	_ =	shalt  }
0x5e: {  	_ =	shalt  }
0x5f: {  	_ =	shalt  }
0x60: {  	_ =	shalt  }
0x61: {  	_ =	shalt  }
0x62: {  	_ =	shalt  }
0x63: {  	_ =	shalt  }
0x64: {  	_ =	shalt  }
0x65: {  	_ =	shalt  }
0x66: {  	_ =	shalt  }
0x67: {  	_ =	shalt  }
0x68: {  	_ =	shalt  }
0x69: {  	_ =	shalt  }
0x6a: {  	_ =	shalt  }
0x6b: {  	_ =	shalt  }
0x6c: {  	_ =	shalt  }
0x6d: {  	_ =	shalt  }
0x6e: {  	_ =	shalt  }
0x6f: {  	_ =	shalt  }
0x70: {  	_ =	shalt  }
0x71: {  	_ =	shalt  }
0x72: {  	_ =	shalt  }
0x73: {  	_ =	shalt  }
0x74: {  	_ =	shalt  }
0x75: {  	_ =	shalt  }
0x76: {  	_ =	shalt  }
0x77: {  	_ =	shalt  }
0x78: {  	_ =	shalt  }
0x79: {  	_ =	shalt  }
0x7a: {  	_ =	shalt  }
0x7b: {  	_ =	shalt  }
0x7c: {  	_ =	shalt  }
0x7d: {  	_ =	shalt  }
0x7e: {  	_ =	shalt  }
0x7f: {  	_ =	shalt  }
0x80: {  	_ =	shalt  }
0x81: {  	_ =	shalt  }
0x82: {  	_ =	shalt  }
0x83: {  	_ =	shalt  }
0x84: {  	_ =	shalt  }
0x85: {  	_ =	shalt  }
0x86: {  	_ =	shalt  }
0x87: {  	_ =	shalt  }
.Lfunc_end0:
.L_simem_size_0:
called_computation_lowered:
.L_overlay_start_0:
0x88: {  	s2 =	sld [smem:$0x3FD9]  }
0x89: {  	s3 =	sld [smem:$0x3FFE];
	_ =	sdelay $0x1  }
0x8a: {  	s1 =	srdreg.scid  }
0x8b: {  	s0 =	sand.u32 $0x1, s1  }
0x8c: {  	s17 =	sshll.u32 s0, $0xA;
	s2 =	sadd.s32 s3, s2  }
0x8d: {  	s2 =	sadd.s32 s2, s17  }
0x8e: {  	[smem:$0x3FB6] =	sst s2  }
0x8f: {  	_ = 	snop  }
0x90: {  	s2 =	sld [smem:$0x3FD0];
	(tm) =	ssettm $0x1  }
0x91: {  	s18 =	sld [smem:$0x3FFB];
	_ =	sdelay $0x3  }
0x92: {  	_ =	strace s18  }
0x93: {  	s3 =	sld [smem:$0x3FFC];
	_ =	sdelay $0x3  }
0x94: {  	_ =	strace s3  }
0x95: {  	s3 =	sld [smem:$0x3FFD];
	_ =	sdelay $0x3  }
0x96: {  	_ =	strace s3  }
0x97: {  	_ =	strace $0x8FFFFFFF  }
0x98: {  	s19 =	sld [smem:$0x3FDB];
	_ =	sdelay $0x1  }
0x99: {  	s4 =	simm.s32 $_scs_section_size  }
0x9a: {  	s5 =	simm.s32 $_size__tile_overlayer_lowered;
	s6 =	simm.s32 $_tile_overlayer_lowered  }
0x9b: {  	s22 =	simm.s32 $0x1BFF;
	s21 =	sshll.u32 s6, $0x1;
	s3 =	sadd.s32 s4, s19  }
0x9c: {  	s7 =	simm.s32 $0x0;
	s20 =	sshll.u32 s5, $0x1;
	s5 =	sadd.s32 s21, s3  }
0x9d: {  	[timem:s7], [sflag:s22] =	dma.local [hbm:s5], s20  }
0x9e: {  	_ =	swait.ge [sflag:s22], s20  }
0x9f: {  	s4 =	ssub.s32 $0x0, s20;
	[sflag:s22] =	ssyncset.done $0x0  }
0xa0: {  	[sflag:s22] =	ssyncadd.s32 s4;
	_ =	sdelay $0x1  }
0xa1: {  	s23 =	simm.s32 $0x1B8B  }
0xa2: {  	_ =	swait.ge [sflag:s23], $0x1  }
0xa3: {  	[sflag:s23] =	ssyncset.done $0x0  }
0xa4: {  	s25 =	simm.s32 $0x1B8E;
	s24 =	sld [smem:$0x3FFE];
	[sflag:s23] =	ssyncadd.s32 $0xFFFFFFFF  }
0xa5: {  	s26 =	simm.s32 $execute0_lowered;
	[smem:$0x3FD2] =	sst s25  }
0xa6: {  	s5 =	sshll.u32 s26, $0x1;
	_ =	strace $0x80000046;
	[dreg:$0x1] =	wrdreg $0xFFFFFFFF  }
0xa7: {  	s28 =	simm.s32 $_size_execute0_lowered;
	s3 =	sadd.s32 s3, s5;
	[dreg:$0x0] =	wrdreg $0x0  }
0xa8: {  	s5 =	sshll.u32 s28, $0x1;
	[dreg:$0x2] =	wrdreg s3  }
0xa9: {  	[dreg:$0x3] =	wrdreg s5  }
0xaa: {  	[dreg:$0x4] =	wrdreg $0xC0  }
0xab: {  	_ =	task [dreg:s7], $0x5FFFF  }
0xac: {  	[dreg:$0x1] =	wrdreg $0xFFFFFFFF  }
0xad: {  	[dreg:$0x0] =	wrdreg $0x60  }
0xae: {  	[dreg:$0x2] =	wrdreg s24  }
0xaf: {  	[dreg:$0x3] =	wrdreg s2  }
0xb0: {  	[dreg:$0x4] =	wrdreg $0x91800  }
0xb1: {  	[dreg:$0x5] =	wrdreg $0x9  }
0xb2: {  	_ =	task.clear_ibuf [dreg:s7], $0x6FFFF;
	_ =	strace $0x90000046  }
0xb3: {  	s29 =	simm.s32 $0x9;
	_ =	strace $0x80000048  }
0xb4: {  	_ =	swait.ge [sflag:s29], $0x1  }
0xb5: {  	[sflag:s29] =	ssyncadd.s32 $0xFFFFFFFF  }
0xb6: {  	_ =	strace $0x90000048  }
0xb7: {  	_ =	sfence  }
0xb8: {  	s30 =	sld [smem:$0x0];
	_ =	sdelay $0x2  }
0xb9: {  	s31 =	sshll.u32 s1, $0xD;
	s1 =	sshrl.u32 s1, $0x2  }
0xba: {  	s3 =	sand.u32 $0x4000, s31;
	s1 =	sadd.s32 s1, s30  }
0xbb: {  	s0 =	sor.u32 s3, s0;
	s1 =	sshll.u32 s1, $0x11  }
0xbc: {  	s0 =	sor.u32 s1, s0  }
0xbd: {  	s0 =	sadd.s32 $0x8F2B, s0  }
0xbe: {  	[sflag:s0] =	ssyncadd.remote.s32 $0x1  }
0xbf: {  	_ =	sfence.sel $0xFFFF  }
0xc0: {  	[dreg:$0x0] =	wrdreg $0xFFFFFFFF;
	(pc) =	sbr.abs _section_cstart, $3  }
0xc1: {  	[dreg:$0x1] =	wrdreg $0xFFFFFFFF  }
0xc2: {  	_ =	task.clear_ibuf [dreg:s7], $0x2FFFF;
	_ =	strace $0x9FFFFFFF  }
0xc3: {  	(tm) =	ssettm $0x7FFFFFFF  }
tec
execute0_lowered:
.L_overlay_start_1:
0x0: {  	(tag) =	ssettag $0x1  }
0x1: {  	s0 =	rddreg [dreg:$0x0]  }
0x2: {  	s2 =	rddreg [dreg:$0x1]  }
0x3: {  	s3 =	rddreg [dreg:$0x2];
	s1 =	srdreg.scid  }
0x4: {  	s13 =	stileid.u32;
	s6 =	simm.s32 $0x0;
	s16 =	simm.s32 $0x3  }
0x5: {  	s17 =	simm.s32 $0x80;
	s18 =	simm.s32 $0x20;
	s28 =	simm.s32 $0x3080  }
0x6: {  	s29 =	simm.s32 $0x6080;
	s30 =	simm.s32 $0x8080;
	s31 =	simm.s32 $0x2  }
0x7: {  	s1 =	sand.u32 $0x1, s1;
	s4 =	smul.u32 $0x2A80, s13;
	[smem:$0x7FF] =	sst s6  }
0x8: {  	s6 =	sadd.s32 $0x18600, s0;
	s7 =	sadd.s32 $0xAB3C00, s0;
	s20 =	smul.u32 $0x55000, s13  }
0x9: {  	s8 =	sadd.s32 $0xA65A00, s0;
	s12 =	sadd.s32 $0x2C600, s0;
	s23 =	smul.u32 $0x2800, s13  }
0xa: {  	s26 =	sshll.u32 s13, $0x6;
	s5 =	sshll.u32 s1, $0x4;
	s9 =	smul.u32 $0x2A800, s1  }
0xb: {  	s19 =	ssub.s32 $0x2, s1;
	s1 =	smul.u32 $0x28000, s1;
	s10 =	sor.u32 s13, s5  }
0xc: {  	_ =	strace $0x80000047;
	[dreg:$0x4] =	wrdreg s12;
	s5 =	smul.u32 $0x140, s10  }
0xd: {  	s21 =	sshrl.u32 s19, $0x1;
	s22 =	sshrl.u32 s20, $0x2;
	s11 =	smul.u32 $0xA00, s10  }
0xe: {  	s4 =	sadd.s32 s4, s9;
	s9 =	sadd.s32 s22, s3;
	s25 =	sadd.s32 s23, s1  }
0xf: {  	s10 =	smul.u32 $0x28000, s10;
	[dreg:$0x9] =	wrdreg s25;
	s9 =	sshrl.u32 s9, $0x3  }
0x10: {  	s20 =	simm.s32 $0x4080;
	s11 =	sadd.s32 s6, s11;
	[dreg:$0xb] =	wrdreg s9  }
0x11: {  	s0 =	sadd.s32 s4, s0;
	s10 =	sadd.s32 s7, s10;
	[dreg:$0x5] =	wrdreg s11  }
0x12: {  	s4 =	ssub.s32 s19, s21;
	s0 =	sadd.s32 $0x2F200, s0;
	[dreg:$0x6] =	wrdreg s10  }
0x13: {  	vm0 =	vmmov $0x1;
	s23 =	simm.s32 $0x1;
	s24 =	smax.u32 s4, $0x1;
	[dreg:$0x7] =	wrdreg s0  }
0x14: {  	vm1 =	vcmask $0x320;
	vm2 =	vcmask $0x720;
	v0 =	vlaneseq.u32;
	s19 =	simm.s32 $0x2080;
	[dreg:$0x8] =	wrdreg s24;
	s0 =	sor.u32 $0x20, s25  }
0x15: {  	vm3 =	vcmask $0xB20;
	vm4 =	vcmask $0xF20;
	v25 =	vor.u32 $0x80, v0;
	s10 =	sor.u32 $0x1C03, s26;
	s24 =	simm.s32 $0x40;
	s25 =	simm.s32 $0x1080  }
0x16: {  	vm5 =	vcmask $0x1320;
	vm6 =	vcmask $0x1720;
	vm7 =	vcmask $0x1B20;
	[tilespmem:$0x1FFF0] =	vst v25;
	s26 =	simm.s32 $0x60;
	[dreg:$0xa] =	wrdreg s0;
	s0 =	simm.s32 $0x0  }
.LBB2_1:
0x17: {  	s1 =	simm.s32 $0x0;
	s4 =	rddreg [dreg:$0x5]  }
0x18: {  	[tilespmem:s1], [sflag:$0x3] =	stream.linear.gather [hbm4b:s4+s1], $0x40, $0x38;
	[tilespmem:$0x1E580] =	vst v63  }
0x19: {  	_ =	swait.ge [sflag:s16], $0x40  }
0x1a: {  	[sflag:s16] =	ssyncset.done $0x0  }
0x1b: {  	s15 =	rddreg [dreg:$0x6];
	[sflag:s16] =	ssyncadd.s32 $0xFFFFFFC0  }
0x1c: {  	[tilespmem:s17], [sflag:$0x1] =	stream.linear.gather [hbm4b:s15+s1], $0x1000, $0x38;
	[tilespmem:$0x1E580] =	vst v63  }
0x1d: {  	_ = 	snop  }
0x1e: {  	[tilespmem:s19], [sflag:$0x1] =	stream.indirect.gather [hbm4b:s2+s18], $0x80, s18, s18, $0xb8;
	[tilespmem:$0x1E580] =	vst v63  }
0x1f: {  	s21 =	rddreg [dreg:$0x4]  }
0x20: {  	[tilespmem:s20], [sflag:$0x1] =	stream.indirect.gather [hbm4b:s8+s18], $0x100, s1, s18, $0xb8;
	[tilespmem:$0x1E580] =	vst v63  }
0x21: {  	[spmem:s9], [sflag:s10] =	dma.local [hbm:s21], $0x2A80  }
0x22: {  	_ =	swait.ge [sflag:s16], $0x2A80  }
0x23: {  	[sflag:s16] =	ssyncset.done $0x0  }
0x24: {  	[sflag:s16] =	ssyncadd.s32 $0xFFFFD580  }
0x25: {  	[bflag:$0x0] =	sbarrier.arrive $0xFFFF  }
0x26: {  	s15 =	rddreg [dreg:$0xa]  }
0x27: {  	s22 =	smov.u32 s10;
	s10 =	simm.s32 $0x0;
	s14 =	rddreg [dreg:$0x9]  }
.LBB2_2:
0x28: {  	_ =	swait.ge [sflag:s23], $0x1000  }
0x29: {  	[sflag:s23] =	ssyncset.done $0x0  }
0x2a: {  	[sflag:s23] =	ssyncadd.s32 $0xFFFFF000  }
0x2b: {  	s11 =	sshll.u32 s10, $0x1;
	_ =	swait.ge [sflag:s23], $0x1000  }
0x2c: {  	s1 =	sadd.s32 s11, s5;
	[sflag:s23] =	ssyncset.done $0x0  }
0x2d: {  	s1 =	sadd.s32 $0x1, s1;
	[sflag:s23] =	ssyncadd.s32 $0xFFFFF000  }
0x2e: {  	s4 =	sshll.u32 s1, $0x3;
	_ =	swait.ge [sflag:s23], $0x2000  }
0x2f: {  	s4 =	sand.u32 $0x1FFFFFF8, s4;
	[sflag:s23] =	ssyncset.done $0x0  }
0x30: {  	s12 =	simm.s32 $0x0;
	s4 =	sadd.s32 s6, s4;
	[sflag:s23] =	ssyncadd.s32 $0xFFFFE000  }
0x31: {  	[tilespmem:s24], [sflag:$0x3] =	stream.linear.gather [hbm4b:s4+s12], $0x40, $0x38;
	[tilespmem:$0x1E580] =	vst v63  }
0x32: {  	s1 =	sshll.u32 s1, $0x9;
	_ =	swait.ge [sflag:s16], $0x40  }
0x33: {  	s1 =	sand.u32 $0x1FFFFE00, s1;
	[sflag:s16] =	ssyncset.done $0x0  }
0x34: {  	s1 =	sadd.s32 s7, s1;
	[sflag:s16] =	ssyncadd.s32 $0xFFFFFFC0  }
0x35: {  	[tilespmem:s25], [sflag:$0x2] =	stream.linear.gather [hbm4b:s1+s12], $0x1000, $0x38;
	[tilespmem:$0x1E580] =	vst v63  }
0x36: {  	s13 =	simm.s32 $0x180  }
0x37: {  	[tilespmem:s28], [sflag:$0x2] =	stream.indirect.gather [hbm4b:s2+s18], $0x80, s26, s18, $0xb8;
	[tilespmem:$0x1E580] =	vst v63  }
0x38: {  	s9 =	simm.s32 $0x4280;
	s4 =	simm.s32 $0x8190;
	s1 =	simm.s32 $0x2180  }
0x39: {  	[tilespmem:s29], [sflag:$0x2] =	stream.indirect.gather [hbm4b:s8+s18], $0x100, s24, s18, $0xb8;
	[tilespmem:$0x1E580] =	vst v63  }
.LBB2_3:
0x3a: {  	v1 =	vld [tilespmem:s1+$0xFFFFFF00]  }
0x3b: {  	v3 =	vld [tilespmem:s9+$0xFFFFFE00]  }
0x3c: {  	v12 =	vld [tilespmem:s13+$0xFFFFFF00]  }
0x3d: {  	v5 =	vld [tilespmem:s1+$0xFFFFFF10]  }
0x3e: {  	v7 =	vld [tilespmem:s9+$0xFFFFFE10]  }
0x3f: {  	v21 =	vld [tilespmem:s13+$0xFFFFFF10]  }
0x40: {  	v9 =	vld [tilespmem:s1+$0xFFFFFF20]  }
0x41: {  	v11 =	vld [tilespmem:s9+$0xFFFFFE20]  }
0x42: {  	v10 =	vld [tilespmem:s13+$0xFFFFFF20]  }
0x43: {  	v13 =	vld [tilespmem:s1+$0xFFFFFF30]  }
0x44: {  	v16 =	vld [tilespmem:s9+$0xFFFFFE30]  }
0x45: {  	v8 =	vld [tilespmem:s13+$0xFFFFFF30]  }
0x46: {  	v17 =	vld [tilespmem:s1+$0xFFFFFF40]  }
0x47: {  	v18 =	vld [tilespmem:s9+$0xFFFFFE40]  }
0x48: {  	v6 =	vld [tilespmem:s13+$0xFFFFFF40]  }
0x49: {  	v19 =	vld [tilespmem:s1+$0xFFFFFF50]  }
0x4a: {  	v20 =	vld [tilespmem:s9+$0xFFFFFE50]  }
0x4b: {  	v4 =	vld [tilespmem:s13+$0xFFFFFF50]  }
0x4c: {  	v23 =	vld [tilespmem:s1+$0xFFFFFF60]  }
0x4d: {  	v24 =	vld [tilespmem:s9+$0xFFFFFE60]  }
0x4e: {  	v2 =	vld [tilespmem:s13+$0xFFFFFF60]  }
0x4f: {  	v25 =	vld [tilespmem:s1+$0xFFFFFF70]  }
0x50: {  	v26 =	vld [tilespmem:s9+$0xFFFFFE70]  }
0x51: {  	v0 =	vld [tilespmem:s13+$0xFFFFFF70]  }
0x52: {  	v14 =	vld [tilespmem:s9+$0xFFFFFE80]  }
0x53: {  	v49 =	vld [tilespmem:s1+$0xFFFFFF80]  }
0x54: {  	v50 =	vld [tilespmem:s9+$0xFFFFFF00]  }
0x55: {  	v22 =	vld [tilespmem:s13+$0xFFFFFF80]  }
0x56: {  	v51 =	vld [tilespmem:s1+$0xFFFFFF90];
	v3 =	vadd.f32 v12, v3  }
0x57: {  	v27 =	vld [tilespmem:s9+$0xFFFFFF10]  }
0x58: {  	v15 =	vld [tilespmem:s13+$0xFFFFFF90];
	v3 =	vmul.f32 v3, v1  }
0x59: {  	v53 =	vld [tilespmem:s1+$0xFFFFFFA0]  }
0x5a: {  	v28 =	vld [tilespmem:s9+$0xFFFFFF20];
	v7 =	vadd.f32 v21, v7;
	(xrf2) =	vadd.scan.msk.f32 $0xffff, v3  }
0x5b: {  	v56 =	vld [tilespmem:s1+$0xFFFFFFB0];
	v11 =	vadd.f32 v10, v11  }
0x5c: {  	v59 =	vld [tilespmem:s9+$0xFFFFFF30];
	v52 =	vadd.f32 v8, v16;
	v5 =	vmul.f32 v7, v5  }
0x5d: {  	v60 =	vld [tilespmem:s1+$0xFFFFFFC0];
	v18 =	vadd.f32 v6, v18;
	v9 =	vmul.f32 v11, v9  }
0x5e: {  	v29 =	vld [tilespmem:s9+$0xFFFFFF40];
	v54 =	vmul.f32 v52, v13;
	(xrf2) =	vadd.scan.msk.f32 $0xffff, v5  }
0x5f: {  	v62 =	vld [tilespmem:s1+$0xFFFFFFD0];
	v55 =	vadd.f32 v4, v20;
	v17 =	vmul.f32 v18, v17;
	(xrf2) =	vadd.scan.msk.f32 $0xffff, v9  }
0x60: {  	v63 =	vld [tilespmem:s9+$0xFFFFFF50];
	(xrf2) =	vadd.scan.msk.f32 $0xffff, v54  }
0x61: {  	v13 =	vld [tilespmem:s13+$0xFFFFFFA0];
	v58 =	vmul.f32 v55, v19;
	(xrf2) =	vadd.scan.msk.f32 $0xffff, v17  }
0x62: {  	v11 =	vld [tilespmem:s13+$0xFFFFFFB0]  }
0x63: {  	v31 =	vld [tilespmem:s1+$0xFFFFFFE0];
	(xrf2) =	vadd.scan.msk.f32 $0xffff, v58  }
0x64: {  	v38 =	vld [tilespmem:s9+$0xFFFFFF60];
	v24 =	vadd.f32 v2, v24;
	v57, _, _ =	vpop (xrf2)  }
0x65: {  	v26 =	vadd.f32 v0, v26;
	v9 =	vld [tilespmem:s13+$0xFFFFFFC0];
	v20 =	vadd.f32 $0.0e+00, v57  }
0x66: {  	v42 =	vld [tilespmem:s1+$0xFFFFFFF0];
	v23 =	vmul.f32 v24, v23;
	v1 =	vadd.f32 v22, v50;
	v37 =	vadd.f32 v13, v28  }
0x67: {  	v46 =	vld [tilespmem:s9+$0xFFFFFF70];
	v25 =	vmul.f32 v26, v25;
	v19 =	vadd.f32 v11, v59;
	v20 =	vmul.f32 $1.442695020e+00, v20  }
0x68: {  	v48 =	vld [tilespmem:s1+$0x0];
	v35 =	vadd.f32 v15, v27;
	v3 =	vmul.f32 v1, v49;
	v41 =	vmul.f32 v37, v53;
	v61, _, _ =	vpop (xrf2);
	(xrf2) =	vadd.scan.msk.f32 $0xffff, v23  }
0x69: {  	v7 =	vld [tilespmem:s13+$0xFFFFFFD0];
	v18 =	vmul.f32 v19, v56;
	v30 =	vadd.f32 $0.0e+00, v61;
	v34, _, _ =	vpop (xrf2);
	(xrf2) =	vadd.scan.msk.f32 $0xffff, v25;
	v20 =	vbroadcast v20, $0xF  }
0x6a: {  	v24 =	vld [tilespmem:s13+$0x20];
	v45 =	vadd.f32 v9, v29;
	v25 =	vmul.f32 v35, v51;
	v36 =	vadd.f32 $0.0e+00, v34;
	v39, _, _ =	vpop (xrf2);
	(xrf2) =	vadd.scan.msk.f32 $0xffff, v3  }
0x6b: {  	v5 =	vld [tilespmem:s13+$0xFFFFFFE0];
	v30 =	vmul.f32 $1.442695020e+00, v30;
	v40, _, _ =	vpop (xrf2);
	(erf) = vpow2.f32 v20;
	v20 =	vadd.f32 $0.0e+00, v39  }
0x6c: {  	v17 =	vmul.f32 v45, v60;
	v51 =	vld [tilespmem:s9+$0x0];
	(xrf2) =	vadd.scan.msk.f32 $0xffff, v25;
	v27 =	vmul.f32 $1.442695020e+00, v36;
	v43 =	vadd.f32 $0.0e+00, v40  }
0x6d: {  	v3 =	vld [tilespmem:s13+$0xFFFFFFF0];
	v44, _, _ =	vpop (xrf2);
	(xrf2) =	vadd.scan.msk.f32 $0xffff, v41;
	v33 =	vbroadcast v30, $0xF;
	v20 =	vmul.f32 $1.442695020e+00, v20  }
0x6e: {  	v12 =	vadd.f32 v14, v12;
	(xrf2) =	vadd.scan.msk.f32 $0xffff, v18;
	v30 =	vld [tilespmem:s13+$0x0];
	v27 =	vbroadcast v27, $0xF;
	v23 =	vmul.f32 $1.442695020e+00, v43  }
0x6f: {  	v60 =	vld [tilespmem:s1+$0x20];
	v47 =	vadd.f32 $0.0e+00, v44;
	(erf) = vpow2.f32 v33;
	v49 =	vbroadcast v20, $0xF  }
0x70: {  	v56 =	vadd.f32 v7, v63;
	(xrf2) =	vadd.scan.msk.f32 $0xffff, v17;
	v33 =	vld [tilespmem:s9+$0x20];
	(erf) = vpow2.f32 v27;
	v23 =	vbroadcast v23, $0xF  }
0x71: {  	v28 =	vadd.f32 v5, v38;
	v57 =	vld [tilespmem:s9+$0x10];
	v50 =	vmul.f32 $1.442695020e+00, v47;
	(erf) = vpow2.f32 v49  }
0x72: {  	v59 =	vadd.f32 v3, v46;
	v27 =	vld [tilespmem:s13+$0x10];
	v52, _, _ =	vpop (xrf2);
	(erf) = vpow2.f32 v23;
	v23 =	vmul.f32 v56, v62  }
0x73: {  	v28 =	vmul.f32 v28, v31;
	v29 =	vadd.f32 v30, v51;
	v55, _, _ =	vpop (xrf2);
	v17 =	vadd.f32 $0.0e+00, v52  }
0x74: {  	v54 =	vld [tilespmem:s1+$0x10];
	v53 =	vbroadcast v50, $0xF;
	v16 =	vmul.f32 v59, v42;
	v58 =	vadd.f32 $0.0e+00, v55;
	v32, _, _ =	vpop (xrf2);
	(xrf2) =	vadd.scan.msk.f32 $0xffff, v23  }
0x75: {  	v14 =	vld [tilespmem:s13+$0x60];
	v18 =	vmul.f32 v29, v48;
	v52 =	vadd.f32 v24, v33;
	v17 =	vmul.f32 $1.442695020e+00, v17;
	(xrf2) =	vadd.scan.msk.f32 $0xffff, v28  }
0x76: {  	v1 =	vld [tilespmem:s1+$0x30];
	v61 =	vadd.f32 $0.0e+00, v32;
	v62, _, _ =	vpop (xrf2);
	(erf) = vpow2.f32 v53;
	v19 =	vmul.f32 $1.442695020e+00, v58  }
0x77: {  	[tilespmem:$0x1FFE0] =	vst v0;
	v38 =	vld [tilespmem:s9+$0x40];
	v26 =	vadd.f32 v27, v57;
	v0, _, _ =	vpop (xrf2);
	v25 =	vmul.f32 v52, v60;
	v17 =	vbroadcast v17, $0xF  }
0x78: {  	v45 =	vld [tilespmem:s9+$0x30];
	v63 =	vadd.f32 $0.0e+00, v62;
	v42 =	vmul.f32 $1.442695020e+00, v61;
	v44, _, _ =	vpop (xrf2);
	v19 =	vbroadcast v19, $0xF;
	(xrf2) =	vadd.scan.msk.f32 $0xffff, v16  }
0x79: {  	v43 =	vadd.f32 $0.0e+00, v0;
	v23 =	vld [tilespmem:s13+$0x30];
	v49 =	vpop (erf);
	v20 =	vmul.f32 v26, v54;
	(erf) = vpow2.f32 v17;
	(xrf2) =	vadd.scan.msk.f32 $0xffff, v18  }
0x7a: {  	s21 =	sadd.s32 s12, s14;
	v46 =	vmul.f32 $1.442695020e+00, v63;
	v47 =	vadd.f32 $0.0e+00, v44;
	v48, _, _ =	vpop (xrf2);
	(erf) = vpow2.f32 v19;
	v19 =	vld [tilespmem:s13+$0x40]  }
0x7b: {  	p0 =	slt.u32 s21, $0x4E200;
	v34 =	vld [tilespmem:s1+$0x40];
	v40 =	vpop (erf);
	v17 =	vbroadcast v42, $0xF;
	v28 =	vmul.f32 $1.442695020e+00, v43  }
0x7c: {  	v39 =	vld [tilespmem:s9+$0x50];
	v16 =	vpsel !p0, $0x0, v49;
	v36 =	vpop (erf);
	v35 =	vbroadcast v46, $0xF;
	v37 =	vmul.f32 $1.442695020e+00, v47  }
0x7d: {  	v55 =	vld [tilespmem:s1+$0x60];
	v18 =	vadd.f32 $0.0e+00, v48;
	(erf) = vpow2.f32 v17;
	v50 =	vbroadcast v28, $0xF;
	v31 =	vpop (erf)  }
0x7e: {  	v0 =	vld [tilespmem:s9+$0x70];
	(erf) = vpow2.f32 v35;
	v51 =	vbroadcast v37, $0xF;
	v54 =	vadd.f32 v23, v45;
	v53, _, _ =	vpop (xrf2)  }
0x7f: {  	v17 =	vld [tilespmem:s13+$0x50];
	v18 =	vmul.f32 $1.442695020e+00, v18;
	(erf) = vpow2.f32 v50;
	v38 =	vadd.f32 v19, v38;
	(xrf2) =	vadd.scan.msk.f32 $0xffff, v20;
	v56, _, _ =	vpop (xrf2)  }
0x80: {  	v42 =	vld [tilespmem:s9+$0x60];
	v28 =	vpop (erf);
	(erf) = vpow2.f32 v51;
	v59 =	vmul.f32 v54, v1;
	v57 =	vadd.f32 $0.0e+00, v56  }
0x81: {  	v37 =	vld [tilespmem:s1+$0x50];
	v18 =	vbroadcast v18, $0xF;
	v26 =	vpop (erf);
	v63 =	vmul.f32 v38, v34;
	v33 =	vadd.f32 $0.0e+00, v53;
	(xrf2) =	vadd.scan.msk.f32 $0xffff, v25  }
0x82: {  	v48 =	vld [tilespmem:s9+$0x100];
	v1 =	vmul.f32 v12, v16;
	v58, _, _ =	vpop (xrf2);
	(xrf2) =	vadd.scan.msk.f32 $0xffff, v59;
	v41 =	vmul.f32 $1.442695020e+00, v57  }
0x83: {  	v12 =	vld [tilespmem:s13+$0x70];
	(erf) = vpow2.f32 v18;
	v60 =	vmul.f32 $1.442695020e+00, v33;
	v61 =	vadd.f32 $0.0e+00, v58;
	v62, _, _ =	vpop (xrf2);
	(xrf2) =	vadd.scan.msk.f32 $0xffff, v63  }
0x84: {  	v45 =	vld [tilespmem:s13+$0x80];
	v46 =	vadd.f32 v17, v39;
	v20 =	vpop (erf);
	v35 =	vadd.f32 $0.0e+00, v62;
	v41 =	vbroadcast v41, $0xF  }
0x85: {  	v50 =	vld [tilespmem:s1+$0x70];
	v18 =	vpop (erf);
	v29 =	vbroadcast v60, $0xF;
	v33 =	vmul.f32 $1.442695020e+00, v61  }
0x86: {  	v47 =	vld [tilespmem:s1+$0x80];
	v37 =	vmul.f32 v46, v37;
	v44 =	vpop (erf);
	v35 =	vmul.f32 $1.442695020e+00, v35  }
0x87: {  	v52 =	vld [tilespmem:s9+$0xFFFFFF80];
	v51 =	vadd.f32 v14, v42;
	[tilespmem:s4+$0xFFFFFEF0] =	vst v1;
	v43 =	vpop (erf);
	(erf) = vpow2.f32 v29;
	v49 =	vbroadcast v33, $0xF  }
0x88: {  	v38 =	vld [tilespmem:s9+$0xFFFFFE90];
	v34 =	vadd.f32 v12, v0;
	(erf) = vpow2.f32 v41;
	v35 =	vbroadcast v35, $0xF;
	v41 =	vpop (erf)  }
0x89: {  	v25 =	vadd.f32 v45, v48;
	v29 =	vmul.f32 v51, v55;
	(erf) = vpow2.f32 v49;
	v53, _, _ =	vpop (xrf2)  }
0x8a: {  	v33 =	vmul.f32 v34, v50;
	(xrf2) =	vadd.scan.msk.f32 $0xffff, v37;
	v39 =	vpop (erf);
	(erf) = vpow2.f32 v35  }
0x8b: {  	v25 =	vmul.f32 v25, v47;
	v54, _, _ =	vpop (xrf2);
	(xrf2) =	vadd.scan.msk.f32 $0xffff, v29  }
0x8c: {  	v59 =	vadd.f32 v52, v22;
	v55, _, _ =	vpop (xrf2);
	(xrf2) =	vadd.scan.msk.f32 $0xffff, v33  }
0x8d: {  	v48 =	vld [tilespmem:s13+$0x90];
	v21 =	vadd.f32 v38, v21;
	v56 =	vadd.f32 $0.0e+00, v53;
	v57, _, _ =	vpop (xrf2);
	(xrf2) =	vadd.scan.msk.f32 $0xffff, v25  }
0x8e: {  	v58 =	vld [tilespmem:s9+$0x110];
	v29 =	vpsel !p0, $0x0, v44;
	v34 =	vadd.f32 $0.0e+00, v54;
	v33 =	vpsel !p0, $0x0, v40  }
0x8f: {  	v35 =	vpop (erf);
	v38 =	vmul.f32 v59, v29;
	v60 =	vmul.f32 $1.442695020e+00, v56;
	v37 =	vadd.f32 $0.0e+00, v55  }
0x90: {  	v62 =	vld [tilespmem:s1+$0x90];
	v49 =	vmul.f32 v21, v33;
	v34 =	vmul.f32 $1.442695020e+00, v34;
	v46 =	vadd.f32 $0.0e+00, v57;
	v32 =	vpop (erf)  }
0x91: {  	v61 =	vld [tilespmem:s9+$0x80];
	v40 =	vbroadcast v60, $0xF;
	v37 =	vmul.f32 $1.442695020e+00, v37;
	v25 =	vpop (erf)  }
0x92: {  	v34 =	vbroadcast v34, $0xF;
	v50 =	vmul.f32 $1.442695020e+00, v46;
	v22 =	vpop (erf)  }
0x93: {  	v0 =	vadd.f32 v48, v58;
	(erf) = vpow2.f32 v40;
	v37 =	vbroadcast v37, $0xF;
	v63 =	vpop (erf)  }
0x94: {  	(erf) = vpow2.f32 v34;
	v34 =	vbroadcast v50, $0xF;
	v1, _, _ =	vpop (xrf2)  }
0x95: {  	[tilespmem:s4+$0xFFFFFF78] =	vst v38;
	v40 =	vmul.f32 v0, v62;
	(erf) = vpow2.f32 v37;
	v51, _, _ =	vpop (xrf2);
	v52 =	vadd.f32 $0.0e+00, v1  }
0x96: {  	v30 =	vadd.f32 v61, v30;
	v57 =	vld [tilespmem:s9+$0x120];
	[tilespmem:s4+$0xFFFFFF00] =	vst v49;
	(erf) = vpow2.f32 v34;
	v42 =	vadd.f32 $0.0e+00, v51;
	v53, _, _ =	vpop (xrf2)  }
0x97: {  	v49 =	vld [tilespmem:s13+$0xA0];
	v21 =	vpsel !p0, $0x0, v63;
	(xrf2) =	vadd.scan.msk.f32 $0xffff, v40;
	v54 =	vmul.f32 $1.442695020e+00, v52;
	v55 =	vadd.f32 $0.0e+00, v53;
	v56, _, _ =	vpop (xrf2)  }
0x98: {  	v47 =	vld [tilespmem:s9+$0xFFFFFF90];
	v30 =	vmul.f32 v30, v21;
	v58 =	vmul.f32 $1.442695020e+00, v42;
	v59 =	vadd.f32 $0.0e+00, v56  }
0x99: {  	v44 =	vld [tilespmem:s13+$0xC0];
	v37 =	vbroadcast v54, $0xF;
	v38 =	vmul.f32 $1.442695020e+00, v55  }
0x9a: {  	v60 =	vld [tilespmem:s1+$0xA0];
	[tilespmem:s4+$0x0] =	vst v30;
	v34 =	vbroadcast v58, $0xF;
	v30 =	vmul.f32 $1.442695020e+00, v59  }
0x9b: {  	v46 =	vld [tilespmem:s9+$0xFFFFFEA0];
	(erf) = vpow2.f32 v37;
	v61 =	vbroadcast v38, $0xF  }
0x9c: {  	v62 =	vadd.f32 v49, v57;
	v57 =	vld [tilespmem:s1+$0xD0];
	(erf) = vpow2.f32 v34;
	v30 =	vbroadcast v30, $0xF  }
0x9d: {  	v47 =	vadd.f32 v47, v15;
	v15 =	vld [tilespmem:s13+$0xF0];
	(erf) = vpow2.f32 v61  }
0x9e: {  	v40 =	vld [tilespmem:s13+$0xD0];
	(erf) = vpow2.f32 v30  }
0x9f: {  	v51 =	vld [tilespmem:s1+$0xB0];
	v63 =	vmul.f32 v62, v60;
	v54 =	vpop (erf)  }
0xa0: {  	v52 =	vld [tilespmem:s13+$0xB0];
	v56 =	vpop (erf)  }
0xa1: {  	(xrf2) =	vadd.scan.msk.f32 $0xffff, v63;
	v38 =	vld [tilespmem:s9+$0x180];
	v0, _, _ =	vpop (xrf2)  }
0xa2: {  	v34 =	vld [tilespmem:s9+$0x130];
	v58 =	vpop (erf);
	v1 =	vadd.f32 $0.0e+00, v0  }
0xa3: {  	v60 =	vld [tilespmem:s9+$0x150];
	v59 =	vpop (erf)  }
0xa4: {  	v62 =	vld [tilespmem:s1+$0xE0];
	v61 =	vmul.f32 $1.442695020e+00, v1;
	v42 =	vpop (erf)  }
0xa5: {  	v53 =	vld [tilespmem:s1+$0xC0];
	v37 =	vpop (erf)  }
0xa6: {  	v63 =	vld [tilespmem:s9+$0x160];
	v61 =	vbroadcast v61, $0xF;
	v30 =	vpop (erf)  }
0xa7: {  	v50 =	vld [tilespmem:s9+$0x90];
	v45 =	vadd.f32 v38, v45;
	v1 =	vadd.f32 v52, v34;
	v0 =	vpop (erf)  }
0xa8: {  	v55 =	vld [tilespmem:s9+$0x140];
	(erf) = vpow2.f32 v61;
	v34 =	vpsel !p0, $0x0, v0  }
0xa9: {  	v38 =	vld [tilespmem:s13+$0xE0];
	v1 =	vmul.f32 v1, v51;
	v45 =	vmul.f32 v45, v34  }
0xaa: {  	v51 =	vld [tilespmem:s9+$0x170]  }
0xab: {  	v10 =	vadd.f32 v46, v10;
	(xrf2) =	vadd.scan.msk.f32 $0xffff, v1;
	v0 =	vld [tilespmem:s1+$0xF0];
	v61, _, _ =	vpop (xrf2);
	[tilespmem:s4+$0x88] =	vst v45  }
0xac: {  	v36 =	vpsel !p0, $0x0, v36;
	v43 =	vpsel !p0, $0x0, v43;
	v1 =	vadd.f32 $0.0e+00, v61;
	v45 =	vld [tilespmem:s9+$0x190]  }
0xad: {  	v47 =	vmul.f32 v47, v43;
	v10 =	vmul.f32 v10, v36  }
0xae: {  	v50 =	vadd.f32 v50, v27;
	v1 =	vmul.f32 $1.442695020e+00, v1  }
0xaf: {  	[tilespmem:s4+$0xFFFFFF88] =	vst v47;
	v27 =	vpsel !p0, $0x0, v54  }
0xb0: {  	v47 =	vld [tilespmem:s9+$0xFFFFFFA0];
	v46 =	vmul.f32 v50, v27;
	v1 =	vbroadcast v1, $0xF  }
0xb1: {  	[tilespmem:s4+$0xFFFFFF10] =	vst v10;
	v61 =	vadd.f32 v44, v55;
	v10 =	vpop (erf);
	v45 =	vadd.f32 v45, v48  }
0xb2: {  	v54 =	vld [tilespmem:s9+$0xFFFFFEB0];
	[tilespmem:s4+$0x10] =	vst v46;
	(erf) = vpow2.f32 v1;
	v10 =	vpsel !p0, $0x0, v10  }
0xb3: {  	v55 =	vmul.f32 v61, v53;
	v61 =	vld [tilespmem:s9+$0xA0];
	v45 =	vmul.f32 v45, v10;
	_ =	sdelay $0x1  }
0xb4: {  	v13 =	vadd.f32 v47, v13;
	(xrf2) =	vadd.scan.msk.f32 $0xffff, v55;
	v48, _, _ =	vpop (xrf2);
	[tilespmem:s4+$0x98] =	vst v45  }
0xb5: {  	v41 =	vpsel !p0, $0x0, v41;
	v50 =	vadd.f32 $0.0e+00, v48;
	v53 =	vld [tilespmem:s9+$0x1A0]  }
0xb6: {  	v13 =	vmul.f32 v13, v41;
	v1 =	vadd.f32 v54, v8  }
0xb7: {  	v31 =	vpsel !p0, $0x0, v31;
	v54 =	vadd.f32 v61, v24;
	v45 =	vmul.f32 $1.442695020e+00, v50  }
0xb8: {  	[tilespmem:s4+$0xFFFFFF98] =	vst v13;
	v13 =	vpsel !p0, $0x0, v56;
	v1 =	vmul.f32 v1, v31  }
0xb9: {  	v55 =	vld [tilespmem:s9+$0xFFFFFFB0];
	v8 =	vmul.f32 v54, v13;
	v45 =	vbroadcast v45, $0xF  }
0xba: {  	[tilespmem:s4+$0xFFFFFF20] =	vst v1;
	v48 =	vpop (erf);
	v61 =	vadd.f32 v53, v49;
	v49 =	vadd.f32 v40, v60  }
0xbb: {  	[tilespmem:s4+$0x20] =	vst v8;
	(erf) = vpow2.f32 v45;
	v8 =	vpsel !p0, $0x0, v48  }
0xbc: {  	v50 =	vld [tilespmem:s9+$0xFFFFFEC0];
	v53 =	vmul.f32 v49, v57;
	v1 =	vmul.f32 v61, v8  }
0xbd: {  	v54 =	vld [tilespmem:s9+$0xB0]  }
0xbe: {  	v11 =	vadd.f32 v55, v11;
	v55, _, _ =	vpop (xrf2);
	(xrf2) =	vadd.scan.msk.f32 $0xffff, v53;
	[tilespmem:s4+$0xA8] =	vst v1  }
0xbf: {  	v56 =	vadd.f32 $0.0e+00, v55;
	v57 =	vld [tilespmem:s9+$0x1B0]  }
0xc0: {  	v39 =	vpsel !p0, $0x0, v39  }
0xc1: {  	v11 =	vmul.f32 v11, v39;
	v6 =	vadd.f32 v50, v6;
	v1 =	vmul.f32 $1.442695020e+00, v56  }
0xc2: {  	v28 =	vpsel !p0, $0x0, v28;
	v23 =	vadd.f32 v54, v23  }
0xc3: {  	[tilespmem:s4+$0xFFFFFFA8] =	vst v11;
	v11 =	vpsel !p0, $0x0, v58;
	v6 =	vmul.f32 v6, v28;
	v1 =	vbroadcast v1, $0xF  }
0xc4: {  	v48 =	vadd.f32 v38, v63;
	v60 =	vld [tilespmem:s9+$0xFFFFFFC0];
	v23 =	vmul.f32 v23, v11;
	v61 =	vpop (erf);
	v24 =	vadd.f32 v57, v52  }
0xc5: {  	[tilespmem:s4+$0xFFFFFF30] =	vst v6;
	(erf) = vpow2.f32 v1;
	v6 =	vpsel !p0, $0x0, v61  }
0xc6: {  	v50 =	vmul.f32 v48, v62;
	[tilespmem:s4+$0x30] =	vst v23;
	v49 =	vld [tilespmem:s9+$0xFFFFFED0];
	v24 =	vmul.f32 v24, v6  }
0xc7: {  	v52 =	vld [tilespmem:s9+$0xC0]  }
0xc8: {  	(xrf2) =	vadd.scan.msk.f32 $0xffff, v50;
	v53, _, _ =	vpop (xrf2);
	[tilespmem:s4+$0xB8] =	vst v24  }
0xc9: {  	v9 =	vadd.f32 v60, v9;
	v23 =	vadd.f32 $0.0e+00, v53;
	v24 =	vld [tilespmem:s9+$0x1C0]  }
0xca: {  	v35 =	vpsel !p0, $0x0, v35  }
0xcb: {  	v9 =	vmul.f32 v9, v35;
	v1 =	vadd.f32 v49, v4;
	v23 =	vmul.f32 $1.442695020e+00, v23  }
0xcc: {  	v54 =	vpsel !p0, $0x0, v26;
	v57 =	vadd.f32 v15, v51;
	v55 =	vadd.f32 v52, v19  }
0xcd: {  	v26 =	vpsel !p0, $0x0, v59;
	[tilespmem:s4+$0xFFFFFFB8] =	vst v9;
	v1 =	vmul.f32 v1, v54;
	v23 =	vbroadcast v23, $0xF  }
0xce: {  	v56 =	vld [tilespmem:s9+$0xFFFFFFD0];
	v0 =	vmul.f32 v57, v0;
	v9 =	vmul.f32 v55, v26;
	v59 =	vpop (erf);
	v58 =	vadd.f32 v24, v44  }
0xcf: {  	[tilespmem:s4+$0xFFFFFF40] =	vst v1;
	(erf) = vpow2.f32 v23;
	v23 =	vpsel !p0, $0x0, v59  }
0xd0: {  	v60 =	vld [tilespmem:s9+$0xFFFFFEE0];
	(xrf2) =	vadd.scan.msk.f32 $0xffff, v0;
	[tilespmem:s4+$0x40] =	vst v9;
	v62 =	vmul.f32 v58, v23  }
0xd1: {  	v63 =	vnsel vm0, $0x0, v16;
	v61 =	vld [tilespmem:s9+$0xD0]  }
0xd2: {  	v18 =	vpsel !p0, $0x0, v18;
	v49 =	vpsel !p0, $0x0, v20;
	v1 =	vsel vm1, v63, v33;
	v45, _, _ =	vpop (xrf2);
	[tilespmem:s4+$0xC8] =	vst v62  }
0xd3: {  	v1 =	vsel vm2, v1, v36;
	v7 =	vadd.f32 v56, v7;
	v47 =	vadd.f32 $0.0e+00, v45;
	v48 =	vld [tilespmem:s9+$0x1D0]  }
0xd4: {  	v36 =	vpsel !p0, $0x0, v37;
	v1 =	vsel vm3, v1, v31;
	v44 =	vpsel !p0, $0x0, v32  }
0xd5: {  	v2 =	vadd.f32 v60, v2;
	v46 =	vmul.f32 v7, v44;
	v7 =	vmul.f32 $1.442695020e+00, v47  }
0xd6: {  	v19 =	vpsel !p0, $0x0, v42;
	v53 =	vnsel vm0, $0x0, v29;
	v50 =	vadd.f32 v61, v17  }
0xd7: {  	v1 =	vsel vm4, v1, v28;
	v2 =	vmul.f32 v2, v49;
	v7 =	vbroadcast v7, $0xF  }
0xd8: {  	v1 =	vsel vm5, v1, v54;
	[tilespmem:s4+$0xFFFFFFC8] =	vst v46;
	v52 =	vmul.f32 v50, v19;
	v54 =	vadd.f32 v48, v40;
	v55 =	vpop (erf)  }
0xd9: {  	v0 =	vsel vm6, v1, v49;
	[tilespmem:s4+$0xFFFFFF50] =	vst v2;
	v51 =	vld [tilespmem:s9+$0xFFFFFFE0];
	(erf) = vpow2.f32 v7;
	v7 =	vpsel !p0, $0x0, v55  }
0xda: {  	v63 =	vld [tilespmem:$0x1FFE0];
	v1 =	vsel vm1, v53, v43;
	v43 =	vnsel vm0, $0x0, v21;
	v58, _, _ =	vpop (xrf2);
	[tilespmem:s4+$0x50] =	vst v52;
	v2 =	vmul.f32 v54, v7  }
0xdb: {  	s21 =	sadd.s32 $0x1, s12;
	v1 =	vsel vm2, v1, v41;
	v0 =	vsel vm7, v0, v18;
	v17 =	vadd.f32 $0.0e+00, v58;
	v57 =	vld [tilespmem:s9+$0xE0]  }
0xdc: {  	v41 =	vmov s21;
	v9 =	vsel vm1, v43, v27;
	v1 =	vsel vm3, v1, v39;
	v56 =	vld [tilespmem:s9+$0xFFFFFEF0];
	[tilespmem:s4+$0xD8] =	vst v2  }
0xdd: {  	s21 =	sadd.s32 $0x2, s12;
	v39 =	vpsel !p0, $0x0, v22;
	v42 =	vmul.u32 $0x88, v41;
	v17 =	vmul.f32 $1.442695020e+00, v17;
	v62 =	vld [tilespmem:s9+$0x1E0]  }
0xde: {  	v45 =	vmov s21;
	v9 =	vsel vm2, v9, v13;
	v5 =	vadd.f32 v51, v5  }
0xdf: {  	v59 =	vpsel !p0, $0x0, v25;
	v1 =	vsel vm4, v1, v35;
	v35 =	vbroadcast v17, $0xF  }
0xe0: {  	v9 =	vsel vm3, v9, v11;
	v5 =	vmul.f32 v5, v59;
	v32 =	vadd.f32 v57, v14  }
0xe1: {  	v60 =	vld [tilespmem:$0x1FFF0];
	v61 =	vmov s12;
	v4 =	vadd.f32 v56, v63;
	(erf) = vpow2.f32 v35  }
0xe2: {  	[tilespmem:s4+$0xFFFFFFD8] =	vst v5;
	v2 =	vmul.u32 $0x88, v61;
	v37 =	vpop (erf);
	v5 =	vmul.f32 v32, v36;
	v40 =	vadd.f32 v62, v38  }
0xe3: {  	v49 =	vnsel vm0, $0x0, v34;
	v4 =	vmul.f32 v4, v18;
	v33 =	vld [tilespmem:s9+$0xFFFFFFF0];
	v14 =	vpsel !p0, $0x0, v37  }
0xe4: {  	v1 =	vsel vm5, v1, v44;
	v2 =	vbroadcast v2, $0x0;
	[tilespmem:s4+$0x60] =	vst v5;
	v18 =	vmul.f32 v40, v14  }
0xe5: {  	s21 =	sadd.s32 $0x3, s12;
	v10 =	vsel vm1, v49, v10;
	v1 =	vsel vm6, v1, v59;
	v46 =	vmul.u32 $0x88, v45;
	v44 =	vld [tilespmem:s9+$0xF0]  }
0xe6: {  	v48 =	vmov s21;
	v2 =	vadd.s32 v60, v2;
	v5 =	vbroadcast v42, $0x0;
	[tilespmem:s4+$0xE8] =	vst v18  }
0xe7: {  	v8 =	vsel vm2, v10, v8;
	v13 =	vbroadcast v46, $0x0;
	v17 =	vmul.u32 $0x88, v48;
	v47 =	vld [tilespmem:s9+$0x1F0]  }
0xe8: {  	v1 =	vsel vm7, v1, v39;
	v3 =	vadd.f32 v33, v3;
	v5 =	vadd.s32 v60, v5  }
0xe9: {  	v50 =	vsel vm4, v9, v26;
	v53 =	vadd.s32 v60, v13;
	v54 =	vbroadcast v17, $0x0  }
0xea: {  	v55 =	vsel vm3, v8, v6;
	[tilespmem:s4+$0xFFFFFF60] =	vst v4;
	v3 =	vmul.f32 v3, v39;
	v51 =	vadd.f32 v44, v12  }
0xeb: {  	v52 =	vpsel !p0, $0x0, v30;
	v4 =	vsel vm5, v50, v19;
	v58 =	vadd.s32 v60, v54;
	v56 =	vpop (erf);
	[tilespmem:v2+s30+$0x0] =	vst.idx.msk $0xff, v0  }
0xec: {  	v60 =	vpsel !p0, $0x0, v56;
	p0 =	slt.u32 s12, $0x1C;
	[tilespmem:s4+$0xFFFFFFE8] =	vst v3;
	v9 =	vmul.f32 v51, v52;
	v57 =	vadd.f32 v47, v15  }
.Ltmp0:
0xed: {  	v59 =	vsel vm6, v4, v36;
	v3 =	vsel vm4, v55, v23;
	[tilespmem:v5+s30+$0x0] =	vst.idx.msk $0xff, v1;
	(pc) =	sbr.rel @p0 .LBB2_3-.Ltmp0, $4  }
0xee: {  	v0 =	vsel vm7, v59, v52;
	v61 =	vsel vm5, v3, v7;
	[tilespmem:s4+$0x70] =	vst v9;
	v62 =	vmul.f32 v57, v60  }
0xef: {  	v63 =	vsel vm6, v61, v14;
	[tilespmem:v53+s30+$0x0] =	vst.idx.msk $0xff, v0  }
0xf0: {  	s13 =	sadd.s32 $0x200, s13;
	s1 =	sadd.s32 $0x200, s1;
	v0 =	vsel vm7, v63, v60;
	[tilespmem:s4+$0xF8] =	vst v62  }
0xf1: {  	s12 =	sadd.s32 $0x4, s12;
	s9 =	sadd.s32 $0x400, s9;
	s4 =	sadd.s32 $0x220, s4;
	[tilespmem:v58+s30+$0x0] =	vst.idx.msk $0xff, v0  }
0xf2: {  	[spmem:s3] =	stream.indirect.scatter.add.f32 [tilespmem:s30], [sflag:$0x3], $0x88, s18, s18, $0xb8;
	[tilespmem:$0x1E580] =	vst v63  }
0xf3: {  	_ =	swait.ge [sflag:s16], $0x1100  }
0xf4: {  	[sflag:s16] =	ssyncset.done $0x0  }
0xf5: {  	[sflag:s16] =	ssyncadd.s32 $0xFFFFEF00  }
0xf6: {  	_ =	swait.ge [sflag:s31], $0x1000  }
0xf7: {  	[sflag:s31] =	ssyncset.done $0x0  }
0xf8: {  	s1 =	sadd.s32 $0x2, s11;
	[sflag:s31] =	ssyncadd.s32 $0xFFFFF000  }
0xf9: {  	p0 =	seq.s32 s1, $0x140;
	_ =	swait.ge [sflag:s31], $0x1000  }
0xfa: {  	s1 =	simm.s32 @p0 $0x0;
	[sflag:s31] =	ssyncset.done $0x0  }
0xfb: {  	s1 =	sadd.s32 s5, s1;
	[sflag:s31] =	ssyncadd.s32 $0xFFFFF000  }
0xfc: {  	s4 =	sshll.u32 s1, $0x3;
	_ =	swait.ge [sflag:s31], $0x2000  }
0xfd: {  	s4 =	sand.u32 $0x1FFFFFF0, s4;
	[sflag:s31] =	ssyncset.done $0x0  }
0xfe: {  	s11 =	simm.s32 $0x0;
	s4 =	sadd.s32 s6, s4;
	[sflag:s31] =	ssyncadd.s32 $0xFFFFE000  }
0xff: {  	[tilespmem:s11], [sflag:$0x3] =	stream.linear.gather [hbm4b:s4+s11], $0x40, $0x38;
	[tilespmem:$0x1E580] =	vst v63  }
0x100: {  	s1 =	sshll.u32 s1, $0x9;
	_ =	swait.ge [sflag:s16], $0x40  }
0x101: {  	s1 =	sand.u32 $0x1FFFFC00, s1;
	[sflag:s16] =	ssyncset.done $0x0  }
0x102: {  	s1 =	sadd.s32 s7, s1;
	[sflag:s16] =	ssyncadd.s32 $0xFFFFFFC0  }
0x103: {  	[tilespmem:s17], [sflag:$0x1] =	stream.linear.gather [hbm4b:s1+s11], $0x1000, $0x38;
	[tilespmem:$0x1E580] =	vst v63  }
0x104: {  	s12 =	simm.s32 $0x1180  }
0x105: {  	[tilespmem:s19], [sflag:$0x1] =	stream.indirect.gather [hbm4b:s2+s18], $0x80, s18, s18, $0xb8;
	[tilespmem:$0x1E580] =	vst v63  }
0x106: {  	s9 =	simm.s32 $0x6280;
	s4 =	simm.s32 $0x8190;
	s1 =	simm.s32 $0x3180  }
0x107: {  	[tilespmem:s20], [sflag:$0x1] =	stream.indirect.gather [hbm4b:s8+s18], $0x100, s11, s18, $0xb8;
	[tilespmem:$0x1E580] =	vst v63  }
.LBB2_5:
0x108: {  	v0 =	vld [tilespmem:s1+$0xFFFFFF00]  }
0x109: {  	v1 =	vld [tilespmem:s9+$0xFFFFFE00]  }
0x10a: {  	v12 =	vld [tilespmem:s12+$0xFFFFFF00]  }
0x10b: {  	v3 =	vld [tilespmem:s1+$0xFFFFFF10]  }
0x10c: {  	v5 =	vld [tilespmem:s9+$0xFFFFFE10]  }
0x10d: {  	v21 =	vld [tilespmem:s12+$0xFFFFFF10]  }
0x10e: {  	v7 =	vld [tilespmem:s1+$0xFFFFFF20]  }
0x10f: {  	v9 =	vld [tilespmem:s9+$0xFFFFFE20]  }
0x110: {  	v10 =	vld [tilespmem:s12+$0xFFFFFF20]  }
0x111: {  	v11 =	vld [tilespmem:s1+$0xFFFFFF30]  }
0x112: {  	v13 =	vld [tilespmem:s9+$0xFFFFFE30]  }
0x113: {  	v8 =	vld [tilespmem:s12+$0xFFFFFF30]  }
0x114: {  	v16 =	vld [tilespmem:s1+$0xFFFFFF40]  }
0x115: {  	v17 =	vld [tilespmem:s9+$0xFFFFFE40]  }
0x116: {  	v6 =	vld [tilespmem:s12+$0xFFFFFF40]  }
0x117: {  	v18 =	vld [tilespmem:s1+$0xFFFFFF50]  }
0x118: {  	v19 =	vld [tilespmem:s9+$0xFFFFFE50]  }
0x119: {  	v4 =	vld [tilespmem:s12+$0xFFFFFF50]  }
0x11a: {  	v20 =	vld [tilespmem:s1+$0xFFFFFF60]  }
0x11b: {  	v23 =	vld [tilespmem:s9+$0xFFFFFE60]  }
0x11c: {  	v2 =	vld [tilespmem:s12+$0xFFFFFF60]  }
0x11d: {  	v24 =	vld [tilespmem:s1+$0xFFFFFF70]  }
0x11e: {  	v25 =	vld [tilespmem:s9+$0xFFFFFE70]  }
0x11f: {  	v14 =	vld [tilespmem:s9+$0xFFFFFE80]  }
0x120: {  	v35 =	vld [tilespmem:s1+$0xFFFFFF80]  }
0x121: {  	v36 =	vld [tilespmem:s9+$0xFFFFFF00]  }
0x122: {  	v22 =	vld [tilespmem:s12+$0xFFFFFF80]  }
0x123: {  	v37 =	vld [tilespmem:s1+$0xFFFFFF90]  }
0x124: {  	v26 =	vld [tilespmem:s9+$0xFFFFFF10];
	v1 =	vadd.f32 v12, v1  }
0x125: {  	v15 =	vld [tilespmem:s12+$0xFFFFFF90];
	v5 =	vadd.f32 v21, v5  }
0x126: {  	v27 =	vld [tilespmem:s1+$0xFFFFFFA0];
	v0 =	vmul.f32 v1, v0  }
0x127: {  	v28 =	vld [tilespmem:s9+$0xFFFFFF20];
	v9 =	vadd.f32 v10, v9;
	v3 =	vmul.f32 v5, v3  }
0x128: {  	v42 =	vld [tilespmem:s1+$0xFFFFFFB0];
	(xrf2) =	vadd.scan.msk.f32 $0xffff, v0  }
0x129: {  	v45 =	vld [tilespmem:s9+$0xFFFFFF30];
	v38 =	vadd.f32 v8, v13;
	v7 =	vmul.f32 v9, v7;
	(xrf2) =	vadd.scan.msk.f32 $0xffff, v3  }
0x12a: {  	v47 =	vld [tilespmem:s1+$0xFFFFFFC0];
	v17 =	vadd.f32 v6, v17  }
0x12b: {  	v51 =	vld [tilespmem:s9+$0xFFFFFF40];
	v40 =	vadd.f32 v4, v19;
	v39 =	vmul.f32 v38, v11;
	(xrf2) =	vadd.scan.msk.f32 $0xffff, v7  }
0x12c: {  	v1 =	vld [tilespmem:s12+$0xFFFFFF70];
	v41 =	vmul.f32 v17, v16  }
0x12d: {  	v55 =	vld [tilespmem:s9+$0xFFFFFF50];
	v44 =	vmul.f32 v40, v18;
	(xrf2) =	vadd.scan.msk.f32 $0xffff, v39  }
0x12e: {  	v13 =	vld [tilespmem:s12+$0xFFFFFFA0];
	(xrf2) =	vadd.scan.msk.f32 $0xffff, v41  }
0x12f: {  	v11 =	vld [tilespmem:s12+$0xFFFFFFB0];
	(xrf2) =	vadd.scan.msk.f32 $0xffff, v44  }
0x130: {  	v50 =	vadd.f32 v2, v23;
	v9 =	vld [tilespmem:s12+$0xFFFFFFC0];
	v5 =	vadd.f32 v22, v36  }
0x131: {  	v31 =	vld [tilespmem:s9+$0xFFFFFF60];
	v25 =	vadd.f32 v1, v25  }
0x132: {  	v57 =	vadd.f32 v15, v26;
	v52 =	vmul.f32 v50, v20;
	v0 =	vmul.f32 v5, v35;
	v5 =	vld [tilespmem:s12+$0xFFFFFFE0];
	v43, _, _ =	vpop (xrf2)  }
0x133: {  	v28 =	vadd.f32 v13, v28;
	v7 =	vld [tilespmem:s12+$0xFFFFFFD0];
	v24 =	vmul.f32 v25, v24;
	v46 =	vadd.f32 $0.0e+00, v43;
	v49, _, _ =	vpop (xrf2)  }
0x134: {  	v58 =	vld [tilespmem:s1+$0xFFFFFFE0];
	v3 =	vmul.f32 v57, v37;
	v18 =	vadd.f32 v11, v45;
	(xrf2) =	vadd.scan.msk.f32 $0xffff, v52;
	v29 =	vadd.f32 $0.0e+00, v49  }
0x135: {  	v53 =	vld [tilespmem:s1+$0xFFFFFFD0];
	v62 =	vmul.f32 v28, v27;
	v35 =	vadd.f32 v9, v51;
	v56, _, _ =	vpop (xrf2);
	(xrf2) =	vadd.scan.msk.f32 $0xffff, v24;
	v48 =	vmul.f32 $1.442695020e+00, v46  }
0x136: {  	v63 =	vld [tilespmem:s1+$0xFFFFFFF0];
	v16 =	vmul.f32 v18, v42;
	(xrf2) =	vadd.scan.msk.f32 $0xffff, v0;
	v54 =	vmul.f32 $1.442695020e+00, v29  }
0x137: {  	v36 =	vld [tilespmem:s9+$0xFFFFFF70];
	v38 =	vmul.f32 v35, v47;
	v50 =	vadd.f32 v5, v31;
	v59, _, _ =	vpop (xrf2);
	v30 =	vbroadcast v48, $0xF  }
0x138: {  	v47 =	vadd.f32 v7, v55;
	v29 =	vadd.f32 $0.0e+00, v56;
	v61, _, _ =	vpop (xrf2);
	(xrf2) =	vadd.scan.msk.f32 $0xffff, v3;
	v3 =	vld [tilespmem:s12+$0xFFFFFFF0];
	v20 =	vbroadcast v54, $0xF  }
0x139: {  	v42 =	vld [tilespmem:s9+$0x0];
	v26 =	vmul.f32 v50, v58;
	v33 =	vadd.f32 $0.0e+00, v61;
	v34, _, _ =	vpop (xrf2);
	(xrf2) =	vadd.scan.msk.f32 $0xffff, v62;
	(erf) = vpow2.f32 v30  }
0x13a: {  	v60 =	vmul.f32 $1.442695020e+00, v29;
	v30 =	vld [tilespmem:s12+$0x0];
	(erf) = vpow2.f32 v20;
	v20 =	vadd.f32 $0.0e+00, v59  }
0x13b: {  	v39 =	vld [tilespmem:s1+$0x0];
	v29 =	vadd.f32 $0.0e+00, v34;
	(xrf2) =	vadd.scan.msk.f32 $0xffff, v16;
	v16 =	vmul.f32 v47, v53;
	v37 =	vmul.f32 $1.442695020e+00, v33  }
0x13c: {  	v27 =	vld [tilespmem:s12+$0x10];
	v24 =	vbroadcast v60, $0xF;
	v20 =	vmul.f32 $1.442695020e+00, v20  }
0x13d: {  	v48 =	vld [tilespmem:s9+$0x10];
	(xrf2) =	vadd.scan.msk.f32 $0xffff, v38;
	v41 =	vmul.f32 $1.442695020e+00, v29;
	v0 =	vbroadcast v37, $0xF;
	v51 =	vadd.f32 v3, v36  }
0x13e: {  	v32 =	vld [tilespmem:s1+$0x20];
	v12 =	vadd.f32 v14, v12;
	(erf) = vpow2.f32 v24;
	v43, _, _ =	vpop (xrf2);
	v40 =	vbroadcast v20, $0xF  }
0x13f: {  	v19 =	vld [tilespmem:s12+$0x40];
	v44 =	vbroadcast v41, $0xF;
	v54 =	vmul.f32 v51, v63;
	v45, _, _ =	vpop (xrf2);
	v29 =	vadd.f32 v30, v42  }
0x140: {  	v20 =	vld [tilespmem:s1+$0x10];
	v46 =	vadd.f32 $0.0e+00, v43;
	v49 =	vadd.f32 $0.0e+00, v45;
	v52, _, _ =	vpop (xrf2);
	(erf) = vpow2.f32 v40  }
0x141: {  	v14 =	vld [tilespmem:s12+$0x60];
	(xrf2) =	vadd.scan.msk.f32 $0xffff, v16;
	v23 =	vadd.f32 $0.0e+00, v52;
	v17 =	vmul.f32 v29, v39;
	(erf) = vpow2.f32 v0  }
0x142: {  	v35 =	vld [tilespmem:s9+$0x40];
	v25 =	vadd.f32 v27, v48;
	v53, _, _ =	vpop (xrf2);
	v0 =	vmul.f32 $1.442695020e+00, v46;
	v18 =	vmul.f32 $1.442695020e+00, v49  }
0x143: {  	v33 =	vld [tilespmem:s9+$0x20];
	(xrf2) =	vadd.scan.msk.f32 $0xffff, v26;
	v55 =	vadd.f32 $0.0e+00, v53;
	v56, _, _ =	vpop (xrf2);
	(erf) = vpow2.f32 v44;
	v58 =	vmul.f32 $1.442695020e+00, v23  }
0x144: {  	v60 =	vld [tilespmem:s9+$0x30];
	(xrf2) =	vadd.scan.msk.f32 $0xffff, v54;
	v28 =	vadd.f32 $0.0e+00, v56;
	v0 =	vbroadcast v0, $0xF;
	v18 =	vbroadcast v18, $0xF  }
0x145: {  	v24 =	vld [tilespmem:s12+$0x20];
	v59, _, _ =	vpop (xrf2);
	v61 =	vmul.f32 $1.442695020e+00, v55;
	v20 =	vmul.f32 v25, v20  }
0x146: {  	(xrf2) =	vadd.scan.msk.f32 $0xffff, v17;
	v23 =	vld [tilespmem:s12+$0x30];
	v41 =	vpop (erf);
	v62 =	vadd.f32 $0.0e+00, v59;
	v40 =	vmul.f32 $1.442695020e+00, v28;
	(erf) = vpow2.f32 v0  }
0x147: {  	v57 =	vld [tilespmem:s1+$0x30];
	v63, _, _ =	vpop (xrf2);
	v0 =	vbroadcast v58, $0xF;
	v42 =	vbroadcast v61, $0xF  }
0x148: {  	v35 =	vadd.f32 v19, v35;
	v34 =	vld [tilespmem:s1+$0x40];
	v37 =	vpop (erf);
	(erf) = vpow2.f32 v18;
	v18 =	vmul.f32 $1.442695020e+00, v62  }
0x149: {  	v38 =	vld [tilespmem:s1+$0x50];
	v17 =	vadd.f32 $0.0e+00, v63;
	v36 =	vpop (erf);
	v43 =	vbroadcast v40, $0xF;
	(erf) = vpow2.f32 v0  }
0x14a: {  	v39 =	vld [tilespmem:s9+$0x50];
	v45 =	vadd.f32 v24, v33;
	(erf) = vpow2.f32 v42;
	v18 =	vbroadcast v18, $0xF;
	v31 =	vpop (erf)  }
0x14b: {  	v44 =	vmul.f32 $1.442695020e+00, v17;
	v17 =	vld [tilespmem:s12+$0x50];
	v47 =	vadd.f32 v23, v60;
	(erf) = vpow2.f32 v43;
	v46, _, _ =	vpop (xrf2)  }
0x14c: {  	s13 =	sadd.s32 s11, s15;
	v29 =	vld [tilespmem:s1+$0x60];
	v32 =	vmul.f32 v45, v32;
	(xrf2) =	vadd.scan.msk.f32 $0xffff, v20;
	v28 =	vpop (erf);
	(erf) = vpow2.f32 v18;
	v18 =	vadd.f32 $0.0e+00, v46  }
0x14d: {  	p0 =	slt.u32 s13, $0x4E200;
	v54 =	vmul.f32 v35, v34;
	v55 =	vld [tilespmem:s9+$0x70];
	v51 =	vmul.f32 v47, v57;
	v48, _, _ =	vpop (xrf2)  }
0x14e: {  	v16 =	vpsel !p0, $0x0, v41;
	v45 =	vld [tilespmem:s12+$0x80];
	v0 =	vbroadcast v44, $0xF;
	(xrf2) =	vadd.scan.msk.f32 $0xffff, v32;
	v50, _, _ =	vpop (xrf2);
	v18 =	vmul.f32 $1.442695020e+00, v18  }
0x14f: {  	v56 =	vmul.f32 v12, v16;
	v40 =	vld [tilespmem:s9+$0x60];
	v49 =	vadd.f32 $0.0e+00, v48;
	v26 =	vpop (erf);
	(xrf2) =	vadd.scan.msk.f32 $0xffff, v51  }
0x150: {  	v12 =	vld [tilespmem:s12+$0x70];
	(erf) = vpow2.f32 v0;
	v59 =	vadd.f32 v17, v39;
	v52 =	vadd.f32 $0.0e+00, v50;
	v53, _, _ =	vpop (xrf2);
	(xrf2) =	vadd.scan.msk.f32 $0xffff, v54  }
0x151: {  	v57 =	vld [tilespmem:s9+$0x100];
	v0 =	vmul.f32 $1.442695020e+00, v49;
	v33 =	vadd.f32 $0.0e+00, v53;
	v20 =	vpop (erf);
	v41 =	vbroadcast v18, $0xF  }
0x152: {  	v44 =	vld [tilespmem:s1+$0x70];
	v61 =	vmul.f32 v59, v38;
	v25 =	vmul.f32 $1.442695020e+00, v52;
	v18 =	vpop (erf)  }
0x153: {  	v46 =	vld [tilespmem:s1+$0x80];
	v0 =	vbroadcast v0, $0xF;
	v33 =	vmul.f32 $1.442695020e+00, v33;
	v42 =	vpop (erf)  }
0x154: {  	v60 =	vadd.f32 v14, v40;
	(erf) = vpow2.f32 v41;
	v25 =	vbroadcast v25, $0xF;
	v43 =	vpop (erf)  }
0x155: {  	[tilespmem:s4+$0xFFFFFEF0] =	vst v56;
	v62 =	vadd.f32 v12, v55;
	(erf) = vpow2.f32 v0;
	v58 =	vbroadcast v33, $0xF;
	v41 =	vpop (erf)  }
0x156: {  	v63 =	vld [tilespmem:s9+$0xFFFFFE90];
	v47 =	vadd.f32 v45, v57;
	(erf) = vpow2.f32 v25;
	v25 =	vmul.f32 v60, v29;
	v49, _, _ =	vpop (xrf2)  }
0x157: {  	v48 =	vld [tilespmem:s9+$0xFFFFFF80];
	v50 =	vmul.f32 v62, v44;
	(xrf2) =	vadd.scan.msk.f32 $0xffff, v61;
	v39 =	vpop (erf);
	(erf) = vpow2.f32 v58  }
0x158: {  	v52 =	vmul.f32 v47, v46;
	v51, _, _ =	vpop (xrf2);
	(xrf2) =	vadd.scan.msk.f32 $0xffff, v25  }
0x159: {  	v53, _, _ =	vpop (xrf2);
	(xrf2) =	vadd.scan.msk.f32 $0xffff, v50  }
0x15a: {  	v56 =	vld [tilespmem:s9+$0x110];
	v54 =	vadd.f32 $0.0e+00, v49;
	v55, _, _ =	vpop (xrf2);
	(xrf2) =	vadd.scan.msk.f32 $0xffff, v52  }
0x15b: {  	v21 =	vadd.f32 v63, v21;
	v47 =	vld [tilespmem:s12+$0x90];
	v33 =	vpsel !p0, $0x0, v37;
	v57 =	vadd.f32 $0.0e+00, v51  }
0x15c: {  	v59 =	vld [tilespmem:s9+$0x80];
	v58 =	vadd.f32 v48, v22;
	v35 =	vpop (erf);
	v0 =	vmul.f32 $1.442695020e+00, v54;
	v40 =	vadd.f32 $0.0e+00, v53  }
0x15d: {  	v60 =	vld [tilespmem:s1+$0x90];
	v48 =	vmul.f32 v21, v33;
	v34 =	vmul.f32 $1.442695020e+00, v57;
	v44 =	vadd.f32 $0.0e+00, v55;
	v32 =	vpop (erf)  }
0x15e: {  	v0 =	vbroadcast v0, $0xF;
	v62 =	vmul.f32 $1.442695020e+00, v40;
	v25 =	vpop (erf)  }
0x15f: {  	v29 =	vpsel !p0, $0x0, v42;
	v34 =	vbroadcast v34, $0xF;
	v53 =	vmul.f32 $1.442695020e+00, v44;
	v22 =	vpop (erf)  }
0x160: {  	v63 =	vadd.f32 v47, v56;
	(erf) = vpow2.f32 v0;
	v0 =	vbroadcast v62, $0xF;
	v61 =	vpop (erf)  }
0x161: {  	v30 =	vadd.f32 v59, v30;
	(erf) = vpow2.f32 v34;
	v34 =	vbroadcast v53, $0xF;
	v52, _, _ =	vpop (xrf2)  }
0x162: {  	v40 =	vmul.f32 v63, v60;
	(erf) = vpow2.f32 v0;
	v54, _, _ =	vpop (xrf2);
	v55 =	vadd.f32 $0.0e+00, v52  }
0x163: {  	v49 =	vld [tilespmem:s12+$0xA0];
	v37 =	vmul.f32 v58, v29;
	(erf) = vpow2.f32 v34;
	v38 =	vadd.f32 $0.0e+00, v54;
	v56, _, _ =	vpop (xrf2)  }
0x164: {  	v51 =	vld [tilespmem:s1+$0xB0];
	v21 =	vpsel !p0, $0x0, v61;
	(xrf2) =	vadd.scan.msk.f32 $0xffff, v40;
	v57 =	vmul.f32 $1.442695020e+00, v55;
	v58 =	vadd.f32 $0.0e+00, v56;
	v59, _, _ =	vpop (xrf2)  }
0x165: {  	[tilespmem:s4+$0xFFFFFF00] =	vst v48;
	v60 =	vld [tilespmem:s9+$0x120];
	v30 =	vmul.f32 v30, v21;
	v61 =	vmul.f32 $1.442695020e+00, v38;
	v62 =	vadd.f32 $0.0e+00, v59  }
0x166: {  	[tilespmem:s4+$0xFFFFFF78] =	vst v37;
	v63 =	vld [tilespmem:s1+$0xA0];
	v0 =	vbroadcast v57, $0xF;
	v37 =	vmul.f32 $1.442695020e+00, v58  }
0x167: {  	v46 =	vld [tilespmem:s9+$0xFFFFFF90];
	[tilespmem:s4+$0x0] =	vst v30;
	v34 =	vbroadcast v61, $0xF;
	v30 =	vmul.f32 $1.442695020e+00, v62  }
0x168: {  	v48 =	vld [tilespmem:s9+$0xFFFFFEA0];
	(erf) = vpow2.f32 v0;
	v37 =	vbroadcast v37, $0xF  }
0x169: {  	v44 =	vld [tilespmem:s12+$0xC0];
	(erf) = vpow2.f32 v34;
	v30 =	vbroadcast v30, $0xF  }
0x16a: {  	v53 =	vld [tilespmem:s1+$0xC0];
	v40 =	vadd.f32 v49, v60;
	(erf) = vpow2.f32 v37  }
0x16b: {  	v52 =	vld [tilespmem:s12+$0xB0];
	(erf) = vpow2.f32 v30  }
0x16c: {  	v46 =	vadd.f32 v46, v15;
	v15 =	vld [tilespmem:s12+$0xF0];
	v54 =	vpop (erf);
	v0 =	vmul.f32 v40, v63  }
0x16d: {  	v56 =	vpop (erf);
	v34 =	vld [tilespmem:s9+$0x130]  }
0x16e: {  	v55 =	vld [tilespmem:s9+$0x140];
	(xrf2) =	vadd.scan.msk.f32 $0xffff, v0;
	v42, _, _ =	vpop (xrf2)  }
0x16f: {  	v38 =	vld [tilespmem:s9+$0x180];
	v57 =	vpop (erf);
	v30 =	vadd.f32 $0.0e+00, v42  }
0x170: {  	v59 =	vld [tilespmem:s9+$0x150];
	v58 =	vpop (erf)  }
0x171: {  	v50 =	vld [tilespmem:s9+$0x90];
	v60 =	vmul.f32 $1.442695020e+00, v30;
	v42 =	vpop (erf)  }
0x172: {  	v61 =	vld [tilespmem:s1+$0xE0];
	v34 =	vadd.f32 v52, v34;
	v37 =	vpop (erf)  }
0x173: {  	v62 =	vld [tilespmem:s9+$0x160];
	v60 =	vbroadcast v60, $0xF;
	v30 =	vpop (erf)  }
0x174: {  	v40 =	vld [tilespmem:s12+$0xD0];
	v45 =	vadd.f32 v38, v45;
	v34 =	vmul.f32 v34, v51;
	v63 =	vpop (erf)  }
0x175: {  	v0 =	vld [tilespmem:s1+$0xD0];
	(erf) = vpow2.f32 v60;
	v63 =	vpsel !p0, $0x0, v63  }
0x176: {  	v38 =	vld [tilespmem:s12+$0xE0];
	v45 =	vmul.f32 v45, v63  }
0x177: {  	v51 =	vld [tilespmem:s9+$0x170]  }
0x178: {  	v43 =	vpsel !p0, $0x0, v43;
	(xrf2) =	vadd.scan.msk.f32 $0xffff, v34;
	v60 =	vld [tilespmem:s1+$0xF0];
	v34, _, _ =	vpop (xrf2);
	[tilespmem:s4+$0x88] =	vst v45  }
0x179: {  	v46 =	vmul.f32 v46, v43;
	v34 =	vadd.f32 $0.0e+00, v34;
	v45 =	vld [tilespmem:s9+$0x190];
	_ =	sdelay $0x1  }
0x17a: {  	v10 =	vadd.f32 v48, v10;
	[tilespmem:s4+$0xFFFFFF88] =	vst v46;
	v34 =	vmul.f32 $1.442695020e+00, v34  }
0x17b: {  	v36 =	vpsel !p0, $0x0, v36;
	v48 =	vld [tilespmem:s9+$0xFFFFFFA0];
	v46 =	vadd.f32 v50, v27  }
0x17c: {  	v10 =	vmul.f32 v10, v36;
	v27 =	vpsel !p0, $0x0, v54;
	v34 =	vbroadcast v34, $0xF  }
0x17d: {  	v54 =	vadd.f32 v44, v55;
	v46 =	vmul.f32 v46, v27;
	v50 =	vpop (erf);
	v45 =	vadd.f32 v45, v47  }
0x17e: {  	[tilespmem:s4+$0xFFFFFF10] =	vst v10;
	(erf) = vpow2.f32 v34;
	v10 =	vpsel !p0, $0x0, v50  }
0x17f: {  	v55 =	vmul.f32 v54, v53;
	[tilespmem:s4+$0x10] =	vst v46;
	v34 =	vld [tilespmem:s9+$0xFFFFFEB0];
	v45 =	vmul.f32 v45, v10  }
0x180: {  	v13 =	vadd.f32 v48, v13;
	v48 =	vld [tilespmem:s9+$0xA0]  }
0x181: {  	v41 =	vpsel !p0, $0x0, v41;
	(xrf2) =	vadd.scan.msk.f32 $0xffff, v55;
	v50, _, _ =	vpop (xrf2);
	[tilespmem:s4+$0x98] =	vst v45  }
0x182: {  	v13 =	vmul.f32 v13, v41;
	v53 =	vadd.f32 $0.0e+00, v50;
	v54 =	vld [tilespmem:s9+$0x1A0];
	_ =	sdelay $0x1  }
0x183: {  	[tilespmem:s4+$0xFFFFFF98] =	vst v13;
	v8 =	vadd.f32 v34, v8;
	v45 =	vmul.f32 $1.442695020e+00, v53  }
0x184: {  	v31 =	vpsel !p0, $0x0, v31;
	v55 =	vld [tilespmem:s9+$0xFFFFFFB0];
	v24 =	vadd.f32 v48, v24  }
0x185: {  	v13 =	vpsel !p0, $0x0, v56;
	v8 =	vmul.f32 v8, v31;
	v45 =	vbroadcast v45, $0xF  }
0x186: {  	v24 =	vmul.f32 v24, v13;
	v48 =	vpop (erf);
	v46 =	vadd.f32 v54, v49;
	v49 =	vadd.f32 v40, v59  }
0x187: {  	[tilespmem:s4+$0xFFFFFF20] =	vst v8;
	(erf) = vpow2.f32 v45;
	v8 =	vpsel !p0, $0x0, v48  }
0x188: {  	[tilespmem:s4+$0x20] =	vst v24;
	v50 =	vld [tilespmem:s9+$0xFFFFFEC0];
	v0 =	vmul.f32 v49, v0;
	v54 =	vmul.f32 v46, v8  }
0x189: {  	v11 =	vadd.f32 v55, v11;
	v53 =	vld [tilespmem:s9+$0xB0]  }
0x18a: {  	v39 =	vpsel !p0, $0x0, v39;
	v55, _, _ =	vpop (xrf2);
	(xrf2) =	vadd.scan.msk.f32 $0xffff, v0;
	[tilespmem:s4+$0xA8] =	vst v54  }
0x18b: {  	v11 =	vmul.f32 v11, v39;
	v0 =	vadd.f32 $0.0e+00, v55;
	v45 =	vld [tilespmem:s9+$0x1B0];
	_ =	sdelay $0x1  }
0x18c: {  	[tilespmem:s4+$0xFFFFFFA8] =	vst v11;
	v6 =	vadd.f32 v50, v6;
	v0 =	vmul.f32 $1.442695020e+00, v0  }
0x18d: {  	v24 =	vpsel !p0, $0x0, v28;
	v56 =	vld [tilespmem:s9+$0xFFFFFFC0];
	v23 =	vadd.f32 v53, v23  }
0x18e: {  	v11 =	vpsel !p0, $0x0, v57;
	v6 =	vmul.f32 v6, v24;
	v0 =	vbroadcast v0, $0xF  }
0x18f: {  	v48 =	vadd.f32 v38, v62;
	v23 =	vmul.f32 v23, v11;
	v59 =	vpop (erf);
	v57 =	vadd.f32 v45, v52  }
0x190: {  	[tilespmem:s4+$0xFFFFFF30] =	vst v6;
	v6 =	vpsel !p0, $0x0, v59;
	(erf) = vpow2.f32 v0  }
0x191: {  	[tilespmem:s4+$0x30] =	vst v23;
	v50 =	vmul.f32 v48, v61;
	v34 =	vmul.f32 v57, v6  }
0x192: {  	v9 =	vadd.f32 v56, v9;
	v52 =	vld [tilespmem:s9+$0xC0]  }
0x193: {  	v35 =	vpsel !p0, $0x0, v35;
	(xrf2) =	vadd.scan.msk.f32 $0xffff, v50;
	v49 =	vld [tilespmem:s9+$0xFFFFFED0];
	v53, _, _ =	vpop (xrf2);
	[tilespmem:s4+$0xB8] =	vst v34  }
0x194: {  	v9 =	vmul.f32 v9, v35;
	v23 =	vadd.f32 $0.0e+00, v53;
	v34 =	vld [tilespmem:s9+$0x1C0];
	_ =	sdelay $0x1  }
0x195: {  	[tilespmem:s4+$0xFFFFFFB8] =	vst v9;
	v23 =	vmul.f32 $1.442695020e+00, v23  }
0x196: {  	v56 =	vld [tilespmem:s9+$0xFFFFFFD0];
	v54 =	vpsel !p0, $0x0, v26;
	v57 =	vadd.f32 v15, v51;
	v55 =	vadd.f32 v52, v19  }
0x197: {  	v26 =	vpsel !p0, $0x0, v58;
	v0 =	vadd.f32 v49, v4;
	v23 =	vbroadcast v23, $0xF  }
0x198: {  	v58 =	vmul.f32 v57, v60;
	v9 =	vmul.f32 v55, v26;
	v60 =	vpop (erf);
	v59 =	vadd.f32 v34, v44  }
0x199: {  	v0 =	vmul.f32 v0, v54;
	(erf) = vpow2.f32 v23;
	v23 =	vpsel !p0, $0x0, v60  }
0x19a: {  	[tilespmem:s4+$0x40] =	vst v9;
	v44 =	vmul.f32 v59, v23  }
0x19b: {  	v7 =	vadd.f32 v56, v7;
	(xrf2) =	vadd.scan.msk.f32 $0xffff, v58;
	[tilespmem:s4+$0xFFFFFF40] =	vst v0;
	v62 =	vld [tilespmem:s9+$0xD0]  }
0x19c: {  	v16 =	vnsel vm0, $0x0, v16;
	v18 =	vpsel !p0, $0x0, v18;
	v45 =	vpsel !p0, $0x0, v32;
	v46, _, _ =	vpop (xrf2);
	v61 =	vld [tilespmem:s9+$0xFFFFFEE0];
	[tilespmem:s4+$0xC8] =	vst v44  }
0x19d: {  	v16 =	vsel vm1, v16, v33;
	v47 =	vmul.f32 v7, v45;
	v49 =	vadd.f32 $0.0e+00, v46;
	v50 =	vld [tilespmem:s9+$0x1D0]  }
0x19e: {  	v48 =	vsel vm2, v16, v36;
	v36 =	vpsel !p0, $0x0, v37;
	v56 =	vnsel vm0, $0x0, v29  }
0x19f: {  	v7 =	vsel vm3, v48, v31;
	v31 =	vmov s11;
	[tilespmem:s4+$0xFFFFFFC8] =	vst v47;
	v16 =	vmul.f32 $1.442695020e+00, v49  }
0x1a0: {  	v51 =	vpsel !p0, $0x0, v20;
	v7 =	vsel vm4, v7, v24;
	v53 =	vld [tilespmem:s9+$0xFFFFFFE0];
	v52 =	vadd.f32 v62, v17  }
0x1a1: {  	v19 =	vpsel !p0, $0x0, v42;
	v55 =	vbroadcast v16, $0xF;
	v2 =	vadd.f32 v61, v2  }
0x1a2: {  	v4 =	vsel vm5, v7, v54;
	v54 =	vmul.f32 v52, v19;
	v57 =	vadd.f32 v50, v40;
	v58 =	vpop (erf)  }
0x1a3: {  	(erf) = vpow2.f32 v55;
	v2 =	vmul.f32 v2, v51;
	v9 =	vpsel !p0, $0x0, v58  }
0x1a4: {  	v0 =	vsel vm6, v4, v51;
	v49 =	vnsel vm0, $0x0, v63;
	[tilespmem:s4+$0x50] =	vst v54;
	v4 =	vmul.f32 v57, v9  }
0x1a5: {  	v0 =	vsel vm7, v0, v18;
	v10 =	vsel vm1, v49, v10;
	v5 =	vadd.f32 v53, v5;
	v61, _, _ =	vpop (xrf2);
	[tilespmem:s4+$0xFFFFFF50] =	vst v2;
	v60 =	vld [tilespmem:s9+$0xE0]  }
0x1a6: {  	v8 =	vsel vm2, v10, v8;
	v62 =	vpsel !p0, $0x0, v25;
	v17 =	vadd.f32 $0.0e+00, v61;
	v59 =	vld [tilespmem:s9+$0xFFFFFEF0];
	[tilespmem:s4+$0xD8] =	vst v4  }
0x1a7: {  	v55 =	vsel vm3, v8, v6;
	v5 =	vmul.f32 v5, v62;
	v2 =	vsel vm1, v56, v43;
	v32 =	vld [tilespmem:s9+$0x1E0]  }
0x1a8: {  	s21 =	sadd.s32 $0x1, s11;
	v43 =	vnsel vm0, $0x0, v21;
	v2 =	vsel vm2, v2, v41;
	v17 =	vmul.f32 $1.442695020e+00, v17  }
0x1a9: {  	v52 =	vpsel !p0, $0x0, v30;
	v41 =	vmov s21;
	v2 =	vsel vm3, v2, v39  }
0x1aa: {  	v2 =	vsel vm4, v2, v35;
	v35 =	vbroadcast v17, $0xF;
	v33 =	vadd.f32 v60, v14  }
0x1ab: {  	v29 =	vld [tilespmem:$0x1FFF0];
	[tilespmem:s4+$0xFFFFFFD8] =	vst v5;
	v7 =	vsel vm1, v43, v27;
	v39 =	vpsel !p0, $0x0, v22;
	v1 =	vadd.f32 v59, v1  }
0x1ac: {  	v34 =	vld [tilespmem:s9+$0xFFFFFFF0];
	v37 =	vpop (erf);
	(erf) = vpow2.f32 v35;
	v5 =	vmul.f32 v33, v36;
	v40 =	vadd.f32 v32, v38  }
0x1ad: {  	v42 =	vmul.u32 $0x88, v41;
	v4 =	vmul.u32 $0x88, v31;
	v14 =	vpsel !p0, $0x0, v37  }
0x1ae: {  	s21 =	sadd.s32 $0x2, s11;
	v7 =	vsel vm2, v7, v13;
	v1 =	vmul.f32 v1, v18;
	[tilespmem:s4+$0x60] =	vst v5;
	v18 =	vmul.f32 v40, v14  }
0x1af: {  	v2 =	vsel vm5, v2, v45;
	v45 =	vmov s21;
	s21 =	sadd.s32 $0x3, s11;
	v4 =	vbroadcast v4, $0x0;
	v44 =	vld [tilespmem:s9+$0xF0]  }
0x1b0: {  	v46 =	vmul.u32 $0x88, v45;
	v48 =	vmov s21;
	v5 =	vbroadcast v42, $0x0;
	[tilespmem:s4+$0xE8] =	vst v18  }
0x1b1: {  	v17 =	vmul.u32 $0x88, v48;
	v3 =	vadd.f32 v34, v3;
	v4 =	vadd.s32 v29, v4;
	v47 =	vld [tilespmem:s9+$0x1F0]  }
0x1b2: {  	v7 =	vsel vm3, v7, v11;
	v13 =	vbroadcast v46, $0x0;
	v5 =	vadd.s32 v29, v5  }
0x1b3: {  	v50 =	vsel vm4, v7, v26;
	v54 =	vbroadcast v17, $0x0;
	v3 =	vmul.f32 v3, v39  }
0x1b4: {  	v2 =	vsel vm6, v2, v62;
	v53 =	vadd.s32 v29, v13;
	[tilespmem:s4+$0xFFFFFF60] =	vst v1;
	v51 =	vadd.f32 v44, v12  }
0x1b5: {  	v2 =	vsel vm7, v2, v39;
	v1 =	vsel vm5, v50, v19;
	v58 =	vadd.s32 v29, v54;
	[tilespmem:s4+$0xFFFFFFE8] =	vst v3;
	v56 =	vpop (erf)  }
0x1b6: {  	[tilespmem:v4+s30+$0x0] =	vst.idx.msk $0xff, v0;
	v60 =	vpsel !p0, $0x0, v56;
	p0 =	slt.u32 s11, $0x1C;
	v7 =	vmul.f32 v51, v52;
	v57 =	vadd.f32 v47, v15  }
.Ltmp1:
0x1b7: {  	v59 =	vsel vm4, v55, v23;
	v1 =	vsel vm6, v1, v36;
	[tilespmem:v5+s30+$0x0] =	vst.idx.msk $0xff, v2;
	(pc) =	sbr.rel @p0 .LBB2_5-.Ltmp1, $4  }
0x1b8: {  	v61 =	vsel vm5, v59, v9;
	v0 =	vsel vm7, v1, v52;
	[tilespmem:s4+$0x70] =	vst v7;
	v62 =	vmul.f32 v57, v60  }
0x1b9: {  	v63 =	vsel vm6, v61, v14;
	[tilespmem:v53+s30+$0x0] =	vst.idx.msk $0xff, v0  }
0x1ba: {  	s12 =	sadd.s32 $0x200, s12;
	s1 =	sadd.s32 $0x200, s1;
	v0 =	vsel vm7, v63, v60;
	[tilespmem:s4+$0xF8] =	vst v62  }
0x1bb: {  	s11 =	sadd.s32 $0x4, s11;
	s9 =	sadd.s32 $0x400, s9;
	s4 =	sadd.s32 $0x220, s4;
	[tilespmem:v58+s30+$0x0] =	vst.idx.msk $0xff, v0  }
0x1bc: {  	s10 =	sadd.s32 $0x1, s10  }
0x1bd: {  	p0 =	sne.s32 s10, $0xA0  }
.Ltmp2:
0x1be: {  	_ = 	snop;
	(pc) =	sbr.rel @p0 .LBB2_2-.Ltmp2, $4  }
0x1bf: {  	[spmem:s3] =	stream.indirect.scatter.add.f32 [tilespmem:s30], [sflag:$0x3], $0x88, s26, s18, $0xb8;
	[tilespmem:$0x1E580] =	vst v63  }
0x1c0: {  	_ =	swait.ge [sflag:s16], $0x1100  }
0x1c1: {  	[sflag:s16] =	ssyncset.done $0x0  }
0x1c2: {  	s14 =	sadd.s32 $0x40, s14;
	s15 =	sadd.s32 $0x40, s15;
	[sflag:s16] =	ssyncadd.s32 $0xFFFFEF00  }
0x1c3: {  	_ =	swait.ge [sflag:s23], $0x1000  }
0x1c4: {  	[sflag:s23] =	ssyncset.done $0x0  }
0x1c5: {  	[sflag:s23] =	ssyncadd.s32 $0xFFFFF000  }
0x1c6: {  	_ =	swait.ge [sflag:s23], $0x1000  }
0x1c7: {  	[sflag:s23] =	ssyncset.done $0x0  }
0x1c8: {  	[sflag:s23] =	ssyncadd.s32 $0xFFFFF000  }
0x1c9: {  	_ =	swait.ge [sflag:s23], $0x2000  }
0x1ca: {  	[sflag:s23] =	ssyncset.done $0x0  }
0x1cb: {  	[sflag:s23] =	ssyncadd.s32 $0xFFFFE000  }
0x1cc: {  	[bflag:$0x0] =	sbarrier.arrive $0xFFFF  }
0x1cd: {  	s1 =	rddreg [dreg:$0x7]  }
0x1ce: {  	s9 =	rddreg [dreg:$0xb]  }
0x1cf: {  	[hbm:s1], [sflag:s22] =	dma.local [spmem:s9], $0x2A80  }
0x1d0: {  	_ =	swait.ge [sflag:s16], $0x2A80  }
0x1d1: {  	s10 =	smov.u32 s22;
	s0 =	sadd.s32 $0x1, s0;
	s22 =	rddreg [dreg:$0x8]  }
0x1d2: {  	p0 =	sne.s32 s0, s22  }
.Ltmp3:
0x1d3: {  	_ = 	snop;
	(pc) =	sbr.rel @p0 .LBB2_1-.Ltmp3, $3  }
0x1d4: {  	_ =	sdelay $0x1  }
0x1d5: {  	[sflag:s16] =	ssyncset.done $0x0  }
0x1d6: {  	[sflag:s16] =	ssyncadd.s32 $0xFFFFD580  }
0x1d7: {  	_ =	sfence.sel $0x180000  }
0x1d8: {  	[bflag:$0x0] =	sbarrier.arrive $0xFFFF  }
0x1d9: {  	_ =	strace $0x90000047  }
0x1da: {  	s0 =	stileid.u32;
	[bflag:$0x2] =	sbarrier.arrive $0xFFFF  }
0x1db: {  	p0 =	sne.s32 s0, $0x0;
	s0 =	rddreg [dreg:$0x3]  }
0x1dc: {  	s0 =	sadd.s32 @!p0 $0x100000, s0  }
0x1dd: {  	[sflag:s0] =	ssyncadd.tile.s32 @!p0 $0x1;
	_ =	shalt  }
.Lfunc_end2:
_tile_overlayer_lowered:
.L_overlay_start_2:
0x1de: {  	(tag) =	ssettag $0x2  }
0x1df: {  	s0 =	rddreg [dreg:$0x0];
	s2 =	stileid.u32  }
0x1e0: {  	s1 =	rddreg [dreg:$0x1];
	p0 =	sne.s32 s2, $0x0  }
0x1e1: {  	s3 =	rddreg [dreg:$0x2];
	[bflag:$0x3] =	sbarrier.arrive $0xFFFF;
	s2 =	simm.s32 @!p0 $0x1C03  }
0x1e2: {  	[timem:s3], [sflag:s2] =	dma.local @!p0 [hbm:s0], s1  }
0x1e3: {  	s0 =	simm.s32 @!p0 $0x3  }
0x1e4: {  	_ =	swait.ge @!p0 [sflag:s0], s1  }
0x1e5: {  	s1 =	ssub.s32 @!p0 $0x0, s1;
	[sflag:s0] =	ssyncset.done @!p0 $0x0  }
0x1e6: {  	[sflag:s0] =	ssyncadd.s32 @!p0 s1  }
0x1e7: {  	[bflag:$0x3] =	sbarrier.arrive $0xFFFF  }
0x1e8: {  	_ =	shalt  }

</sc_bundles>
